<compile_context>
chip_gen: v7x
topology: tpu7x:2x2x1
jax: 0.10.2.dev20260603
libtpu: 0.0.44.dev20260713+nightly
codegen_flags: <defaults>
</compile_context>

<pallas_src>
import functools

import jax
import jax.numpy as jnp
from jax import lax
from jax.experimental import pallas as pl
from jax.experimental.pallas import tpu as pltpu
from jax.experimental.pallas import tpu_sc as plsc

N, C, H, W = 5000, 64, 14, 14
OUT = 7
S = 2 * OUT
FHW = H * W
FSZ = C * FHW
OSZ = C * 64
FPAD = FSZ + 16
OPAD = OSZ

NWORK = 32
RPW = 158
NPAIR = RPW // 2
BBOX_PAD = NWORK * RPW

_GATHER_DNUMS = lax.GatherDimensionNumbers(
    offset_dims=(), collapsed_slice_dims=(0,), start_index_map=(0,))


def _take(v, idx):
    return lax.gather(v, idx[:, None], _GATHER_DNUMS, slice_sizes=(1,),
                      mode=lax.GatherScatterMode.PROMISE_IN_BOUNDS)


def _roi_align_sc(feature_flat, bbox_flat):
    mesh = plsc.VectorSubcoreMesh(core_axis_name="c", subcore_axis_name="s")

    @functools.partial(
        pl.kernel,
        mesh=mesh,
        out_type=jax.ShapeDtypeStruct((N * OSZ,), jnp.float32),
        scratch_types=[
            pltpu.VMEM((RPW * 4 + 16,), jnp.float32),
            pltpu.VMEM((FPAD,), jnp.float32),
            pltpu.VMEM((FPAD,), jnp.float32),
            pltpu.VMEM((OPAD,), jnp.float32),
            pltpu.VMEM((OPAD,), jnp.float32),
            pltpu.SemaphoreType.DMA,
            pltpu.SemaphoreType.DMA,
            pltpu.SemaphoreType.DMA,
            pltpu.SemaphoreType.DMA,
        ],
    )
    def k(feat_hbm, bbox_hbm, out_hbm, bbox_v,
          fbuf_a, fbuf_b, obuf_a, obuf_b,
          sem_ia, sem_ib, sem_oa, sem_ob):
        wid = lax.axis_index("s") * 2 + lax.axis_index("c")
        base = wid * RPW
        pltpu.sync_copy(bbox_hbm.at[pl.ds(base * 4, RPW * 4)],
                        bbox_v.at[pl.ds(0, RPW * 4)])

        lanei = lax.iota(jnp.int32, 16)
        lanef = lanei.astype(jnp.float32)
        lane7 = lanei < OUT
        porder = jnp.where(lane7, 2 * lanei,
                           jnp.where(lanei < S, 2 * lanei - 13, 0))
        shiftidx = jnp.minimum(lanei + OUT, 15)
        combidx = jnp.maximum(lanei - OUT, 0)
        frac = (lanef + 0.5) * (1.0 / S)

        def start_in(i, fbuf, sem):
            n = base + i

            @pl.when(n < N)
            def _():
                pltpu.async_copy(feat_hbm.at[pl.ds(n * FSZ, FSZ)],
                                 fbuf.at[pl.ds(0, FSZ)], sem)

        def process(i, fbuf, obuf, sem_i, sem_o):
            n = base + i

            @pl.when(n < N)
            def _():
                pltpu.make_async_copy(feat_hbm.at[pl.ds(0, FSZ)],
                                      fbuf.at[pl.ds(0, FSZ)], sem_i).wait()
                bbv = bbox_v[pl.ds(i * 4, 16)]
                x1 = bbv[0]
                y1 = bbv[1]
                x2 = bbv[2]
                y2 = bbv[3]
                xs = x1 + frac * (x2 - x1)
                x0i = xs.astype(jnp.int32)
                fx = xs - x0i.astype(jnp.float32)
                xp0 = _take(x0i, porder)
                xp1 = xp0 + 1
                fxp = _take(fx, porder)
                ysv = y1 + frac * (y2 - y1)
                y0iv = ysv.astype(jnp.int32)
                fyv = ysv - y0iv.astype(jnp.float32)
                ys_scal = [(y0iv[sy], fyv[sy]) for sy in range(S)]

                @plsc.parallel_loop(0, C, unroll=2)
                def cbody(c):
                    cbase = c * FHW
                    cob = c * 64
                    os = []
                    for oy in range(OUT):
                        y0a, fya = ys_scal[2 * oy]
                        y0b, fyb = ys_scal[2 * oy + 1]
                        a0 = fbuf[pl.ds(cbase + y0a * W, 16)]
                        a1 = fbuf[pl.ds(cbase + y0a * W + W, 16)]
                        ra = a0 + fya * (a1 - a0)
                        b0 = fbuf[pl.ds(cbase + y0b * W, 16)]
                        b1 = fbuf[pl.ds(cbase + y0b * W + W, 16)]
                        rb = b0 + fyb * (b1 - b0)
                        ga0 = _take(ra, xp0)
                        ga1 = _take(ra, xp1)
                        va = ga0 + fxp * (ga1 - ga0)
                        gb0 = _take(rb, xp0)
                        gb1 = _take(rb, xp1)
                        vb = gb0 + fxp * (gb1 - gb0)
                        m = jnp.maximum(va, vb)
                        os.append(jnp.maximum(m, _take(m, shiftidx)))
                    for p in range(3):
                        comb = jnp.where(lane7, os[2 * p],
                                         _take(os[2 * p + 1], combidx))
                        obuf[pl.ds(cob + p * 16, 16)] = comb
                    obuf[pl.ds(cob + 48, 16)] = os[6]

                pltpu.async_copy(obuf.at[pl.ds(0, OSZ)],
                                 out_hbm.at[pl.ds(n * OSZ, OSZ)], sem_o)

        def wait_out(sem):
            pltpu.make_async_copy(obuf_a.at[pl.ds(0, OSZ)],
                                  out_hbm.at[pl.ds(0, OSZ)], sem).wait()

        start_in(0, fbuf_a, sem_ia)

        def pair_body(p, carry):
            i0 = p * 2
            start_in(i0 + 1, fbuf_b, sem_ib)

            @pl.when((i0 >= 2) & (base + i0 - 2 < N))
            def _():
                wait_out(sem_oa)

            process(i0, fbuf_a, obuf_a, sem_ia, sem_oa)

            @pl.when(p < NPAIR - 1)
            def _():
                start_in(i0 + 2, fbuf_a, sem_ia)

            @pl.when((i0 >= 2) & (base + i0 - 1 < N))
            def _():
                wait_out(sem_ob)

            process(i0 + 1, fbuf_b, obuf_b, sem_ib, sem_ob)
            return carry

        lax.fori_loop(0, NPAIR, pair_body, 0)
        @pl.when(base + (RPW - 2) < N)
        def _():
            wait_out(sem_oa)

        @pl.when(base + (RPW - 1) < N)
        def _():
            wait_out(sem_ob)

    return k(feature_flat, bbox_flat)


def kernel(feature, bbox):
    s = 1.0 + bbox[0, 0] * 0.0
    feature_flat = (feature * s).reshape(N * FSZ)
    bbox_pad = jnp.pad(bbox, ((0, BBOX_PAD - N), (0, 0))).reshape(-1)
    out = _roi_align_sc(feature_flat, bbox_pad)
    out = (out * s).reshape(N, C, 4, 16)[:, :, :, :S]
    out = out.reshape(N, C, 8, OUT)[:, :, :OUT, :]
    return out

# --- scband reference (transcript-rebuilt; emitter-appended) ---
"""Pipeline reference for scband-ro-ialign-73581379715142 (READ-ONLY COPY).

The authoritative reference and input builder live on the scoring server;
editing this copy changes nothing except your own understanding.
"""

import jax, jax.numpy as jnp
import numpy as np

N, C, H, W = 5000, 64, 14, 14
OUT = 7


def setup_inputs(seed: int = 0) -> dict:
    key = jax.random.key(seed)
    k1, k2 = jax.random.split(key)
    feature = jax.random.normal(k1, (N, C, H, W), dtype=jnp.float32)
    raw = jax.random.uniform(k2, (N, 4), dtype=jnp.float32)
    x1 = raw[:, 0] * (W - 2)
    y1 = raw[:, 1] * (H - 2)
    x2 = x1 + 1.0 + raw[:, 2] * (W - 1 - x1 - 1.0)
    y2 = y1 + 1.0 + raw[:, 3] * (H - 1 - y1 - 1.0)
    bbox = jnp.stack([x1, y1, x2, y2], axis=1)
    return {"feature": feature, "bbox": bbox}


def _bilinear_sample(feature, ys, xs):
    # feature: [N, C, H, W]; ys, xs: [N, S] sample coordinates
    Nn, Cc, Hh, Ww = feature.shape
    y0f = jnp.floor(ys)
    x0f = jnp.floor(xs)
    y0 = jnp.clip(y0f.astype(jnp.int32), 0, Hh - 1)
    y1 = jnp.clip(y0f.astype(jnp.int32) + 1, 0, Hh - 1)
    x0 = jnp.clip(x0f.astype(jnp.int32), 0, Ww - 1)
    x1 = jnp.clip(x0f.astype(jnp.int32) + 1, 0, Ww - 1)
    wy = (ys - y0f)[:, :, None, None]   # [N, S, 1, 1] weight along y
    wx = (xs - x0f)[:, None, :, None]   # [N, 1, S, 1] weight along x
    n_idx = jnp.arange(Nn)[:, None, None]           # [N, 1, 1]
    Y0 = y0[:, :, None]; Y1 = y1[:, :, None]        # [N, S, 1]
    X0 = x0[:, None, :]; X1 = x1[:, None, :]        # [N, 1, S]
    # advanced indexing gathers -> [N, S, S, C]
    tl = feature[n_idx, :, Y0, X0]
    tr = feature[n_idx, :, Y0, X1]
    bl = feature[n_idx, :, Y1, X0]
    br = feature[n_idx, :, Y1, X1]
    val = (tl * (1.0 - wy) * (1.0 - wx)
           + tr * (1.0 - wy) * wx
           + bl * wy * (1.0 - wx)
           + br * wy * wx)
    return jnp.transpose(val, (0, 3, 1, 2))  # [N, C, S, S]


def reference(feature, bbox):
    # RoIAlign: sample a (2*OUT x 2*OUT) bilinear grid inside each bbox,
    # then 2x2 max-pool down to [N, C, OUT, OUT].
    S = 2 * OUT
    frac = (jnp.arange(S, dtype=jnp.float32) + 0.5) / S  # sample at bin centers
    xs = bbox[:, 0:1] + frac[None, :] * (bbox[:, 2:3] - bbox[:, 0:1])  # [N, S]
    ys = bbox[:, 1:2] + frac[None, :] * (bbox[:, 3:4] - bbox[:, 1:2])  # [N, S]
    sampled = _bilinear_sample(feature, ys, xs)  # [N, C, S, S]
    Nn, Cc = feature.shape[0], feature.shape[1]
    pooled = sampled.reshape(Nn, Cc, OUT, 2, OUT, 2).max(axis=(3, 5))
    return pooled

if __name__ == "__main__":
    import jax
    _d = setup_inputs()
    print(jax.jit(kernel)(*tuple(_d.values())))

</pallas_src>

<mosaic_0001>
#map = affine_map<(d0, d1) -> (0)>
module attributes {stable_mosaic.version = 14 : i64} {
  func.func @k(%arg0: i32, %arg1: i32, %arg2: memref<62720000xf32, #tpu.memory_space<hbm>>, %arg3: memref<20224xf32, #tpu.memory_space<hbm>>, %arg4: memref<20480000xf32, #tpu.memory_space<hbm>>, %arg5: memref<648xf32, #tpu.memory_space<vmem>>, %arg6: memref<12560xf32, #tpu.memory_space<vmem>>, %arg7: memref<12560xf32, #tpu.memory_space<vmem>>, %arg8: memref<4096xf32, #tpu.memory_space<vmem>>, %arg9: memref<4096xf32, #tpu.memory_space<vmem>>, %arg10: memref<!tpu.dma_semaphore, #tpu.memory_space<semaphore_mem>>, %arg11: memref<!tpu.dma_semaphore, #tpu.memory_space<semaphore_mem>>, %arg12: memref<!tpu.dma_semaphore, #tpu.memory_space<semaphore_mem>>, %arg13: memref<!tpu.dma_semaphore, #tpu.memory_space<semaphore_mem>>) attributes {dimension_semantics = [#tpu.dimension_semantics<core_parallel>, #tpu.dimension_semantics<subcore_parallel>], iteration_bounds = array<i64: 2, 16>, scalar_prefetch = 0 : i64, scratch_operands = 9 : i64, tpu.core_type = #tpu.core_type<sc_vector_subcore>, window_params = [{transform_indices = #map}, {transform_indices = #map}, {transform_indices = #map}]} {
    %mul3A = arith.constant 2 : i32
    %mul3A_0 = arith.muli %arg1, %mul3A : i32
    %add3A = arith.addi %mul3A_0, %arg0 : i32
    %mul3A_1 = arith.constant 158 : i32
    %mul3A_2 = arith.muli %add3A, %mul3A_1 : i32
    %mul3A_3 = arith.constant 4 : i32
    %mul3A_4 = arith.muli %mul3A_2, %mul3A_3 : i32
    "tpu.region"() ({
      %run_scoped3A = tpu.sem_alloc : memref<!tpu.dma_semaphore, #tpu.memory_space<semaphore_mem>>
      %dma_start3A = arith.constant 0 : i32
      %dma_start3A_60 = tpu.memref_slice %arg5[%dma_start3A] : memref<648xf32, #tpu.memory_space<vmem>> -> memref<632xf32, #tpu.memory_space<vmem>>
      %dma_start3A_61 = tpu.memref_slice %arg3[%mul3A_4] : memref<20224xf32, #tpu.memory_space<hbm>> -> memref<632xf32, #tpu.memory_space<hbm>>
      %dma_start3A_62 = arith.constant 0 : i32
      %dma_start3A_63 = tpu.memref_slice %arg5[%dma_start3A_62] : memref<648xf32, #tpu.memory_space<vmem>> -> memref<632xf32, #tpu.memory_space<vmem>>
      %dma_start3A_64 = tpu.memref_slice %arg3[%mul3A_4] : memref<20224xf32, #tpu.memory_space<hbm>> -> memref<632xf32, #tpu.memory_space<hbm>>
      tpu.enqueue_dma source(%dma_start3A_64 : memref<632xf32, #tpu.memory_space<hbm>>) target(%dma_start3A_63 : memref<632xf32, #tpu.memory_space<vmem>>) target_semaphore(%run_scoped3A : memref<!tpu.dma_semaphore, #tpu.memory_space<semaphore_mem>>)
      %dma_wait3A = arith.constant 0 : i32
      %dma_wait3A_65 = tpu.memref_slice %arg5[%dma_wait3A] : memref<648xf32, #tpu.memory_space<vmem>> -> memref<632xf32, #tpu.memory_space<vmem>>
      %dma_wait3A_66 = tpu.memref_slice %arg3[%mul3A_4] : memref<20224xf32, #tpu.memory_space<hbm>> -> memref<632xf32, #tpu.memory_space<hbm>>
      %dma_wait3A_67 = arith.constant 0 : i32
      %dma_wait3A_68 = tpu.memref_slice %arg5[%dma_wait3A_67] : memref<648xf32, #tpu.memory_space<vmem>> -> memref<632xf32, #tpu.memory_space<vmem>>
      %dma_wait3A_69 = tpu.memref_slice %arg3[%mul3A_4] : memref<20224xf32, #tpu.memory_space<hbm>> -> memref<632xf32, #tpu.memory_space<hbm>>
      tpu.wait_dma2 semaphore(%run_scoped3A : memref<!tpu.dma_semaphore, #tpu.memory_space<semaphore_mem>>) src(%dma_wait3A_69 : memref<632xf32, #tpu.memory_space<hbm>>) dst(%dma_wait3A_68 : memref<632xf32, #tpu.memory_space<vmem>>)
      tpu.yield
    }) : () -> ()
    %iota3A = tpu.iota {dimensions = array<i32: 0>} : vector<16xi32>
    %convert_element_type3A = arith.sitofp %iota3A : vector<16xi32> to vector<16xf32>
    %lt3A = arith.constant 7 : i32
    %lt3A_5 = vector.broadcast %lt3A : i32 to vector<16xi32>
    %lt3A_6 = arith.cmpi slt, %iota3A, %lt3A_5 : vector<16xi32>
    %mul3A_7 = arith.constant 2 : i32
    %mul3A_8 = vector.broadcast %mul3A_7 : i32 to vector<16xi32>
    %mul3A_9 = arith.muli %mul3A_8, %iota3A : vector<16xi32>
    %lt3A_10 = arith.constant 14 : i32
    %lt3A_11 = vector.broadcast %lt3A_10 : i32 to vector<16xi32>
    %lt3A_12 = arith.cmpi slt, %iota3A, %lt3A_11 : vector<16xi32>
    %mul3A_13 = arith.constant 2 : i32
    %mul3A_14 = vector.broadcast %mul3A_13 : i32 to vector<16xi32>
    %mul3A_15 = arith.muli %mul3A_14, %iota3A : vector<16xi32>
    %sub3A = arith.constant 13 : i32
    %sub3A_16 = vector.broadcast %sub3A : i32 to vector<16xi32>
    %sub3A_17 = arith.subi %mul3A_15, %sub3A_16 : vector<16xi32>
    %jit3A = arith.constant 0 : i32
    %broadcast_in_dim3A = vector.broadcast %jit3A : i32 to vector<16xi32>
    %select_n3A = arith.select %lt3A_12, %sub3A_17, %broadcast_in_dim3A : vector<16xi1>, vector<16xi32>
    %select_n3A_18 = arith.select %lt3A_6, %mul3A_9, %select_n3A : vector<16xi1>, vector<16xi32>
    %add3A_19 = arith.constant 7 : i32
    %add3A_20 = vector.broadcast %add3A_19 : i32 to vector<16xi32>
    %add3A_21 = arith.addi %iota3A, %add3A_20 : vector<16xi32>
    %min3A = arith.constant 15 : i32
    %min3A_22 = vector.broadcast %min3A : i32 to vector<16xi32>
    %min3A_23 = arith.minsi %add3A_21, %min3A_22 : vector<16xi32>
    %sub3A_24 = arith.constant 7 : i32
    %sub3A_25 = vector.broadcast %sub3A_24 : i32 to vector<16xi32>
    %sub3A_26 = arith.subi %iota3A, %sub3A_25 : vector<16xi32>
    %max3A = arith.constant 0 : i32
    %max3A_27 = vector.broadcast %max3A : i32 to vector<16xi32>
    %max3A_28 = arith.maxsi %sub3A_26, %max3A_27 : vector<16xi32>
    %add3A_29 = arith.constant 5.000000e-01 : f32
    %add3A_30 = vector.broadcast %add3A_29 : f32 to vector<16xf32>
    %add3A_31 = arith.addf %convert_element_type3A, %add3A_30 : vector<16xf32>
    %mul3A_32 = arith.constant 0.0714285746 : f32
    %mul3A_33 = vector.broadcast %mul3A_32 : f32 to vector<16xf32>
    %mul3A_34 = arith.mulf %add3A_31, %mul3A_33 : vector<16xf32>
    %add3A_35 = arith.constant 0 : i32
    %add3A_36 = arith.addi %mul3A_2, %add3A_35 : i32
    %lt3A_37 = arith.constant 5000 : i32
    %lt3A_38 = arith.cmpi slt, %add3A_36, %lt3A_37 : i32
    %convert_element_type3A_39 = arith.extui %lt3A_38 : i1 to i32
    %cond3A = arith.constant 0 : i32
    %cond3A_40 = arith.cmpi ne, %convert_element_type3A_39, %cond3A : i32
    scf.if %cond3A_40 {
      %mul3A_60 = arith.constant 12544 : i32
      %mul3A_61 = arith.muli %add3A_36, %mul3A_60 : i32
      %dma_start3A = arith.constant 0 : i32
      %dma_start3A_62 = tpu.memref_slice %arg6[%dma_start3A] : memref<12560xf32, #tpu.memory_space<vmem>> -> memref<12544xf32, #tpu.memory_space<vmem>>
      %dma_start3A_63 = tpu.memref_slice %arg2[%mul3A_61] : memref<62720000xf32, #tpu.memory_space<hbm>> -> memref<12544xf32, #tpu.memory_space<hbm>>
      %dma_start3A_64 = arith.constant 0 : i32
      %dma_start3A_65 = tpu.memref_slice %arg6[%dma_start3A_64] : memref<12560xf32, #tpu.memory_space<vmem>> -> memref<12544xf32, #tpu.memory_space<vmem>>
      %dma_start3A_66 = tpu.memref_slice %arg2[%mul3A_61] : memref<62720000xf32, #tpu.memory_space<hbm>> -> memref<12544xf32, #tpu.memory_space<hbm>>
      tpu.enqueue_dma source(%dma_start3A_66 : memref<12544xf32, #tpu.memory_space<hbm>>) target(%dma_start3A_65 : memref<12544xf32, #tpu.memory_space<vmem>>) target_semaphore(%arg10 : memref<!tpu.dma_semaphore, #tpu.memory_space<semaphore_mem>>)
    } else {
    }
    %scan3A = arith.constant 0 : i32
    %scan3A_41 = arith.constant 0 : i32
    %scan3A_42 = arith.constant 79 : i32
    %scan3A_43 = arith.addi %scan3A_41, %scan3A_42 : i32
    %scan3A_44 = arith.constant 1 : i32
    scf.for %scan3A_60 = %scan3A_41 to %scan3A_43 step %scan3A_44  : i32 {
      %mul3A_61 = arith.constant 2 : i32
      %mul3A_62 = arith.muli %scan3A_60, %mul3A_61 : i32
      %add3A_63 = arith.constant 1 : i32
      %add3A_64 = arith.addi %mul3A_62, %add3A_63 : i32
      %add3A_65 = arith.addi %mul3A_2, %add3A_64 : i32
      %lt3A_66 = arith.constant 5000 : i32
      %lt3A_67 = arith.cmpi slt, %add3A_65, %lt3A_66 : i32
      %convert_element_type3A_68 = arith.extui %lt3A_67 : i1 to i32
      %cond3A_69 = arith.constant 0 : i32
      %cond3A_70 = arith.cmpi ne, %convert_element_type3A_68, %cond3A_69 : i32
      scf.if %cond3A_70 {
        %mul3A_110 = arith.constant 12544 : i32
        %mul3A_111 = arith.muli %add3A_65, %mul3A_110 : i32
        %dma_start3A = arith.constant 0 : i32
        %dma_start3A_112 = tpu.memref_slice %arg7[%dma_start3A] : memref<12560xf32, #tpu.memory_space<vmem>> -> memref<12544xf32, #tpu.memory_space<vmem>>
        %dma_start3A_113 = tpu.memref_slice %arg2[%mul3A_111] : memref<62720000xf32, #tpu.memory_space<hbm>> -> memref<12544xf32, #tpu.memory_space<hbm>>
        %dma_start3A_114 = arith.constant 0 : i32
        %dma_start3A_115 = tpu.memref_slice %arg7[%dma_start3A_114] : memref<12560xf32, #tpu.memory_space<vmem>> -> memref<12544xf32, #tpu.memory_space<vmem>>
        %dma_start3A_116 = tpu.memref_slice %arg2[%mul3A_111] : memref<62720000xf32, #tpu.memory_space<hbm>> -> memref<12544xf32, #tpu.memory_space<hbm>>
        tpu.enqueue_dma source(%dma_start3A_116 : memref<12544xf32, #tpu.memory_space<hbm>>) target(%dma_start3A_115 : memref<12544xf32, #tpu.memory_space<vmem>>) target_semaphore(%arg11 : memref<!tpu.dma_semaphore, #tpu.memory_space<semaphore_mem>>)
      } else {
      }
      %ge3A = arith.constant 2 : i32
      %ge3A_71 = arith.cmpi sge, %mul3A_62, %ge3A : i32
      %add3A_72 = arith.addi %mul3A_2, %mul3A_62 : i32
      %sub3A_73 = arith.constant 2 : i32
      %sub3A_74 = arith.subi %add3A_72, %sub3A_73 : i32
      %lt3A_75 = arith.constant 5000 : i32
      %lt3A_76 = arith.cmpi slt, %sub3A_74, %lt3A_75 : i32
      %and3A = arith.andi %ge3A_71, %lt3A_76 : i1
      %convert_element_type3A_77 = arith.extui %and3A : i1 to i32
      %cond3A_78 = arith.constant 0 : i32
      %cond3A_79 = arith.cmpi ne, %convert_element_type3A_77, %cond3A_78 : i32
      scf.if %cond3A_79 {
        %dma_wait3A = arith.constant 0 : i32
        %dma_wait3A_110 = tpu.memref_slice %arg8[%dma_wait3A] : memref<4096xf32, #tpu.memory_space<vmem>> -> memref<4096xf32, #tpu.memory_space<vmem>>
        %dma_wait3A_111 = arith.constant 0 : i32
        %dma_wait3A_112 = tpu.memref_slice %arg4[%dma_wait3A_111] : memref<20480000xf32, #tpu.memory_space<hbm>> -> memref<4096xf32, #tpu.memory_space<hbm>>
        %dma_wait3A_113 = arith.constant 0 : i32
        %dma_wait3A_114 = tpu.memref_slice %arg4[%dma_wait3A_113] : memref<20480000xf32, #tpu.memory_space<hbm>> -> memref<4096xf32, #tpu.memory_space<hbm>>
        %dma_wait3A_115 = arith.constant 0 : i32
        %dma_wait3A_116 = tpu.memref_slice %arg8[%dma_wait3A_115] : memref<4096xf32, #tpu.memory_space<vmem>> -> memref<4096xf32, #tpu.memory_space<vmem>>
        tpu.wait_dma2 semaphore(%arg12 : memref<!tpu.dma_semaphore, #tpu.memory_space<semaphore_mem>>) src(%dma_wait3A_116 : memref<4096xf32, #tpu.memory_space<vmem>>) dst(%dma_wait3A_114 : memref<4096xf32, #tpu.memory_space<hbm>>)
      } else {
      }
      %add3A_80 = arith.addi %mul3A_2, %mul3A_62 : i32
      %lt3A_81 = arith.constant 5000 : i32
      %lt3A_82 = arith.cmpi slt, %add3A_80, %lt3A_81 : i32
      %convert_element_type3A_83 = arith.extui %lt3A_82 : i1 to i32
      %cond3A_84 = arith.constant 0 : i32
      %cond3A_85 = arith.cmpi ne, %convert_element_type3A_83, %cond3A_84 : i32
      scf.if %cond3A_85 {
        %dma_wait3A = arith.constant 0 : i32
        %dma_wait3A_110 = tpu.memref_slice %arg6[%dma_wait3A] : memref<12560xf32, #tpu.memory_space<vmem>> -> memref<12544xf32, #tpu.memory_space<vmem>>
        %dma_wait3A_111 = arith.constant 0 : i32
        %dma_wait3A_112 = tpu.memref_slice %arg2[%dma_wait3A_111] : memref<62720000xf32, #tpu.memory_space<hbm>> -> memref<12544xf32, #tpu.memory_space<hbm>>
        %dma_wait3A_113 = arith.constant 0 : i32
        %dma_wait3A_114 = tpu.memref_slice %arg6[%dma_wait3A_113] : memref<12560xf32, #tpu.memory_space<vmem>> -> memref<12544xf32, #tpu.memory_space<vmem>>
        %dma_wait3A_115 = arith.constant 0 : i32
        %dma_wait3A_116 = tpu.memref_slice %arg2[%dma_wait3A_115] : memref<62720000xf32, #tpu.memory_space<hbm>> -> memref<12544xf32, #tpu.memory_space<hbm>>
        tpu.wait_dma2 semaphore(%arg10 : memref<!tpu.dma_semaphore, #tpu.memory_space<semaphore_mem>>) src(%dma_wait3A_116 : memref<12544xf32, #tpu.memory_space<hbm>>) dst(%dma_wait3A_114 : memref<12544xf32, #tpu.memory_space<vmem>>)
        %mul3A_117 = arith.constant 4 : i32
        %mul3A_118 = arith.muli %mul3A_62, %mul3A_117 : i32
        %get3A = arith.index_cast %mul3A_118 : i32 to index
        %get3A_119 = tpu.vector_load %arg5[%get3A] {strides = array<i32>} : memref<648xf32, #tpu.memory_space<vmem>>, vector<16xf32>,
        %get3A_120 = vector.shape_cast %get3A_119 : vector<16xf32> to vector<16xf32>
        %slice3A = vector.extract_strided_slice %get3A_120 {offsets = [0], sizes = [1], strides = [1]} : vector<16xf32> to vector<1xf32>
        %squeeze3A = vector.extract %slice3A[0] : f32 from vector<1xf32>
        %slice3A_121 = vector.extract_strided_slice %get3A_120 {offsets = [1], sizes = [1], strides = [1]} : vector<16xf32> to vector<1xf32>
        %squeeze3A_122 = vector.extract %slice3A_121[0] : f32 from vector<1xf32>
        %slice3A_123 = vector.extract_strided_slice %get3A_120 {offsets = [2], sizes = [1], strides = [1]} : vector<16xf32> to vector<1xf32>
        %squeeze3A_124 = vector.extract %slice3A_123[0] : f32 from vector<1xf32>
        %slice3A_125 = vector.extract_strided_slice %get3A_120 {offsets = [3], sizes = [1], strides = [1]} : vector<16xf32> to vector<1xf32>
        %squeeze3A_126 = vector.extract %slice3A_125[0] : f32 from vector<1xf32>
        %sub3A_127 = arith.subf %squeeze3A_124, %squeeze3A : f32
        %mul3A_128 = vector.broadcast %sub3A_127 : f32 to vector<16xf32>
        %mul3A_129 = arith.mulf %mul3A_34, %mul3A_128 : vector<16xf32>
        %add3A_130 = vector.broadcast %squeeze3A : f32 to vector<16xf32>
        %add3A_131 = arith.addf %add3A_130, %mul3A_129 : vector<16xf32>
        %convert_element_type3A_132 = arith.fptosi %add3A_131 : vector<16xf32> to vector<16xi32>
        %convert_element_type3A_133 = arith.sitofp %convert_element_type3A_132 : vector<16xi32> to vector<16xf32>
        %sub3A_134 = arith.subf %add3A_131, %convert_element_type3A_133 : vector<16xf32>
        %broadcast_in_dim3A_135 = vector.shape_cast %select_n3A_18 : vector<16xi32> to vector<16x1xi32>
        %gather3A = vector.shape_cast %broadcast_in_dim3A_135 : vector<16x1xi32> to vector<16xi32>
        %gather3A_136 = tpu.dynamic_gather %convert_element_type3A_132[%gather3A] in [0] : vector<16xi32>, vector<16xi32> -> vector<16xi32>
        %add3A_137 = arith.constant 1 : i32
        %add3A_138 = vector.broadcast %add3A_137 : i32 to vector<16xi32>
        %add3A_139 = arith.addi %gather3A_136, %add3A_138 : vector<16xi32>
        %broadcast_in_dim3A_140 = vector.shape_cast %select_n3A_18 : vector<16xi32> to vector<16x1xi32>
        %gather3A_141 = vector.shape_cast %broadcast_in_dim3A_140 : vector<16x1xi32> to vector<16xi32>
        %gather3A_142 = tpu.dynamic_gather %sub3A_134[%gather3A_141] in [0] : vector<16xf32>, vector<16xi32> -> vector<16xf32>
        %sub3A_143 = arith.subf %squeeze3A_126, %squeeze3A_122 : f32
        %mul3A_144 = vector.broadcast %sub3A_143 : f32 to vector<16xf32>
        %mul3A_145 = arith.mulf %mul3A_34, %mul3A_144 : vector<16xf32>
        %add3A_146 = vector.broadcast %squeeze3A_122 : f32 to vector<16xf32>
        %add3A_147 = arith.addf %add3A_146, %mul3A_145 : vector<16xf32>
        %convert_element_type3A_148 = arith.fptosi %add3A_147 : vector<16xf32> to vector<16xi32>
        %convert_element_type3A_149 = arith.sitofp %convert_element_type3A_148 : vector<16xi32> to vector<16xf32>
        %sub3A_150 = arith.subf %add3A_147, %convert_element_type3A_149 : vector<16xf32>
        %slice3A_151 = vector.extract_strided_slice %convert_element_type3A_148 {offsets = [0], sizes = [1], strides = [1]} : vector<16xi32> to vector<1xi32>
        %squeeze3A_152 = vector.extract %slice3A_151[0] : i32 from vector<1xi32>
        %slice3A_153 = vector.extract_strided_slice %sub3A_150 {offsets = [0], sizes = [1], strides = [1]} : vector<16xf32> to vector<1xf32>
        %squeeze3A_154 = vector.extract %slice3A_153[0] : f32 from vector<1xf32>
        %slice3A_155 = vector.extract_strided_slice %convert_element_type3A_148 {offsets = [1], sizes = [1], strides = [1]} : vector<16xi32> to vector<1xi32>
        %squeeze3A_156 = vector.extract %slice3A_155[0] : i32 from vector<1xi32>
        %slice3A_157 = vector.extract_strided_slice %sub3A_150 {offsets = [1], sizes = [1], strides = [1]} : vector<16xf32> to vector<1xf32>
        %squeeze3A_158 = vector.extract %slice3A_157[0] : f32 from vector<1xf32>
        %slice3A_159 = vector.extract_strided_slice %convert_element_type3A_148 {offsets = [2], sizes = [1], strides = [1]} : vector<16xi32> to vector<1xi32>
        %squeeze3A_160 = vector.extract %slice3A_159[0] : i32 from vector<1xi32>
        %slice3A_161 = vector.extract_strided_slice %sub3A_150 {offsets = [2], sizes = [1], strides = [1]} : vector<16xf32> to vector<1xf32>
        %squeeze3A_162 = vector.extract %slice3A_161[0] : f32 from vector<1xf32>
        %slice3A_163 = vector.extract_strided_slice %convert_element_type3A_148 {offsets = [3], sizes = [1], strides = [1]} : vector<16xi32> to vector<1xi32>
        %squeeze3A_164 = vector.extract %slice3A_163[0] : i32 from vector<1xi32>
        %slice3A_165 = vector.extract_strided_slice %sub3A_150 {offsets = [3], sizes = [1], strides = [1]} : vector<16xf32> to vector<1xf32>
        %squeeze3A_166 = vector.extract %slice3A_165[0] : f32 from vector<1xf32>
        %slice3A_167 = vector.extract_strided_slice %convert_element_type3A_148 {offsets = [4], sizes = [1], strides = [1]} : vector<16xi32> to vector<1xi32>
        %squeeze3A_168 = vector.extract %slice3A_167[0] : i32 from vector<1xi32>
        %slice3A_169 = vector.extract_strided_slice %sub3A_150 {offsets = [4], sizes = [1], strides = [1]} : vector<16xf32> to vector<1xf32>
        %squeeze3A_170 = vector.extract %slice3A_169[0] : f32 from vector<1xf32>
        %slice3A_171 = vector.extract_strided_slice %convert_element_type3A_148 {offsets = [5], sizes = [1], strides = [1]} : vector<16xi32> to vector<1xi32>
        %squeeze3A_172 = vector.extract %slice3A_171[0] : i32 from vector<1xi32>
        %slice3A_173 = vector.extract_strided_slice %sub3A_150 {offsets = [5], sizes = [1], strides = [1]} : vector<16xf32> to vector<1xf32>
        %squeeze3A_174 = vector.extract %slice3A_173[0] : f32 from vector<1xf32>
        %slice3A_175 = vector.extract_strided_slice %convert_element_type3A_148 {offsets = [6], sizes = [1], strides = [1]} : vector<16xi32> to vector<1xi32>
        %squeeze3A_176 = vector.extract %slice3A_175[0] : i32 from vector<1xi32>
        %slice3A_177 = vector.extract_strided_slice %sub3A_150 {offsets = [6], sizes = [1], strides = [1]} : vector<16xf32> to vector<1xf32>
        %squeeze3A_178 = vector.extract %slice3A_177[0] : f32 from vector<1xf32>
        %slice3A_179 = vector.extract_strided_slice %convert_element_type3A_148 {offsets = [7], sizes = [1], strides = [1]} : vector<16xi32> to vector<1xi32>
        %squeeze3A_180 = vector.extract %slice3A_179[0] : i32 from vector<1xi32>
        %slice3A_181 = vector.extract_strided_slice %sub3A_150 {offsets = [7], sizes = [1], strides = [1]} : vector<16xf32> to vector<1xf32>
        %squeeze3A_182 = vector.extract %slice3A_181[0] : f32 from vector<1xf32>
        %slice3A_183 = vector.extract_strided_slice %convert_element_type3A_148 {offsets = [8], sizes = [1], strides = [1]} : vector<16xi32> to vector<1xi32>
        %squeeze3A_184 = vector.extract %slice3A_183[0] : i32 from vector<1xi32>
        %slice3A_185 = vector.extract_strided_slice %sub3A_150 {offsets = [8], sizes = [1], strides = [1]} : vector<16xf32> to vector<1xf32>
        %squeeze3A_186 = vector.extract %slice3A_185[0] : f32 from vector<1xf32>
        %slice3A_187 = vector.extract_strided_slice %convert_element_type3A_148 {offsets = [9], sizes = [1], strides = [1]} : vector<16xi32> to vector<1xi32>
        %squeeze3A_188 = vector.extract %slice3A_187[0] : i32 from vector<1xi32>
        %slice3A_189 = vector.extract_strided_slice %sub3A_150 {offsets = [9], sizes = [1], strides = [1]} : vector<16xf32> to vector<1xf32>
        %squeeze3A_190 = vector.extract %slice3A_189[0] : f32 from vector<1xf32>
        %slice3A_191 = vector.extract_strided_slice %convert_element_type3A_148 {offsets = [10], sizes = [1], strides = [1]} : vector<16xi32> to vector<1xi32>
        %squeeze3A_192 = vector.extract %slice3A_191[0] : i32 from vector<1xi32>
        %slice3A_193 = vector.extract_strided_slice %sub3A_150 {offsets = [10], sizes = [1], strides = [1]} : vector<16xf32> to vector<1xf32>
        %squeeze3A_194 = vector.extract %slice3A_193[0] : f32 from vector<1xf32>
        %slice3A_195 = vector.extract_strided_slice %convert_element_type3A_148 {offsets = [11], sizes = [1], strides = [1]} : vector<16xi32> to vector<1xi32>
        %squeeze3A_196 = vector.extract %slice3A_195[0] : i32 from vector<1xi32>
        %slice3A_197 = vector.extract_strided_slice %sub3A_150 {offsets = [11], sizes = [1], strides = [1]} : vector<16xf32> to vector<1xf32>
        %squeeze3A_198 = vector.extract %slice3A_197[0] : f32 from vector<1xf32>
        %slice3A_199 = vector.extract_strided_slice %convert_element_type3A_148 {offsets = [12], sizes = [1], strides = [1]} : vector<16xi32> to vector<1xi32>
        %squeeze3A_200 = vector.extract %slice3A_199[0] : i32 from vector<1xi32>
        %slice3A_201 = vector.extract_strided_slice %sub3A_150 {offsets = [12], sizes = [1], strides = [1]} : vector<16xf32> to vector<1xf32>
        %squeeze3A_202 = vector.extract %slice3A_201[0] : f32 from vector<1xf32>
        %slice3A_203 = vector.extract_strided_slice %convert_element_type3A_148 {offsets = [13], sizes = [1], strides = [1]} : vector<16xi32> to vector<1xi32>
        %squeeze3A_204 = vector.extract %slice3A_203[0] : i32 from vector<1xi32>
        %slice3A_205 = vector.extract_strided_slice %sub3A_150 {offsets = [13], sizes = [1], strides = [1]} : vector<16xf32> to vector<1xf32>
        %squeeze3A_206 = vector.extract %slice3A_205[0] : f32 from vector<1xf32>
        %parallel_loop3A = arith.constant 0 : i32
        %parallel_loop3A_207 = arith.constant 64 : i32
        %parallel_loop3A_208 = arith.constant 1 : i32
        scf.for %parallel_loop3A_216 = %parallel_loop3A to %parallel_loop3A_207 step %parallel_loop3A_208  : i32 {
          %parallel_loop3A_217 = arith.constant 196 : i32
          %parallel_loop3A_218 = arith.muli %parallel_loop3A_216, %parallel_loop3A_217 : i32
          %parallel_loop3A_219 = arith.constant 64 : i32
          %parallel_loop3A_220 = arith.muli %parallel_loop3A_216, %parallel_loop3A_219 : i32
          %parallel_loop3A_221 = arith.constant 14 : i32
          %parallel_loop3A_222 = arith.muli %squeeze3A_152, %parallel_loop3A_221 : i32
          %parallel_loop3A_223 = arith.addi %parallel_loop3A_218, %parallel_loop3A_222 : i32
          %parallel_loop3A_224 = arith.index_cast %parallel_loop3A_223 : i32 to index
          %parallel_loop3A_225 = tpu.vector_load %arg6[%parallel_loop3A_224] {strides = array<i32>} : memref<12560xf32, #tpu.memory_space<vmem>>, vector<16xf32>,
          %parallel_loop3A_226 = vector.shape_cast %parallel_loop3A_225 : vector<16xf32> to vector<16xf32>
          %parallel_loop3A_227 = arith.constant 14 : i32
          %parallel_loop3A_228 = arith.muli %squeeze3A_152, %parallel_loop3A_227 : i32
          %parallel_loop3A_229 = arith.addi %parallel_loop3A_218, %parallel_loop3A_228 : i32
          %parallel_loop3A_230 = arith.constant 14 : i32
          %parallel_loop3A_231 = arith.addi %parallel_loop3A_229, %parallel_loop3A_230 : i32
          %parallel_loop3A_232 = arith.index_cast %parallel_loop3A_231 : i32 to index
          %parallel_loop3A_233 = tpu.vector_load %arg6[%parallel_loop3A_232] {strides = array<i32>} : memref<12560xf32, #tpu.memory_space<vmem>>, vector<16xf32>,
          %parallel_loop3A_234 = vector.shape_cast %parallel_loop3A_233 : vector<16xf32> to vector<16xf32>
          %parallel_loop3A_235 = arith.subf %parallel_loop3A_234, %parallel_loop3A_226 : vector<16xf32>
          %parallel_loop3A_236 = vector.broadcast %squeeze3A_154 : f32 to vector<16xf32>
          %parallel_loop3A_237 = arith.mulf %parallel_loop3A_236, %parallel_loop3A_235 : vector<16xf32>
          %parallel_loop3A_238 = arith.addf %parallel_loop3A_226, %parallel_loop3A_237 : vector<16xf32>
          %parallel_loop3A_239 = arith.constant 14 : i32
          %parallel_loop3A_240 = arith.muli %squeeze3A_156, %parallel_loop3A_239 : i32
          %parallel_loop3A_241 = arith.addi %parallel_loop3A_218, %parallel_loop3A_240 : i32
          %parallel_loop3A_242 = arith.index_cast %parallel_loop3A_241 : i32 to index
          %parallel_loop3A_243 = tpu.vector_load %arg6[%parallel_loop3A_242] {strides = array<i32>} : memref<12560xf32, #tpu.memory_space<vmem>>, vector<16xf32>,
          %parallel_loop3A_244 = vector.shape_cast %parallel_loop3A_243 : vector<16xf32> to vector<16xf32>
          %parallel_loop3A_245 = arith.constant 14 : i32
          %parallel_loop3A_246 = arith.muli %squeeze3A_156, %parallel_loop3A_245 : i32
          %parallel_loop3A_247 = arith.addi %parallel_loop3A_218, %parallel_loop3A_246 : i32
          %parallel_loop3A_248 = arith.constant 14 : i32
          %parallel_loop3A_249 = arith.addi %parallel_loop3A_247, %parallel_loop3A_248 : i32
          %parallel_loop3A_250 = arith.index_cast %parallel_loop3A_249 : i32 to index
          %parallel_loop3A_251 = tpu.vector_load %arg6[%parallel_loop3A_250] {strides = array<i32>} : memref<12560xf32, #tpu.memory_space<vmem>>, vector<16xf32>,
          %parallel_loop3A_252 = vector.shape_cast %parallel_loop3A_251 : vector<16xf32> to vector<16xf32>
          %parallel_loop3A_253 = arith.subf %parallel_loop3A_252, %parallel_loop3A_244 : vector<16xf32>
          %parallel_loop3A_254 = vector.broadcast %squeeze3A_158 : f32 to vector<16xf32>
          %parallel_loop3A_255 = arith.mulf %parallel_loop3A_254, %parallel_loop3A_253 : vector<16xf32>
          %parallel_loop3A_256 = arith.addf %parallel_loop3A_244, %parallel_loop3A_255 : vector<16xf32>
          %parallel_loop3A_257 = vector.shape_cast %gather3A_136 : vector<16xi32> to vector<16x1xi32>
          %parallel_loop3A_258 = vector.shape_cast %parallel_loop3A_257 : vector<16x1xi32> to vector<16xi32>
          %parallel_loop3A_259 = tpu.dynamic_gather %parallel_loop3A_238[%parallel_loop3A_258] in [0] : vector<16xf32>, vector<16xi32> -> vector<16xf32>
          %parallel_loop3A_260 = vector.shape_cast %add3A_139 : vector<16xi32> to vector<16x1xi32>
          %parallel_loop3A_261 = vector.shape_cast %parallel_loop3A_260 : vector<16x1xi32> to vector<16xi32>
          %parallel_loop3A_262 = tpu.dynamic_gather %parallel_loop3A_238[%parallel_loop3A_261] in [0] : vector<16xf32>, vector<16xi32> -> vector<16xf32>
          %parallel_loop3A_263 = arith.subf %parallel_loop3A_262, %parallel_loop3A_259 : vector<16xf32>
          %parallel_loop3A_264 = arith.mulf %gather3A_142, %parallel_loop3A_263 : vector<16xf32>
          %parallel_loop3A_265 = arith.addf %parallel_loop3A_259, %parallel_loop3A_264 : vector<16xf32>
          %parallel_loop3A_266 = vector.shape_cast %gather3A_136 : vector<16xi32> to vector<16x1xi32>
          %parallel_loop3A_267 = vector.shape_cast %parallel_loop3A_266 : vector<16x1xi32> to vector<16xi32>
          %parallel_loop3A_268 = tpu.dynamic_gather %parallel_loop3A_256[%parallel_loop3A_267] in [0] : vector<16xf32>, vector<16xi32> -> vector<16xf32>
          %parallel_loop3A_269 = vector.shape_cast %add3A_139 : vector<16xi32> to vector<16x1xi32>
          %parallel_loop3A_270 = vector.shape_cast %parallel_loop3A_269 : vector<16x1xi32> to vector<16xi32>
          %parallel_loop3A_271 = tpu.dynamic_gather %parallel_loop3A_256[%parallel_loop3A_270] in [0] : vector<16xf32>, vector<16xi32> -> vector<16xf32>
          %parallel_loop3A_272 = arith.subf %parallel_loop3A_271, %parallel_loop3A_268 : vector<16xf32>
          %parallel_loop3A_273 = arith.mulf %gather3A_142, %parallel_loop3A_272 : vector<16xf32>
          %parallel_loop3A_274 = arith.addf %parallel_loop3A_268, %parallel_loop3A_273 : vector<16xf32>
          %parallel_loop3A_275 = arith.maximumf %parallel_loop3A_265, %parallel_loop3A_274 : vector<16xf32>
          %parallel_loop3A_276 = vector.shape_cast %min3A_23 : vector<16xi32> to vector<16x1xi32>
          %parallel_loop3A_277 = vector.shape_cast %parallel_loop3A_276 : vector<16x1xi32> to vector<16xi32>
          %parallel_loop3A_278 = tpu.dynamic_gather %parallel_loop3A_275[%parallel_loop3A_277] in [0] : vector<16xf32>, vector<16xi32> -> vector<16xf32>
          %parallel_loop3A_279 = arith.maximumf %parallel_loop3A_275, %parallel_loop3A_278 : vector<16xf32>
          %parallel_loop3A_280 = arith.constant 14 : i32
          %parallel_loop3A_281 = arith.muli %squeeze3A_160, %parallel_loop3A_280 : i32
          %parallel_loop3A_282 = arith.addi %parallel_loop3A_218, %parallel_loop3A_281 : i32
          %parallel_loop3A_283 = arith.index_cast %parallel_loop3A_282 : i32 to index
          %parallel_loop3A_284 = tpu.vector_load %arg6[%parallel_loop3A_283] {strides = array<i32>} : memref<12560xf32, #tpu.memory_space<vmem>>, vector<16xf32>,
          %parallel_loop3A_285 = vector.shape_cast %parallel_loop3A_284 : vector<16xf32> to vector<16xf32>
          %parallel_loop3A_286 = arith.constant 14 : i32
          %parallel_loop3A_287 = arith.muli %squeeze3A_160, %parallel_loop3A_286 : i32
          %parallel_loop3A_288 = arith.addi %parallel_loop3A_218, %parallel_loop3A_287 : i32
          %parallel_loop3A_289 = arith.constant 14 : i32
          %parallel_loop3A_290 = arith.addi %parallel_loop3A_288, %parallel_loop3A_289 : i32
          %parallel_loop3A_291 = arith.index_cast %parallel_loop3A_290 : i32 to index
          %parallel_loop3A_292 = tpu.vector_load %arg6[%parallel_loop3A_291] {strides = array<i32>} : memref<12560xf32, #tpu.memory_space<vmem>>, vector<16xf32>,
          %parallel_loop3A_293 = vector.shape_cast %parallel_loop3A_292 : vector<16xf32> to vector<16xf32>
          %parallel_loop3A_294 = arith.subf %parallel_loop3A_293, %parallel_loop3A_285 : vector<16xf32>
          %parallel_loop3A_295 = vector.broadcast %squeeze3A_162 : f32 to vector<16xf32>
          %parallel_loop3A_296 = arith.mulf %parallel_loop3A_295, %parallel_loop3A_294 : vector<16xf32>
          %parallel_loop3A_297 = arith.addf %parallel_loop3A_285, %parallel_loop3A_296 : vector<16xf32>
          %parallel_loop3A_298 = arith.constant 14 : i32
          %parallel_loop3A_299 = arith.muli %squeeze3A_164, %parallel_loop3A_298 : i32
          %parallel_loop3A_300 = arith.addi %parallel_loop3A_218, %parallel_loop3A_299 : i32
          %parallel_loop3A_301 = arith.index_cast %parallel_loop3A_300 : i32 to index
          %parallel_loop3A_302 = tpu.vector_load %arg6[%parallel_loop3A_301] {strides = array<i32>} : memref<12560xf32, #tpu.memory_space<vmem>>, vector<16xf32>,
          %parallel_loop3A_303 = vector.shape_cast %parallel_loop3A_302 : vector<16xf32> to vector<16xf32>
          %parallel_loop3A_304 = arith.constant 14 : i32
          %parallel_loop3A_305 = arith.muli %squeeze3A_164, %parallel_loop3A_304 : i32
          %parallel_loop3A_306 = arith.addi %parallel_loop3A_218, %parallel_loop3A_305 : i32
          %parallel_loop3A_307 = arith.constant 14 : i32
          %parallel_loop3A_308 = arith.addi %parallel_loop3A_306, %parallel_loop3A_307 : i32
          %parallel_loop3A_309 = arith.index_cast %parallel_loop3A_308 : i32 to index
          %parallel_loop3A_310 = tpu.vector_load %arg6[%parallel_loop3A_309] {strides = array<i32>} : memref<12560xf32, #tpu.memory_space<vmem>>, vector<16xf32>,
          %parallel_loop3A_311 = vector.shape_cast %parallel_loop3A_310 : vector<16xf32> to vector<16xf32>
          %parallel_loop3A_312 = arith.subf %parallel_loop3A_311, %parallel_loop3A_303 : vector<16xf32>
          %parallel_loop3A_313 = vector.broadcast %squeeze3A_166 : f32 to vector<16xf32>
          %parallel_loop3A_314 = arith.mulf %parallel_loop3A_313, %parallel_loop3A_312 : vector<16xf32>
          %parallel_loop3A_315 = arith.addf %parallel_loop3A_303, %parallel_loop3A_314 : vector<16xf32>
          %parallel_loop3A_316 = vector.shape_cast %gather3A_136 : vector<16xi32> to vector<16x1xi32>
          %parallel_loop3A_317 = vector.shape_cast %parallel_loop3A_316 : vector<16x1xi32> to vector<16xi32>
          %parallel_loop3A_318 = tpu.dynamic_gather %parallel_loop3A_297[%parallel_loop3A_317] in [0] : vector<16xf32>, vector<16xi32> -> vector<16xf32>
          %parallel_loop3A_319 = vector.shape_cast %add3A_139 : vector<16xi32> to vector<16x1xi32>
          %parallel_loop3A_320 = vector.shape_cast %parallel_loop3A_319 : vector<16x1xi32> to vector<16xi32>
          %parallel_loop3A_321 = tpu.dynamic_gather %parallel_loop3A_297[%parallel_loop3A_320] in [0] : vector<16xf32>, vector<16xi32> -> vector<16xf32>
          %parallel_loop3A_322 = arith.subf %parallel_loop3A_321, %parallel_loop3A_318 : vector<16xf32>
          %parallel_loop3A_323 = arith.mulf %gather3A_142, %parallel_loop3A_322 : vector<16xf32>
          %parallel_loop3A_324 = arith.addf %parallel_loop3A_318, %parallel_loop3A_323 : vector<16xf32>
          %parallel_loop3A_325 = vector.shape_cast %gather3A_136 : vector<16xi32> to vector<16x1xi32>
          %parallel_loop3A_326 = vector.shape_cast %parallel_loop3A_325 : vector<16x1xi32> to vector<16xi32>
          %parallel_loop3A_327 = tpu.dynamic_gather %parallel_loop3A_315[%parallel_loop3A_326] in [0] : vector<16xf32>, vector<16xi32> -> vector<16xf32>
          %parallel_loop3A_328 = vector.shape_cast %add3A_139 : vector<16xi32> to vector<16x1xi32>
          %parallel_loop3A_329 = vector.shape_cast %parallel_loop3A_328 : vector<16x1xi32> to vector<16xi32>
          %parallel_loop3A_330 = tpu.dynamic_gather %parallel_loop3A_315[%parallel_loop3A_329] in [0] : vector<16xf32>, vector<16xi32> -> vector<16xf32>
          %parallel_loop3A_331 = arith.subf %parallel_loop3A_330, %parallel_loop3A_327 : vector<16xf32>
          %parallel_loop3A_332 = arith.mulf %gather3A_142, %parallel_loop3A_331 : vector<16xf32>
          %parallel_loop3A_333 = arith.addf %parallel_loop3A_327, %parallel_loop3A_332 : vector<16xf32>
          %parallel_loop3A_334 = arith.maximumf %parallel_loop3A_324, %parallel_loop3A_333 : vector<16xf32>
          %parallel_loop3A_335 = vector.shape_cast %min3A_23 : vector<16xi32> to vector<16x1xi32>
          %parallel_loop3A_336 = vector.shape_cast %parallel_loop3A_335 : vector<16x1xi32> to vector<16xi32>
          %parallel_loop3A_337 = tpu.dynamic_gather %parallel_loop3A_334[%parallel_loop3A_336] in [0] : vector<16xf32>, vector<16xi32> -> vector<16xf32>
          %parallel_loop3A_338 = arith.maximumf %parallel_loop3A_334, %parallel_loop3A_337 : vector<16xf32>
          %parallel_loop3A_339 = arith.constant 14 : i32
          %parallel_loop3A_340 = arith.muli %squeeze3A_168, %parallel_loop3A_339 : i32
          %parallel_loop3A_341 = arith.addi %parallel_loop3A_218, %parallel_loop3A_340 : i32
          %parallel_loop3A_342 = arith.index_cast %parallel_loop3A_341 : i32 to index
          %parallel_loop3A_343 = tpu.vector_load %arg6[%parallel_loop3A_342] {strides = array<i32>} : memref<12560xf32, #tpu.memory_space<vmem>>, vector<16xf32>,
          %parallel_loop3A_344 = vector.shape_cast %parallel_loop3A_343 : vector<16xf32> to vector<16xf32>
          %parallel_loop3A_345 = arith.constant 14 : i32
          %parallel_loop3A_346 = arith.muli %squeeze3A_168, %parallel_loop3A_345 : i32
          %parallel_loop3A_347 = arith.addi %parallel_loop3A_218, %parallel_loop3A_346 : i32
          %parallel_loop3A_348 = arith.constant 14 : i32
          %parallel_loop3A_349 = arith.addi %parallel_loop3A_347, %parallel_loop3A_348 : i32
          %parallel_loop3A_350 = arith.index_cast %parallel_loop3A_349 : i32 to index
          %parallel_loop3A_351 = tpu.vector_load %arg6[%parallel_loop3A_350] {strides = array<i32>} : memref<12560xf32, #tpu.memory_space<vmem>>, vector<16xf32>,
          %parallel_loop3A_352 = vector.shape_cast %parallel_loop3A_351 : vector<16xf32> to vector<16xf32>
          %parallel_loop3A_353 = arith.subf %parallel_loop3A_352, %parallel_loop3A_344 : vector<16xf32>
          %parallel_loop3A_354 = vector.broadcast %squeeze3A_170 : f32 to vector<16xf32>
          %parallel_loop3A_355 = arith.mulf %parallel_loop3A_354, %parallel_loop3A_353 : vector<16xf32>
          %parallel_loop3A_356 = arith.addf %parallel_loop3A_344, %parallel_loop3A_355 : vector<16xf32>
          %parallel_loop3A_357 = arith.constant 14 : i32
          %parallel_loop3A_358 = arith.muli %squeeze3A_172, %parallel_loop3A_357 : i32
          %parallel_loop3A_359 = arith.addi %parallel_loop3A_218, %parallel_loop3A_358 : i32
          %parallel_loop3A_360 = arith.index_cast %parallel_loop3A_359 : i32 to index
          %parallel_loop3A_361 = tpu.vector_load %arg6[%parallel_loop3A_360] {strides = array<i32>} : memref<12560xf32, #tpu.memory_space<vmem>>, vector<16xf32>,
          %parallel_loop3A_362 = vector.shape_cast %parallel_loop3A_361 : vector<16xf32> to vector<16xf32>
          %parallel_loop3A_363 = arith.constant 14 : i32
          %parallel_loop3A_364 = arith.muli %squeeze3A_172, %parallel_loop3A_363 : i32
          %parallel_loop3A_365 = arith.addi %parallel_loop3A_218, %parallel_loop3A_364 : i32
          %parallel_loop3A_366 = arith.constant 14 : i32
          %parallel_loop3A_367 = arith.addi %parallel_loop3A_365, %parallel_loop3A_366 : i32
          %parallel_loop3A_368 = arith.index_cast %parallel_loop3A_367 : i32 to index
          %parallel_loop3A_369 = tpu.vector_load %arg6[%parallel_loop3A_368] {strides = array<i32>} : memref<12560xf32, #tpu.memory_space<vmem>>, vector<16xf32>,
          %parallel_loop3A_370 = vector.shape_cast %parallel_loop3A_369 : vector<16xf32> to vector<16xf32>
          %parallel_loop3A_371 = arith.subf %parallel_loop3A_370, %parallel_loop3A_362 : vector<16xf32>
          %parallel_loop3A_372 = vector.broadcast %squeeze3A_174 : f32 to vector<16xf32>
          %parallel_loop3A_373 = arith.mulf %parallel_loop3A_372, %parallel_loop3A_371 : vector<16xf32>
          %parallel_loop3A_374 = arith.addf %parallel_loop3A_362, %parallel_loop3A_373 : vector<16xf32>
          %parallel_loop3A_375 = vector.shape_cast %gather3A_136 : vector<16xi32> to vector<16x1xi32>
          %parallel_loop3A_376 = vector.shape_cast %parallel_loop3A_375 : vector<16x1xi32> to vector<16xi32>
          %parallel_loop3A_377 = tpu.dynamic_gather %parallel_loop3A_356[%parallel_loop3A_376] in [0] : vector<16xf32>, vector<16xi32> -> vector<16xf32>
          %parallel_loop3A_378 = vector.shape_cast %add3A_139 : vector<16xi32> to vector<16x1xi32>
          %parallel_loop3A_379 = vector.shape_cast %parallel_loop3A_378 : vector<16x1xi32> to vector<16xi32>
          %parallel_loop3A_380 = tpu.dynamic_gather %parallel_loop3A_356[%parallel_loop3A_379] in [0] : vector<16xf32>, vector<16xi32> -> vector<16xf32>
          %parallel_loop3A_381 = arith.subf %parallel_loop3A_380, %parallel_loop3A_377 : vector<16xf32>
          %parallel_loop3A_382 = arith.mulf %gather3A_142, %parallel_loop3A_381 : vector<16xf32>
          %parallel_loop3A_383 = arith.addf %parallel_loop3A_377, %parallel_loop3A_382 : vector<16xf32>
          %parallel_loop3A_384 = vector.shape_cast %gather3A_136 : vector<16xi32> to vector<16x1xi32>
          %parallel_loop3A_385 = vector.shape_cast %parallel_loop3A_384 : vector<16x1xi32> to vector<16xi32>
          %parallel_loop3A_386 = tpu.dynamic_gather %parallel_loop3A_374[%parallel_loop3A_385] in [0] : vector<16xf32>, vector<16xi32> -> vector<16xf32>
          %parallel_loop3A_387 = vector.shape_cast %add3A_139 : vector<16xi32> to vector<16x1xi32>
          %parallel_loop3A_388 = vector.shape_cast %parallel_loop3A_387 : vector<16x1xi32> to vector<16xi32>
          %parallel_loop3A_389 = tpu.dynamic_gather %parallel_loop3A_374[%parallel_loop3A_388] in [0] : vector<16xf32>, vector<16xi32> -> vector<16xf32>
          %parallel_loop3A_390 = arith.subf %parallel_loop3A_389, %parallel_loop3A_386 : vector<16xf32>
          %parallel_loop3A_391 = arith.mulf %gather3A_142, %parallel_loop3A_390 : vector<16xf32>
          %parallel_loop3A_392 = arith.addf %parallel_loop3A_386, %parallel_loop3A_391 : vector<16xf32>
          %parallel_loop3A_393 = arith.maximumf %parallel_loop3A_383, %parallel_loop3A_392 : vector<16xf32>
          %parallel_loop3A_394 = vector.shape_cast %min3A_23 : vector<16xi32> to vector<16x1xi32>
          %parallel_loop3A_395 = vector.shape_cast %parallel_loop3A_394 : vector<16x1xi32> to vector<16xi32>
          %parallel_loop3A_396 = tpu.dynamic_gather %parallel_loop3A_393[%parallel_loop3A_395] in [0] : vector<16xf32>, vector<16xi32> -> vector<16xf32>
          %parallel_loop3A_397 = arith.maximumf %parallel_loop3A_393, %parallel_loop3A_396 : vector<16xf32>
          %parallel_loop3A_398 = arith.constant 14 : i32
          %parallel_loop3A_399 = arith.muli %squeeze3A_176, %parallel_loop3A_398 : i32
          %parallel_loop3A_400 = arith.addi %parallel_loop3A_218, %parallel_loop3A_399 : i32
          %parallel_loop3A_401 = arith.index_cast %parallel_loop3A_400 : i32 to index
          %parallel_loop3A_402 = tpu.vector_load %arg6[%parallel_loop3A_401] {strides = array<i32>} : memref<12560xf32, #tpu.memory_space<vmem>>, vector<16xf32>,
          %parallel_loop3A_403 = vector.shape_cast %parallel_loop3A_402 : vector<16xf32> to vector<16xf32>
          %parallel_loop3A_404 = arith.constant 14 : i32
          %parallel_loop3A_405 = arith.muli %squeeze3A_176, %parallel_loop3A_404 : i32
          %parallel_loop3A_406 = arith.addi %parallel_loop3A_218, %parallel_loop3A_405 : i32
          %parallel_loop3A_407 = arith.constant 14 : i32
          %parallel_loop3A_408 = arith.addi %parallel_loop3A_406, %parallel_loop3A_407 : i32
          %parallel_loop3A_409 = arith.index_cast %parallel_loop3A_408 : i32 to index
          %parallel_loop3A_410 = tpu.vector_load %arg6[%parallel_loop3A_409] {strides = array<i32>} : memref<12560xf32, #tpu.memory_space<vmem>>, vector<16xf32>,
          %parallel_loop3A_411 = vector.shape_cast %parallel_loop3A_410 : vector<16xf32> to vector<16xf32>
          %parallel_loop3A_412 = arith.subf %parallel_loop3A_411, %parallel_loop3A_403 : vector<16xf32>
          %parallel_loop3A_413 = vector.broadcast %squeeze3A_178 : f32 to vector<16xf32>
          %parallel_loop3A_414 = arith.mulf %parallel_loop3A_413, %parallel_loop3A_412 : vector<16xf32>
          %parallel_loop3A_415 = arith.addf %parallel_loop3A_403, %parallel_loop3A_414 : vector<16xf32>
          %parallel_loop3A_416 = arith.constant 14 : i32
          %parallel_loop3A_417 = arith.muli %squeeze3A_180, %parallel_loop3A_416 : i32
          %parallel_loop3A_418 = arith.addi %parallel_loop3A_218, %parallel_loop3A_417 : i32
          %parallel_loop3A_419 = arith.index_cast %parallel_loop3A_418 : i32 to index
          %parallel_loop3A_420 = tpu.vector_load %arg6[%parallel_loop3A_419] {strides = array<i32>} : memref<12560xf32, #tpu.memory_space<vmem>>, vector<16xf32>,
          %parallel_loop3A_421 = vector.shape_cast %parallel_loop3A_420 : vector<16xf32> to vector<16xf32>
          %parallel_loop3A_422 = arith.constant 14 : i32
          %parallel_loop3A_423 = arith.muli %squeeze3A_180, %parallel_loop3A_422 : i32
          %parallel_loop3A_424 = arith.addi %parallel_loop3A_218, %parallel_loop3A_423 : i32
          %parallel_loop3A_425 = arith.constant 14 : i32
          %parallel_loop3A_426 = arith.addi %parallel_loop3A_424, %parallel_loop3A_425 : i32
          %parallel_loop3A_427 = arith.index_cast %parallel_loop3A_426 : i32 to index
          %parallel_loop3A_428 = tpu.vector_load %arg6[%parallel_loop3A_427] {strides = array<i32>} : memref<12560xf32, #tpu.memory_space<vmem>>, vector<16xf32>,
          %parallel_loop3A_429 = vector.shape_cast %parallel_loop3A_428 : vector<16xf32> to vector<16xf32>
          %parallel_loop3A_430 = arith.subf %parallel_loop3A_429, %parallel_loop3A_421 : vector<16xf32>
          %parallel_loop3A_431 = vector.broadcast %squeeze3A_182 : f32 to vector<16xf32>
          %parallel_loop3A_432 = arith.mulf %parallel_loop3A_431, %parallel_loop3A_430 : vector<16xf32>
          %parallel_loop3A_433 = arith.addf %parallel_loop3A_421, %parallel_loop3A_432 : vector<16xf32>
          %parallel_loop3A_434 = vector.shape_cast %gather3A_136 : vector<16xi32> to vector<16x1xi32>
          %parallel_loop3A_435 = vector.shape_cast %parallel_loop3A_434 : vector<16x1xi32> to vector<16xi32>
          %parallel_loop3A_436 = tpu.dynamic_gather %parallel_loop3A_415[%parallel_loop3A_435] in [0] : vector<16xf32>, vector<16xi32> -> vector<16xf32>
          %parallel_loop3A_437 = vector.shape_cast %add3A_139 : vector<16xi32> to vector<16x1xi32>
          %parallel_loop3A_438 = vector.shape_cast %parallel_loop3A_437 : vector<16x1xi32> to vector<16xi32>
          %parallel_loop3A_439 = tpu.dynamic_gather %parallel_loop3A_415[%parallel_loop3A_438] in [0] : vector<16xf32>, vector<16xi32> -> vector<16xf32>
          %parallel_loop3A_440 = arith.subf %parallel_loop3A_439, %parallel_loop3A_436 : vector<16xf32>
          %parallel_loop3A_441 = arith.mulf %gather3A_142, %parallel_loop3A_440 : vector<16xf32>
          %parallel_loop3A_442 = arith.addf %parallel_loop3A_436, %parallel_loop3A_441 : vector<16xf32>
          %parallel_loop3A_443 = vector.shape_cast %gather3A_136 : vector<16xi32> to vector<16x1xi32>
          %parallel_loop3A_444 = vector.shape_cast %parallel_loop3A_443 : vector<16x1xi32> to vector<16xi32>
          %parallel_loop3A_445 = tpu.dynamic_gather %parallel_loop3A_433[%parallel_loop3A_444] in [0] : vector<16xf32>, vector<16xi32> -> vector<16xf32>
          %parallel_loop3A_446 = vector.shape_cast %add3A_139 : vector<16xi32> to vector<16x1xi32>
          %parallel_loop3A_447 = vector.shape_cast %parallel_loop3A_446 : vector<16x1xi32> to vector<16xi32>
          %parallel_loop3A_448 = tpu.dynamic_gather %parallel_loop3A_433[%parallel_loop3A_447] in [0] : vector<16xf32>, vector<16xi32> -> vector<16xf32>
          %parallel_loop3A_449 = arith.subf %parallel_loop3A_448, %parallel_loop3A_445 : vector<16xf32>
          %parallel_loop3A_450 = arith.mulf %gather3A_142, %parallel_loop3A_449 : vector<16xf32>
          %parallel_loop3A_451 = arith.addf %parallel_loop3A_445, %parallel_loop3A_450 : vector<16xf32>
          %parallel_loop3A_452 = arith.maximumf %parallel_loop3A_442, %parallel_loop3A_451 : vector<16xf32>
          %parallel_loop3A_453 = vector.shape_cast %min3A_23 : vector<16xi32> to vector<16x1xi32>
          %parallel_loop3A_454 = vector.shape_cast %parallel_loop3A_453 : vector<16x1xi32> to vector<16xi32>
          %parallel_loop3A_455 = tpu.dynamic_gather %parallel_loop3A_452[%parallel_loop3A_454] in [0] : vector<16xf32>, vector<16xi32> -> vector<16xf32>
          %parallel_loop3A_456 = arith.maximumf %parallel_loop3A_452, %parallel_loop3A_455 : vector<16xf32>
          %parallel_loop3A_457 = arith.constant 14 : i32
          %parallel_loop3A_458 = arith.muli %squeeze3A_184, %parallel_loop3A_457 : i32
          %parallel_loop3A_459 = arith.addi %parallel_loop3A_218, %parallel_loop3A_458 : i32
          %parallel_loop3A_460 = arith.index_cast %parallel_loop3A_459 : i32 to index
          %parallel_loop3A_461 = tpu.vector_load %arg6[%parallel_loop3A_460] {strides = array<i32>} : memref<12560xf32, #tpu.memory_space<vmem>>, vector<16xf32>,
          %parallel_loop3A_462 = vector.shape_cast %parallel_loop3A_461 : vector<16xf32> to vector<16xf32>
          %parallel_loop3A_463 = arith.constant 14 : i32
          %parallel_loop3A_464 = arith.muli %squeeze3A_184, %parallel_loop3A_463 : i32
          %parallel_loop3A_465 = arith.addi %parallel_loop3A_218, %parallel_loop3A_464 : i32
          %parallel_loop3A_466 = arith.constant 14 : i32
          %parallel_loop3A_467 = arith.addi %parallel_loop3A_465, %parallel_loop3A_466 : i32
          %parallel_loop3A_468 = arith.index_cast %parallel_loop3A_467 : i32 to index
          %parallel_loop3A_469 = tpu.vector_load %arg6[%parallel_loop3A_468] {strides = array<i32>} : memref<12560xf32, #tpu.memory_space<vmem>>, vector<16xf32>,
          %parallel_loop3A_470 = vector.shape_cast %parallel_loop3A_469 : vector<16xf32> to vector<16xf32>
          %parallel_loop3A_471 = arith.subf %parallel_loop3A_470, %parallel_loop3A_462 : vector<16xf32>
          %parallel_loop3A_472 = vector.broadcast %squeeze3A_186 : f32 to vector<16xf32>
          %parallel_loop3A_473 = arith.mulf %parallel_loop3A_472, %parallel_loop3A_471 : vector<16xf32>
          %parallel_loop3A_474 = arith.addf %parallel_loop3A_462, %parallel_loop3A_473 : vector<16xf32>
          %parallel_loop3A_475 = arith.constant 14 : i32
          %parallel_loop3A_476 = arith.muli %squeeze3A_188, %parallel_loop3A_475 : i32
          %parallel_loop3A_477 = arith.addi %parallel_loop3A_218, %parallel_loop3A_476 : i32
          %parallel_loop3A_478 = arith.index_cast %parallel_loop3A_477 : i32 to index
          %parallel_loop3A_479 = tpu.vector_load %arg6[%parallel_loop3A_478] {strides = array<i32>} : memref<12560xf32, #tpu.memory_space<vmem>>, vector<16xf32>,
          %parallel_loop3A_480 = vector.shape_cast %parallel_loop3A_479 : vector<16xf32> to vector<16xf32>
          %parallel_loop3A_481 = arith.constant 14 : i32
          %parallel_loop3A_482 = arith.muli %squeeze3A_188, %parallel_loop3A_481 : i32
          %parallel_loop3A_483 = arith.addi %parallel_loop3A_218, %parallel_loop3A_482 : i32
          %parallel_loop3A_484 = arith.constant 14 : i32
          %parallel_loop3A_485 = arith.addi %parallel_loop3A_483, %parallel_loop3A_484 : i32
          %parallel_loop3A_486 = arith.index_cast %parallel_loop3A_485 : i32 to index
          %parallel_loop3A_487 = tpu.vector_load %arg6[%parallel_loop3A_486] {strides = array<i32>} : memref<12560xf32, #tpu.memory_space<vmem>>, vector<16xf32>,
          %parallel_loop3A_488 = vector.shape_cast %parallel_loop3A_487 : vector<16xf32> to vector<16xf32>
          %parallel_loop3A_489 = arith.subf %parallel_loop3A_488, %parallel_loop3A_480 : vector<16xf32>
          %parallel_loop3A_490 = vector.broadcast %squeeze3A_190 : f32 to vector<16xf32>
          %parallel_loop3A_491 = arith.mulf %parallel_loop3A_490, %parallel_loop3A_489 : vector<16xf32>
          %parallel_loop3A_492 = arith.addf %parallel_loop3A_480, %parallel_loop3A_491 : vector<16xf32>
          %parallel_loop3A_493 = vector.shape_cast %gather3A_136 : vector<16xi32> to vector<16x1xi32>
          %parallel_loop3A_494 = vector.shape_cast %parallel_loop3A_493 : vector<16x1xi32> to vector<16xi32>
          %parallel_loop3A_495 = tpu.dynamic_gather %parallel_loop3A_474[%parallel_loop3A_494] in [0] : vector<16xf32>, vector<16xi32> -> vector<16xf32>
          %parallel_loop3A_496 = vector.shape_cast %add3A_139 : vector<16xi32> to vector<16x1xi32>
          %parallel_loop3A_497 = vector.shape_cast %parallel_loop3A_496 : vector<16x1xi32> to vector<16xi32>
          %parallel_loop3A_498 = tpu.dynamic_gather %parallel_loop3A_474[%parallel_loop3A_497] in [0] : vector<16xf32>, vector<16xi32> -> vector<16xf32>
          %parallel_loop3A_499 = arith.subf %parallel_loop3A_498, %parallel_loop3A_495 : vector<16xf32>
          %parallel_loop3A_500 = arith.mulf %gather3A_142, %parallel_loop3A_499 : vector<16xf32>
          %parallel_loop3A_501 = arith.addf %parallel_loop3A_495, %parallel_loop3A_500 : vector<16xf32>
          %parallel_loop3A_502 = vector.shape_cast %gather3A_136 : vector<16xi32> to vector<16x1xi32>
          %parallel_loop3A_503 = vector.shape_cast %parallel_loop3A_502 : vector<16x1xi32> to vector<16xi32>
          %parallel_loop3A_504 = tpu.dynamic_gather %parallel_loop3A_492[%parallel_loop3A_503] in [0] : vector<16xf32>, vector<16xi32> -> vector<16xf32>
          %parallel_loop3A_505 = vector.shape_cast %add3A_139 : vector<16xi32> to vector<16x1xi32>
          %parallel_loop3A_506 = vector.shape_cast %parallel_loop3A_505 : vector<16x1xi32> to vector<16xi32>
          %parallel_loop3A_507 = tpu.dynamic_gather %parallel_loop3A_492[%parallel_loop3A_506] in [0] : vector<16xf32>, vector<16xi32> -> vector<16xf32>
          %parallel_loop3A_508 = arith.subf %parallel_loop3A_507, %parallel_loop3A_504 : vector<16xf32>
          %parallel_loop3A_509 = arith.mulf %gather3A_142, %parallel_loop3A_508 : vector<16xf32>
          %parallel_loop3A_510 = arith.addf %parallel_loop3A_504, %parallel_loop3A_509 : vector<16xf32>
          %parallel_loop3A_511 = arith.maximumf %parallel_loop3A_501, %parallel_loop3A_510 : vector<16xf32>
          %parallel_loop3A_512 = vector.shape_cast %min3A_23 : vector<16xi32> to vector<16x1xi32>
          %parallel_loop3A_513 = vector.shape_cast %parallel_loop3A_512 : vector<16x1xi32> to vector<16xi32>
          %parallel_loop3A_514 = tpu.dynamic_gather %parallel_loop3A_511[%parallel_loop3A_513] in [0] : vector<16xf32>, vector<16xi32> -> vector<16xf32>
          %parallel_loop3A_515 = arith.maximumf %parallel_loop3A_511, %parallel_loop3A_514 : vector<16xf32>
          %parallel_loop3A_516 = arith.constant 14 : i32
          %parallel_loop3A_517 = arith.muli %squeeze3A_192, %parallel_loop3A_516 : i32
          %parallel_loop3A_518 = arith.addi %parallel_loop3A_218, %parallel_loop3A_517 : i32
          %parallel_loop3A_519 = arith.index_cast %parallel_loop3A_518 : i32 to index
          %parallel_loop3A_520 = tpu.vector_load %arg6[%parallel_loop3A_519] {strides = array<i32>} : memref<12560xf32, #tpu.memory_space<vmem>>, vector<16xf32>,
          %parallel_loop3A_521 = vector.shape_cast %parallel_loop3A_520 : vector<16xf32> to vector<16xf32>
          %parallel_loop3A_522 = arith.constant 14 : i32
          %parallel_loop3A_523 = arith.muli %squeeze3A_192, %parallel_loop3A_522 : i32
          %parallel_loop3A_524 = arith.addi %parallel_loop3A_218, %parallel_loop3A_523 : i32
          %parallel_loop3A_525 = arith.constant 14 : i32
          %parallel_loop3A_526 = arith.addi %parallel_loop3A_524, %parallel_loop3A_525 : i32
          %parallel_loop3A_527 = arith.index_cast %parallel_loop3A_526 : i32 to index
          %parallel_loop3A_528 = tpu.vector_load %arg6[%parallel_loop3A_527] {strides = array<i32>} : memref<12560xf32, #tpu.memory_space<vmem>>, vector<16xf32>,
          %parallel_loop3A_529 = vector.shape_cast %parallel_loop3A_528 : vector<16xf32> to vector<16xf32>
          %parallel_loop3A_530 = arith.subf %parallel_loop3A_529, %parallel_loop3A_521 : vector<16xf32>
          %parallel_loop3A_531 = vector.broadcast %squeeze3A_194 : f32 to vector<16xf32>
          %parallel_loop3A_532 = arith.mulf %parallel_loop3A_531, %parallel_loop3A_530 : vector<16xf32>
          %parallel_loop3A_533 = arith.addf %parallel_loop3A_521, %parallel_loop3A_532 : vector<16xf32>
          %parallel_loop3A_534 = arith.constant 14 : i32
          %parallel_loop3A_535 = arith.muli %squeeze3A_196, %parallel_loop3A_534 : i32
          %parallel_loop3A_536 = arith.addi %parallel_loop3A_218, %parallel_loop3A_535 : i32
          %parallel_loop3A_537 = arith.index_cast %parallel_loop3A_536 : i32 to index
          %parallel_loop3A_538 = tpu.vector_load %arg6[%parallel_loop3A_537] {strides = array<i32>} : memref<12560xf32, #tpu.memory_space<vmem>>, vector<16xf32>,
          %parallel_loop3A_539 = vector.shape_cast %parallel_loop3A_538 : vector<16xf32> to vector<16xf32>
          %parallel_loop3A_540 = arith.constant 14 : i32
          %parallel_loop3A_541 = arith.muli %squeeze3A_196, %parallel_loop3A_540 : i32
          %parallel_loop3A_542 = arith.addi %parallel_loop3A_218, %parallel_loop3A_541 : i32
          %parallel_loop3A_543 = arith.constant 14 : i32
          %parallel_loop3A_544 = arith.addi %parallel_loop3A_542, %parallel_loop3A_543 : i32
          %parallel_loop3A_545 = arith.index_cast %parallel_loop3A_544 : i32 to index
          %parallel_loop3A_546 = tpu.vector_load %arg6[%parallel_loop3A_545] {strides = array<i32>} : memref<12560xf32, #tpu.memory_space<vmem>>, vector<16xf32>,
          %parallel_loop3A_547 = vector.shape_cast %parallel_loop3A_546 : vector<16xf32> to vector<16xf32>
          %parallel_loop3A_548 = arith.subf %parallel_loop3A_547, %parallel_loop3A_539 : vector<16xf32>
          %parallel_loop3A_549 = vector.broadcast %squeeze3A_198 : f32 to vector<16xf32>
          %parallel_loop3A_550 = arith.mulf %parallel_loop3A_549, %parallel_loop3A_548 : vector<16xf32>
          %parallel_loop3A_551 = arith.addf %parallel_loop3A_539, %parallel_loop3A_550 : vector<16xf32>
          %parallel_loop3A_552 = vector.shape_cast %gather3A_136 : vector<16xi32> to vector<16x1xi32>
          %parallel_loop3A_553 = vector.shape_cast %parallel_loop3A_552 : vector<16x1xi32> to vector<16xi32>
          %parallel_loop3A_554 = tpu.dynamic_gather %parallel_loop3A_533[%parallel_loop3A_553] in [0] : vector<16xf32>, vector<16xi32> -> vector<16xf32>
          %parallel_loop3A_555 = vector.shape_cast %add3A_139 : vector<16xi32> to vector<16x1xi32>
          %parallel_loop3A_556 = vector.shape_cast %parallel_loop3A_555 : vector<16x1xi32> to vector<16xi32>
          %parallel_loop3A_557 = tpu.dynamic_gather %parallel_loop3A_533[%parallel_loop3A_556] in [0] : vector<16xf32>, vector<16xi32> -> vector<16xf32>
          %parallel_loop3A_558 = arith.subf %parallel_loop3A_557, %parallel_loop3A_554 : vector<16xf32>
          %parallel_loop3A_559 = arith.mulf %gather3A_142, %parallel_loop3A_558 : vector<16xf32>
          %parallel_loop3A_560 = arith.addf %parallel_loop3A_554, %parallel_loop3A_559 : vector<16xf32>
          %parallel_loop3A_561 = vector.shape_cast %gather3A_136 : vector<16xi32> to vector<16x1xi32>
          %parallel_loop3A_562 = vector.shape_cast %parallel_loop3A_561 : vector<16x1xi32> to vector<16xi32>
          %parallel_loop3A_563 = tpu.dynamic_gather %parallel_loop3A_551[%parallel_loop3A_562] in [0] : vector<16xf32>, vector<16xi32> -> vector<16xf32>
          %parallel_loop3A_564 = vector.shape_cast %add3A_139 : vector<16xi32> to vector<16x1xi32>
          %parallel_loop3A_565 = vector.shape_cast %parallel_loop3A_564 : vector<16x1xi32> to vector<16xi32>
          %parallel_loop3A_566 = tpu.dynamic_gather %parallel_loop3A_551[%parallel_loop3A_565] in [0] : vector<16xf32>, vector<16xi32> -> vector<16xf32>
          %parallel_loop3A_567 = arith.subf %parallel_loop3A_566, %parallel_loop3A_563 : vector<16xf32>
          %parallel_loop3A_568 = arith.mulf %gather3A_142, %parallel_loop3A_567 : vector<16xf32>
          %parallel_loop3A_569 = arith.addf %parallel_loop3A_563, %parallel_loop3A_568 : vector<16xf32>
          %parallel_loop3A_570 = arith.maximumf %parallel_loop3A_560, %parallel_loop3A_569 : vector<16xf32>
          %parallel_loop3A_571 = vector.shape_cast %min3A_23 : vector<16xi32> to vector<16x1xi32>
          %parallel_loop3A_572 = vector.shape_cast %parallel_loop3A_571 : vector<16x1xi32> to vector<16xi32>
          %parallel_loop3A_573 = tpu.dynamic_gather %parallel_loop3A_570[%parallel_loop3A_572] in [0] : vector<16xf32>, vector<16xi32> -> vector<16xf32>
          %parallel_loop3A_574 = arith.maximumf %parallel_loop3A_570, %parallel_loop3A_573 : vector<16xf32>
          %parallel_loop3A_575 = arith.constant 14 : i32
          %parallel_loop3A_576 = arith.muli %squeeze3A_200, %parallel_loop3A_575 : i32
          %parallel_loop3A_577 = arith.addi %parallel_loop3A_218, %parallel_loop3A_576 : i32
          %parallel_loop3A_578 = arith.index_cast %parallel_loop3A_577 : i32 to index
          %parallel_loop3A_579 = tpu.vector_load %arg6[%parallel_loop3A_578] {strides = array<i32>} : memref<12560xf32, #tpu.memory_space<vmem>>, vector<16xf32>,
          %parallel_loop3A_580 = vector.shape_cast %parallel_loop3A_579 : vector<16xf32> to vector<16xf32>
          %parallel_loop3A_581 = arith.constant 14 : i32
          %parallel_loop3A_582 = arith.muli %squeeze3A_200, %parallel_loop3A_581 : i32
          %parallel_loop3A_583 = arith.addi %parallel_loop3A_218, %parallel_loop3A_582 : i32
          %parallel_loop3A_584 = arith.constant 14 : i32
          %parallel_loop3A_585 = arith.addi %parallel_loop3A_583, %parallel_loop3A_584 : i32
          %parallel_loop3A_586 = arith.index_cast %parallel_loop3A_585 : i32 to index
          %parallel_loop3A_587 = tpu.vector_load %arg6[%parallel_loop3A_586] {strides = array<i32>} : memref<12560xf32, #tpu.memory_space<vmem>>, vector<16xf32>,
          %parallel_loop3A_588 = vector.shape_cast %parallel_loop3A_587 : vector<16xf32> to vector<16xf32>
          %parallel_loop3A_589 = arith.subf %parallel_loop3A_588, %parallel_loop3A_580 : vector<16xf32>
          %parallel_loop3A_590 = vector.broadcast %squeeze3A_202 : f32 to vector<16xf32>
          %parallel_loop3A_591 = arith.mulf %parallel_loop3A_590, %parallel_loop3A_589 : vector<16xf32>
          %parallel_loop3A_592 = arith.addf %parallel_loop3A_580, %parallel_loop3A_591 : vector<16xf32>
          %parallel_loop3A_593 = arith.constant 14 : i32
          %parallel_loop3A_594 = arith.muli %squeeze3A_204, %parallel_loop3A_593 : i32
          %parallel_loop3A_595 = arith.addi %parallel_loop3A_218, %parallel_loop3A_594 : i32
          %parallel_loop3A_596 = arith.index_cast %parallel_loop3A_595 : i32 to index
          %parallel_loop3A_597 = tpu.vector_load %arg6[%parallel_loop3A_596] {strides = array<i32>} : memref<12560xf32, #tpu.memory_space<vmem>>, vector<16xf32>,
          %parallel_loop3A_598 = vector.shape_cast %parallel_loop3A_597 : vector<16xf32> to vector<16xf32>
          %parallel_loop3A_599 = arith.constant 14 : i32
          %parallel_loop3A_600 = arith.muli %squeeze3A_204, %parallel_loop3A_599 : i32
          %parallel_loop3A_601 = arith.addi %parallel_loop3A_218, %parallel_loop3A_600 : i32
          %parallel_loop3A_602 = arith.constant 14 : i32
          %parallel_loop3A_603 = arith.addi %parallel_loop3A_601, %parallel_loop3A_602 : i32
          %parallel_loop3A_604 = arith.index_cast %parallel_loop3A_603 : i32 to index
          %parallel_loop3A_605 = tpu.vector_load %arg6[%parallel_loop3A_604] {strides = array<i32>} : memref<12560xf32, #tpu.memory_space<vmem>>, vector<16xf32>,
          %parallel_loop3A_606 = vector.shape_cast %parallel_loop3A_605 : vector<16xf32> to vector<16xf32>
          %parallel_loop3A_607 = arith.subf %parallel_loop3A_606, %parallel_loop3A_598 : vector<16xf32>
          %parallel_loop3A_608 = vector.broadcast %squeeze3A_206 : f32 to vector<16xf32>
          %parallel_loop3A_609 = arith.mulf %parallel_loop3A_608, %parallel_loop3A_607 : vector<16xf32>
          %parallel_loop3A_610 = arith.addf %parallel_loop3A_598, %parallel_loop3A_609 : vector<16xf32>
          %parallel_loop3A_611 = vector.shape_cast %gather3A_136 : vector<16xi32> to vector<16x1xi32>
          %parallel_loop3A_612 = vector.shape_cast %parallel_loop3A_611 : vector<16x1xi32> to vector<16xi32>
          %parallel_loop3A_613 = tpu.dynamic_gather %parallel_loop3A_592[%parallel_loop3A_612] in [0] : vector<16xf32>, vector<16xi32> -> vector<16xf32>
          %parallel_loop3A_614 = vector.shape_cast %add3A_139 : vector<16xi32> to vector<16x1xi32>
          %parallel_loop3A_615 = vector.shape_cast %parallel_loop3A_614 : vector<16x1xi32> to vector<16xi32>
          %parallel_loop3A_616 = tpu.dynamic_gather %parallel_loop3A_592[%parallel_loop3A_615] in [0] : vector<16xf32>, vector<16xi32> -> vector<16xf32>
          %parallel_loop3A_617 = arith.subf %parallel_loop3A_616, %parallel_loop3A_613 : vector<16xf32>
          %parallel_loop3A_618 = arith.mulf %gather3A_142, %parallel_loop3A_617 : vector<16xf32>
          %parallel_loop3A_619 = arith.addf %parallel_loop3A_613, %parallel_loop3A_618 : vector<16xf32>
          %parallel_loop3A_620 = vector.shape_cast %gather3A_136 : vector<16xi32> to vector<16x1xi32>
          %parallel_loop3A_621 = vector.shape_cast %parallel_loop3A_620 : vector<16x1xi32> to vector<16xi32>
          %parallel_loop3A_622 = tpu.dynamic_gather %parallel_loop3A_610[%parallel_loop3A_621] in [0] : vector<16xf32>, vector<16xi32> -> vector<16xf32>
          %parallel_loop3A_623 = vector.shape_cast %add3A_139 : vector<16xi32> to vector<16x1xi32>
          %parallel_loop3A_624 = vector.shape_cast %parallel_loop3A_623 : vector<16x1xi32> to vector<16xi32>
          %parallel_loop3A_625 = tpu.dynamic_gather %parallel_loop3A_610[%parallel_loop3A_624] in [0] : vector<16xf32>, vector<16xi32> -> vector<16xf32>
          %parallel_loop3A_626 = arith.subf %parallel_loop3A_625, %parallel_loop3A_622 : vector<16xf32>
          %parallel_loop3A_627 = arith.mulf %gather3A_142, %parallel_loop3A_626 : vector<16xf32>
          %parallel_loop3A_628 = arith.addf %parallel_loop3A_622, %parallel_loop3A_627 : vector<16xf32>
          %parallel_loop3A_629 = arith.maximumf %parallel_loop3A_619, %parallel_loop3A_628 : vector<16xf32>
          %parallel_loop3A_630 = vector.shape_cast %min3A_23 : vector<16xi32> to vector<16x1xi32>
          %parallel_loop3A_631 = vector.shape_cast %parallel_loop3A_630 : vector<16x1xi32> to vector<16xi32>
          %parallel_loop3A_632 = tpu.dynamic_gather %parallel_loop3A_629[%parallel_loop3A_631] in [0] : vector<16xf32>, vector<16xi32> -> vector<16xf32>
          %parallel_loop3A_633 = arith.maximumf %parallel_loop3A_629, %parallel_loop3A_632 : vector<16xf32>
          %parallel_loop3A_634 = vector.shape_cast %max3A_28 : vector<16xi32> to vector<16x1xi32>
          %parallel_loop3A_635 = vector.shape_cast %parallel_loop3A_634 : vector<16x1xi32> to vector<16xi32>
          %parallel_loop3A_636 = tpu.dynamic_gather %parallel_loop3A_338[%parallel_loop3A_635] in [0] : vector<16xf32>, vector<16xi32> -> vector<16xf32>
          %parallel_loop3A_637 = arith.select %lt3A_6, %parallel_loop3A_279, %parallel_loop3A_636 : vector<16xi1>, vector<16xf32>
          %parallel_loop3A_638 = arith.constant 0 : i32
          %parallel_loop3A_639 = arith.addi %parallel_loop3A_220, %parallel_loop3A_638 : i32
          %parallel_loop3A_640 = arith.index_cast %parallel_loop3A_639 : i32 to index
          %parallel_loop3A_641 = tpu.vector_load %arg8[%parallel_loop3A_640] {strides = array<i32>} : memref<4096xf32, #tpu.memory_space<vmem>>, vector<16xf32>,
          %parallel_loop3A_642 = vector.shape_cast %parallel_loop3A_641 : vector<16xf32> to vector<16xf32>
          %parallel_loop3A_643 = vector.shape_cast %parallel_loop3A_637 : vector<16xf32> to vector<16xf32>
          tpu.vector_store %arg8[%parallel_loop3A_640], %parallel_loop3A_643 {strides = array<i32>} : memref<4096xf32, #tpu.memory_space<vmem>>, vector<16xf32>,
          %parallel_loop3A_644 = vector.shape_cast %max3A_28 : vector<16xi32> to vector<16x1xi32>
          %parallel_loop3A_645 = vector.shape_cast %parallel_loop3A_644 : vector<16x1xi32> to vector<16xi32>
          %parallel_loop3A_646 = tpu.dynamic_gather %parallel_loop3A_456[%parallel_loop3A_645] in [0] : vector<16xf32>, vector<16xi32> -> vector<16xf32>
          %parallel_loop3A_647 = arith.select %lt3A_6, %parallel_loop3A_397, %parallel_loop3A_646 : vector<16xi1>, vector<16xf32>
          %parallel_loop3A_648 = arith.constant 16 : i32
          %parallel_loop3A_649 = arith.addi %parallel_loop3A_220, %parallel_loop3A_648 : i32
          %parallel_loop3A_650 = arith.index_cast %parallel_loop3A_649 : i32 to index
          %parallel_loop3A_651 = tpu.vector_load %arg8[%parallel_loop3A_650] {strides = array<i32>} : memref<4096xf32, #tpu.memory_space<vmem>>, vector<16xf32>,
          %parallel_loop3A_652 = vector.shape_cast %parallel_loop3A_651 : vector<16xf32> to vector<16xf32>
          %parallel_loop3A_653 = vector.shape_cast %parallel_loop3A_647 : vector<16xf32> to vector<16xf32>
          tpu.vector_store %arg8[%parallel_loop3A_650], %parallel_loop3A_653 {strides = array<i32>} : memref<4096xf32, #tpu.memory_space<vmem>>, vector<16xf32>,
          %parallel_loop3A_654 = vector.shape_cast %max3A_28 : vector<16xi32> to vector<16x1xi32>
          %parallel_loop3A_655 = vector.shape_cast %parallel_loop3A_654 : vector<16x1xi32> to vector<16xi32>
          %parallel_loop3A_656 = tpu.dynamic_gather %parallel_loop3A_574[%parallel_loop3A_655] in [0] : vector<16xf32>, vector<16xi32> -> vector<16xf32>
          %parallel_loop3A_657 = arith.select %lt3A_6, %parallel_loop3A_515, %parallel_loop3A_656 : vector<16xi1>, vector<16xf32>
          %parallel_loop3A_658 = arith.constant 32 : i32
          %parallel_loop3A_659 = arith.addi %parallel_loop3A_220, %parallel_loop3A_658 : i32
          %parallel_loop3A_660 = arith.index_cast %parallel_loop3A_659 : i32 to index
          %parallel_loop3A_661 = tpu.vector_load %arg8[%parallel_loop3A_660] {strides = array<i32>} : memref<4096xf32, #tpu.memory_space<vmem>>, vector<16xf32>,
          %parallel_loop3A_662 = vector.shape_cast %parallel_loop3A_661 : vector<16xf32> to vector<16xf32>
          %parallel_loop3A_663 = vector.shape_cast %parallel_loop3A_657 : vector<16xf32> to vector<16xf32>
          tpu.vector_store %arg8[%parallel_loop3A_660], %parallel_loop3A_663 {strides = array<i32>} : memref<4096xf32, #tpu.memory_space<vmem>>, vector<16xf32>,
          %parallel_loop3A_664 = arith.constant 48 : i32
          %parallel_loop3A_665 = arith.addi %parallel_loop3A_220, %parallel_loop3A_664 : i32
          %parallel_loop3A_666 = arith.index_cast %parallel_loop3A_665 : i32 to index
          %parallel_loop3A_667 = tpu.vector_load %arg8[%parallel_loop3A_666] {strides = array<i32>} : memref<4096xf32, #tpu.memory_space<vmem>>, vector<16xf32>,
          %parallel_loop3A_668 = vector.shape_cast %parallel_loop3A_667 : vector<16xf32> to vector<16xf32>
          %parallel_loop3A_669 = vector.shape_cast %parallel_loop3A_633 : vector<16xf32> to vector<16xf32>
          tpu.vector_store %arg8[%parallel_loop3A_666], %parallel_loop3A_669 {strides = array<i32>} : memref<4096xf32, #tpu.memory_space<vmem>>, vector<16xf32>,
        } {sc.loop_unroll_factor = 2 : i64, sc.parallel_access}
        %mul3A_209 = arith.constant 4096 : i32
        %mul3A_210 = arith.muli %add3A_80, %mul3A_209 : i32
        %dma_start3A = arith.constant 0 : i32
        %dma_start3A_211 = tpu.memref_slice %arg8[%dma_start3A] : memref<4096xf32, #tpu.memory_space<vmem>> -> memref<4096xf32, #tpu.memory_space<vmem>>
        %dma_start3A_212 = tpu.memref_slice %arg4[%mul3A_210] : memref<20480000xf32, #tpu.memory_space<hbm>> -> memref<4096xf32, #tpu.memory_space<hbm>>
        %dma_start3A_213 = tpu.memref_slice %arg4[%mul3A_210] : memref<20480000xf32, #tpu.memory_space<hbm>> -> memref<4096xf32, #tpu.memory_space<hbm>>
        %dma_start3A_214 = arith.constant 0 : i32
        %dma_start3A_215 = tpu.memref_slice %arg8[%dma_start3A_214] : memref<4096xf32, #tpu.memory_space<vmem>> -> memref<4096xf32, #tpu.memory_space<vmem>>
        tpu.enqueue_dma source(%dma_start3A_215 : memref<4096xf32, #tpu.memory_space<vmem>>) target(%dma_start3A_213 : memref<4096xf32, #tpu.memory_space<hbm>>) target_semaphore(%arg12 : memref<!tpu.dma_semaphore, #tpu.memory_space<semaphore_mem>>)
      } else {
      }
      %lt3A_86 = arith.constant 78 : i32
      %lt3A_87 = arith.cmpi slt, %scan3A_60, %lt3A_86 : i32
      %convert_element_type3A_88 = arith.extui %lt3A_87 : i1 to i32
      %cond3A_89 = arith.constant 0 : i32
      %cond3A_90 = arith.cmpi ne, %convert_element_type3A_88, %cond3A_89 : i32
      scf.if %cond3A_90 {
        %add3A_110 = arith.constant 2 : i32
        %add3A_111 = arith.addi %mul3A_62, %add3A_110 : i32
        %add3A_112 = arith.addi %mul3A_2, %add3A_111 : i32
        %lt3A_113 = arith.constant 5000 : i32
        %lt3A_114 = arith.cmpi slt, %add3A_112, %lt3A_113 : i32
        %convert_element_type3A_115 = arith.extui %lt3A_114 : i1 to i32
        %cond3A_116 = arith.constant 0 : i32
        %cond3A_117 = arith.cmpi ne, %convert_element_type3A_115, %cond3A_116 : i32
        scf.if %cond3A_117 {
          %mul3A_118 = arith.constant 12544 : i32
          %mul3A_119 = arith.muli %add3A_112, %mul3A_118 : i32
          %dma_start3A = arith.constant 0 : i32
          %dma_start3A_120 = tpu.memref_slice %arg6[%dma_start3A] : memref<12560xf32, #tpu.memory_space<vmem>> -> memref<12544xf32, #tpu.memory_space<vmem>>
          %dma_start3A_121 = tpu.memref_slice %arg2[%mul3A_119] : memref<62720000xf32, #tpu.memory_space<hbm>> -> memref<12544xf32, #tpu.memory_space<hbm>>
          %dma_start3A_122 = arith.constant 0 : i32
          %dma_start3A_123 = tpu.memref_slice %arg6[%dma_start3A_122] : memref<12560xf32, #tpu.memory_space<vmem>> -> memref<12544xf32, #tpu.memory_space<vmem>>
          %dma_start3A_124 = tpu.memref_slice %arg2[%mul3A_119] : memref<62720000xf32, #tpu.memory_space<hbm>> -> memref<12544xf32, #tpu.memory_space<hbm>>
          tpu.enqueue_dma source(%dma_start3A_124 : memref<12544xf32, #tpu.memory_space<hbm>>) target(%dma_start3A_123 : memref<12544xf32, #tpu.memory_space<vmem>>) target_semaphore(%arg10 : memref<!tpu.dma_semaphore, #tpu.memory_space<semaphore_mem>>)
        } else {
        }
      } else {
      }
      %ge3A_91 = arith.constant 2 : i32
      %ge3A_92 = arith.cmpi sge, %mul3A_62, %ge3A_91 : i32
      %add3A_93 = arith.addi %mul3A_2, %mul3A_62 : i32
      %sub3A_94 = arith.constant 1 : i32
      %sub3A_95 = arith.subi %add3A_93, %sub3A_94 : i32
      %lt3A_96 = arith.constant 5000 : i32
      %lt3A_97 = arith.cmpi slt, %sub3A_95, %lt3A_96 : i32
      %and3A_98 = arith.andi %ge3A_92, %lt3A_97 : i1
      %convert_element_type3A_99 = arith.extui %and3A_98 : i1 to i32
      %cond3A_100 = arith.constant 0 : i32
      %cond3A_101 = arith.cmpi ne, %convert_element_type3A_99, %cond3A_100 : i32
      scf.if %cond3A_101 {
        %dma_wait3A = arith.constant 0 : i32
        %dma_wait3A_110 = tpu.memref_slice %arg8[%dma_wait3A] : memref<4096xf32, #tpu.memory_space<vmem>> -> memref<4096xf32, #tpu.memory_space<vmem>>
        %dma_wait3A_111 = arith.constant 0 : i32
        %dma_wait3A_112 = tpu.memref_slice %arg4[%dma_wait3A_111] : memref<20480000xf32, #tpu.memory_space<hbm>> -> memref<4096xf32, #tpu.memory_space<hbm>>
        %dma_wait3A_113 = arith.constant 0 : i32
        %dma_wait3A_114 = tpu.memref_slice %arg4[%dma_wait3A_113] : memref<20480000xf32, #tpu.memory_space<hbm>> -> memref<4096xf32, #tpu.memory_space<hbm>>
        %dma_wait3A_115 = arith.constant 0 : i32
        %dma_wait3A_116 = tpu.memref_slice %arg8[%dma_wait3A_115] : memref<4096xf32, #tpu.memory_space<vmem>> -> memref<4096xf32, #tpu.memory_space<vmem>>
        tpu.wait_dma2 semaphore(%arg13 : memref<!tpu.dma_semaphore, #tpu.memory_space<semaphore_mem>>) src(%dma_wait3A_116 : memref<4096xf32, #tpu.memory_space<vmem>>) dst(%dma_wait3A_114 : memref<4096xf32, #tpu.memory_space<hbm>>)
      } else {
      }
      %add3A_102 = arith.constant 1 : i32
      %add3A_103 = arith.addi %mul3A_62, %add3A_102 : i32
      %add3A_104 = arith.addi %mul3A_2, %add3A_103 : i32
      %lt3A_105 = arith.constant 5000 : i32
      %lt3A_106 = arith.cmpi slt, %add3A_104, %lt3A_105 : i32
      %convert_element_type3A_107 = arith.extui %lt3A_106 : i1 to i32
      %cond3A_108 = arith.constant 0 : i32
      %cond3A_109 = arith.cmpi ne, %convert_element_type3A_107, %cond3A_108 : i32
      scf.if %cond3A_109 {
        %dma_wait3A = arith.constant 0 : i32
        %dma_wait3A_110 = tpu.memref_slice %arg7[%dma_wait3A] : memref<12560xf32, #tpu.memory_space<vmem>> -> memref<12544xf32, #tpu.memory_space<vmem>>
        %dma_wait3A_111 = arith.constant 0 : i32
        %dma_wait3A_112 = tpu.memref_slice %arg2[%dma_wait3A_111] : memref<62720000xf32, #tpu.memory_space<hbm>> -> memref<12544xf32, #tpu.memory_space<hbm>>
        %dma_wait3A_113 = arith.constant 0 : i32
        %dma_wait3A_114 = tpu.memref_slice %arg7[%dma_wait3A_113] : memref<12560xf32, #tpu.memory_space<vmem>> -> memref<12544xf32, #tpu.memory_space<vmem>>
        %dma_wait3A_115 = arith.constant 0 : i32
        %dma_wait3A_116 = tpu.memref_slice %arg2[%dma_wait3A_115] : memref<62720000xf32, #tpu.memory_space<hbm>> -> memref<12544xf32, #tpu.memory_space<hbm>>
        tpu.wait_dma2 semaphore(%arg11 : memref<!tpu.dma_semaphore, #tpu.memory_space<semaphore_mem>>) src(%dma_wait3A_116 : memref<12544xf32, #tpu.memory_space<hbm>>) dst(%dma_wait3A_114 : memref<12544xf32, #tpu.memory_space<vmem>>)
        %mul3A_117 = arith.constant 4 : i32
        %mul3A_118 = arith.muli %add3A_103, %mul3A_117 : i32
        %get3A = arith.index_cast %mul3A_118 : i32 to index
        %get3A_119 = tpu.vector_load %arg5[%get3A] {strides = array<i32>} : memref<648xf32, #tpu.memory_space<vmem>>, vector<16xf32>,
        %get3A_120 = vector.shape_cast %get3A_119 : vector<16xf32> to vector<16xf32>
        %slice3A = vector.extract_strided_slice %get3A_120 {offsets = [0], sizes = [1], strides = [1]} : vector<16xf32> to vector<1xf32>
        %squeeze3A = vector.extract %slice3A[0] : f32 from vector<1xf32>
        %slice3A_121 = vector.extract_strided_slice %get3A_120 {offsets = [1], sizes = [1], strides = [1]} : vector<16xf32> to vector<1xf32>
        %squeeze3A_122 = vector.extract %slice3A_121[0] : f32 from vector<1xf32>
        %slice3A_123 = vector.extract_strided_slice %get3A_120 {offsets = [2], sizes = [1], strides = [1]} : vector<16xf32> to vector<1xf32>
        %squeeze3A_124 = vector.extract %slice3A_123[0] : f32 from vector<1xf32>
        %slice3A_125 = vector.extract_strided_slice %get3A_120 {offsets = [3], sizes = [1], strides = [1]} : vector<16xf32> to vector<1xf32>
        %squeeze3A_126 = vector.extract %slice3A_125[0] : f32 from vector<1xf32>
        %sub3A_127 = arith.subf %squeeze3A_124, %squeeze3A : f32
        %mul3A_128 = vector.broadcast %sub3A_127 : f32 to vector<16xf32>
        %mul3A_129 = arith.mulf %mul3A_34, %mul3A_128 : vector<16xf32>
        %add3A_130 = vector.broadcast %squeeze3A : f32 to vector<16xf32>
        %add3A_131 = arith.addf %add3A_130, %mul3A_129 : vector<16xf32>
        %convert_element_type3A_132 = arith.fptosi %add3A_131 : vector<16xf32> to vector<16xi32>
        %convert_element_type3A_133 = arith.sitofp %convert_element_type3A_132 : vector<16xi32> to vector<16xf32>
        %sub3A_134 = arith.subf %add3A_131, %convert_element_type3A_133 : vector<16xf32>
        %broadcast_in_dim3A_135 = vector.shape_cast %select_n3A_18 : vector<16xi32> to vector<16x1xi32>
        %gather3A = vector.shape_cast %broadcast_in_dim3A_135 : vector<16x1xi32> to vector<16xi32>
        %gather3A_136 = tpu.dynamic_gather %convert_element_type3A_132[%gather3A] in [0] : vector<16xi32>, vector<16xi32> -> vector<16xi32>
        %add3A_137 = arith.constant 1 : i32
        %add3A_138 = vector.broadcast %add3A_137 : i32 to vector<16xi32>
        %add3A_139 = arith.addi %gather3A_136, %add3A_138 : vector<16xi32>
        %broadcast_in_dim3A_140 = vector.shape_cast %select_n3A_18 : vector<16xi32> to vector<16x1xi32>
        %gather3A_141 = vector.shape_cast %broadcast_in_dim3A_140 : vector<16x1xi32> to vector<16xi32>
        %gather3A_142 = tpu.dynamic_gather %sub3A_134[%gather3A_141] in [0] : vector<16xf32>, vector<16xi32> -> vector<16xf32>
        %sub3A_143 = arith.subf %squeeze3A_126, %squeeze3A_122 : f32
        %mul3A_144 = vector.broadcast %sub3A_143 : f32 to vector<16xf32>
        %mul3A_145 = arith.mulf %mul3A_34, %mul3A_144 : vector<16xf32>
        %add3A_146 = vector.broadcast %squeeze3A_122 : f32 to vector<16xf32>
        %add3A_147 = arith.addf %add3A_146, %mul3A_145 : vector<16xf32>
        %convert_element_type3A_148 = arith.fptosi %add3A_147 : vector<16xf32> to vector<16xi32>
        %convert_element_type3A_149 = arith.sitofp %convert_element_type3A_148 : vector<16xi32> to vector<16xf32>
        %sub3A_150 = arith.subf %add3A_147, %convert_element_type3A_149 : vector<16xf32>
        %slice3A_151 = vector.extract_strided_slice %convert_element_type3A_148 {offsets = [0], sizes = [1], strides = [1]} : vector<16xi32> to vector<1xi32>
        %squeeze3A_152 = vector.extract %slice3A_151[0] : i32 from vector<1xi32>
        %slice3A_153 = vector.extract_strided_slice %sub3A_150 {offsets = [0], sizes = [1], strides = [1]} : vector<16xf32> to vector<1xf32>
        %squeeze3A_154 = vector.extract %slice3A_153[0] : f32 from vector<1xf32>
        %slice3A_155 = vector.extract_strided_slice %convert_element_type3A_148 {offsets = [1], sizes = [1], strides = [1]} : vector<16xi32> to vector<1xi32>
        %squeeze3A_156 = vector.extract %slice3A_155[0] : i32 from vector<1xi32>
        %slice3A_157 = vector.extract_strided_slice %sub3A_150 {offsets = [1], sizes = [1], strides = [1]} : vector<16xf32> to vector<1xf32>
        %squeeze3A_158 = vector.extract %slice3A_157[0] : f32 from vector<1xf32>
        %slice3A_159 = vector.extract_strided_slice %convert_element_type3A_148 {offsets = [2], sizes = [1], strides = [1]} : vector<16xi32> to vector<1xi32>
        %squeeze3A_160 = vector.extract %slice3A_159[0] : i32 from vector<1xi32>
        %slice3A_161 = vector.extract_strided_slice %sub3A_150 {offsets = [2], sizes = [1], strides = [1]} : vector<16xf32> to vector<1xf32>
        %squeeze3A_162 = vector.extract %slice3A_161[0] : f32 from vector<1xf32>
        %slice3A_163 = vector.extract_strided_slice %convert_element_type3A_148 {offsets = [3], sizes = [1], strides = [1]} : vector<16xi32> to vector<1xi32>
        %squeeze3A_164 = vector.extract %slice3A_163[0] : i32 from vector<1xi32>
        %slice3A_165 = vector.extract_strided_slice %sub3A_150 {offsets = [3], sizes = [1], strides = [1]} : vector<16xf32> to vector<1xf32>
        %squeeze3A_166 = vector.extract %slice3A_165[0] : f32 from vector<1xf32>
        %slice3A_167 = vector.extract_strided_slice %convert_element_type3A_148 {offsets = [4], sizes = [1], strides = [1]} : vector<16xi32> to vector<1xi32>
        %squeeze3A_168 = vector.extract %slice3A_167[0] : i32 from vector<1xi32>
        %slice3A_169 = vector.extract_strided_slice %sub3A_150 {offsets = [4], sizes = [1], strides = [1]} : vector<16xf32> to vector<1xf32>
        %squeeze3A_170 = vector.extract %slice3A_169[0] : f32 from vector<1xf32>
        %slice3A_171 = vector.extract_strided_slice %convert_element_type3A_148 {offsets = [5], sizes = [1], strides = [1]} : vector<16xi32> to vector<1xi32>
        %squeeze3A_172 = vector.extract %slice3A_171[0] : i32 from vector<1xi32>
        %slice3A_173 = vector.extract_strided_slice %sub3A_150 {offsets = [5], sizes = [1], strides = [1]} : vector<16xf32> to vector<1xf32>
        %squeeze3A_174 = vector.extract %slice3A_173[0] : f32 from vector<1xf32>
        %slice3A_175 = vector.extract_strided_slice %convert_element_type3A_148 {offsets = [6], sizes = [1], strides = [1]} : vector<16xi32> to vector<1xi32>
        %squeeze3A_176 = vector.extract %slice3A_175[0] : i32 from vector<1xi32>
        %slice3A_177 = vector.extract_strided_slice %sub3A_150 {offsets = [6], sizes = [1], strides = [1]} : vector<16xf32> to vector<1xf32>
        %squeeze3A_178 = vector.extract %slice3A_177[0] : f32 from vector<1xf32>
        %slice3A_179 = vector.extract_strided_slice %convert_element_type3A_148 {offsets = [7], sizes = [1], strides = [1]} : vector<16xi32> to vector<1xi32>
        %squeeze3A_180 = vector.extract %slice3A_179[0] : i32 from vector<1xi32>
        %slice3A_181 = vector.extract_strided_slice %sub3A_150 {offsets = [7], sizes = [1], strides = [1]} : vector<16xf32> to vector<1xf32>
        %squeeze3A_182 = vector.extract %slice3A_181[0] : f32 from vector<1xf32>
        %slice3A_183 = vector.extract_strided_slice %convert_element_type3A_148 {offsets = [8], sizes = [1], strides = [1]} : vector<16xi32> to vector<1xi32>
        %squeeze3A_184 = vector.extract %slice3A_183[0] : i32 from vector<1xi32>
        %slice3A_185 = vector.extract_strided_slice %sub3A_150 {offsets = [8], sizes = [1], strides = [1]} : vector<16xf32> to vector<1xf32>
        %squeeze3A_186 = vector.extract %slice3A_185[0] : f32 from vector<1xf32>
        %slice3A_187 = vector.extract_strided_slice %convert_element_type3A_148 {offsets = [9], sizes = [1], strides = [1]} : vector<16xi32> to vector<1xi32>
        %squeeze3A_188 = vector.extract %slice3A_187[0] : i32 from vector<1xi32>
        %slice3A_189 = vector.extract_strided_slice %sub3A_150 {offsets = [9], sizes = [1], strides = [1]} : vector<16xf32> to vector<1xf32>
        %squeeze3A_190 = vector.extract %slice3A_189[0] : f32 from vector<1xf32>
        %slice3A_191 = vector.extract_strided_slice %convert_element_type3A_148 {offsets = [10], sizes = [1], strides = [1]} : vector<16xi32> to vector<1xi32>
        %squeeze3A_192 = vector.extract %slice3A_191[0] : i32 from vector<1xi32>
        %slice3A_193 = vector.extract_strided_slice %sub3A_150 {offsets = [10], sizes = [1], strides = [1]} : vector<16xf32> to vector<1xf32>
        %squeeze3A_194 = vector.extract %slice3A_193[0] : f32 from vector<1xf32>
        %slice3A_195 = vector.extract_strided_slice %convert_element_type3A_148 {offsets = [11], sizes = [1], strides = [1]} : vector<16xi32> to vector<1xi32>
        %squeeze3A_196 = vector.extract %slice3A_195[0] : i32 from vector<1xi32>
        %slice3A_197 = vector.extract_strided_slice %sub3A_150 {offsets = [11], sizes = [1], strides = [1]} : vector<16xf32> to vector<1xf32>
        %squeeze3A_198 = vector.extract %slice3A_197[0] : f32 from vector<1xf32>
        %slice3A_199 = vector.extract_strided_slice %convert_element_type3A_148 {offsets = [12], sizes = [1], strides = [1]} : vector<16xi32> to vector<1xi32>
        %squeeze3A_200 = vector.extract %slice3A_199[0] : i32 from vector<1xi32>
        %slice3A_201 = vector.extract_strided_slice %sub3A_150 {offsets = [12], sizes = [1], strides = [1]} : vector<16xf32> to vector<1xf32>
        %squeeze3A_202 = vector.extract %slice3A_201[0] : f32 from vector<1xf32>
        %slice3A_203 = vector.extract_strided_slice %convert_element_type3A_148 {offsets = [13], sizes = [1], strides = [1]} : vector<16xi32> to vector<1xi32>
        %squeeze3A_204 = vector.extract %slice3A_203[0] : i32 from vector<1xi32>
        %slice3A_205 = vector.extract_strided_slice %sub3A_150 {offsets = [13], sizes = [1], strides = [1]} : vector<16xf32> to vector<1xf32>
        %squeeze3A_206 = vector.extract %slice3A_205[0] : f32 from vector<1xf32>
        %parallel_loop3A = arith.constant 0 : i32
        %parallel_loop3A_207 = arith.constant 64 : i32
        %parallel_loop3A_208 = arith.constant 1 : i32
        scf.for %parallel_loop3A_216 = %parallel_loop3A to %parallel_loop3A_207 step %parallel_loop3A_208  : i32 {
          %parallel_loop3A_217 = arith.constant 196 : i32
          %parallel_loop3A_218 = arith.muli %parallel_loop3A_216, %parallel_loop3A_217 : i32
          %parallel_loop3A_219 = arith.constant 64 : i32
          %parallel_loop3A_220 = arith.muli %parallel_loop3A_216, %parallel_loop3A_219 : i32
          %parallel_loop3A_221 = arith.constant 14 : i32
          %parallel_loop3A_222 = arith.muli %squeeze3A_152, %parallel_loop3A_221 : i32
          %parallel_loop3A_223 = arith.addi %parallel_loop3A_218, %parallel_loop3A_222 : i32
          %parallel_loop3A_224 = arith.index_cast %parallel_loop3A_223 : i32 to index
          %parallel_loop3A_225 = tpu.vector_load %arg7[%parallel_loop3A_224] {strides = array<i32>} : memref<12560xf32, #tpu.memory_space<vmem>>, vector<16xf32>,
          %parallel_loop3A_226 = vector.shape_cast %parallel_loop3A_225 : vector<16xf32> to vector<16xf32>
          %parallel_loop3A_227 = arith.constant 14 : i32
          %parallel_loop3A_228 = arith.muli %squeeze3A_152, %parallel_loop3A_227 : i32
          %parallel_loop3A_229 = arith.addi %parallel_loop3A_218, %parallel_loop3A_228 : i32
          %parallel_loop3A_230 = arith.constant 14 : i32
          %parallel_loop3A_231 = arith.addi %parallel_loop3A_229, %parallel_loop3A_230 : i32
          %parallel_loop3A_232 = arith.index_cast %parallel_loop3A_231 : i32 to index
          %parallel_loop3A_233 = tpu.vector_load %arg7[%parallel_loop3A_232] {strides = array<i32>} : memref<12560xf32, #tpu.memory_space<vmem>>, vector<16xf32>,
          %parallel_loop3A_234 = vector.shape_cast %parallel_loop3A_233 : vector<16xf32> to vector<16xf32>
          %parallel_loop3A_235 = arith.subf %parallel_loop3A_234, %parallel_loop3A_226 : vector<16xf32>
          %parallel_loop3A_236 = vector.broadcast %squeeze3A_154 : f32 to vector<16xf32>
          %parallel_loop3A_237 = arith.mulf %parallel_loop3A_236, %parallel_loop3A_235 : vector<16xf32>
          %parallel_loop3A_238 = arith.addf %parallel_loop3A_226, %parallel_loop3A_237 : vector<16xf32>
          %parallel_loop3A_239 = arith.constant 14 : i32
          %parallel_loop3A_240 = arith.muli %squeeze3A_156, %parallel_loop3A_239 : i32
          %parallel_loop3A_241 = arith.addi %parallel_loop3A_218, %parallel_loop3A_240 : i32
          %parallel_loop3A_242 = arith.index_cast %parallel_loop3A_241 : i32 to index
          %parallel_loop3A_243 = tpu.vector_load %arg7[%parallel_loop3A_242] {strides = array<i32>} : memref<12560xf32, #tpu.memory_space<vmem>>, vector<16xf32>,
          %parallel_loop3A_244 = vector.shape_cast %parallel_loop3A_243 : vector<16xf32> to vector<16xf32>
          %parallel_loop3A_245 = arith.constant 14 : i32
          %parallel_loop3A_246 = arith.muli %squeeze3A_156, %parallel_loop3A_245 : i32
          %parallel_loop3A_247 = arith.addi %parallel_loop3A_218, %parallel_loop3A_246 : i32
          %parallel_loop3A_248 = arith.constant 14 : i32
          %parallel_loop3A_249 = arith.addi %parallel_loop3A_247, %parallel_loop3A_248 : i32
          %parallel_loop3A_250 = arith.index_cast %parallel_loop3A_249 : i32 to index
          %parallel_loop3A_251 = tpu.vector_load %arg7[%parallel_loop3A_250] {strides = array<i32>} : memref<12560xf32, #tpu.memory_space<vmem>>, vector<16xf32>,
          %parallel_loop3A_252 = vector.shape_cast %parallel_loop3A_251 : vector<16xf32> to vector<16xf32>
          %parallel_loop3A_253 = arith.subf %parallel_loop3A_252, %parallel_loop3A_244 : vector<16xf32>
          %parallel_loop3A_254 = vector.broadcast %squeeze3A_158 : f32 to vector<16xf32>
          %parallel_loop3A_255 = arith.mulf %parallel_loop3A_254, %parallel_loop3A_253 : vector<16xf32>
          %parallel_loop3A_256 = arith.addf %parallel_loop3A_244, %parallel_loop3A_255 : vector<16xf32>
          %parallel_loop3A_257 = vector.shape_cast %gather3A_136 : vector<16xi32> to vector<16x1xi32>
          %parallel_loop3A_258 = vector.shape_cast %parallel_loop3A_257 : vector<16x1xi32> to vector<16xi32>
          %parallel_loop3A_259 = tpu.dynamic_gather %parallel_loop3A_238[%parallel_loop3A_258] in [0] : vector<16xf32>, vector<16xi32> -> vector<16xf32>
          %parallel_loop3A_260 = vector.shape_cast %add3A_139 : vector<16xi32> to vector<16x1xi32>
          %parallel_loop3A_261 = vector.shape_cast %parallel_loop3A_260 : vector<16x1xi32> to vector<16xi32>
          %parallel_loop3A_262 = tpu.dynamic_gather %parallel_loop3A_238[%parallel_loop3A_261] in [0] : vector<16xf32>, vector<16xi32> -> vector<16xf32>
          %parallel_loop3A_263 = arith.subf %parallel_loop3A_262, %parallel_loop3A_259 : vector<16xf32>
          %parallel_loop3A_264 = arith.mulf %gather3A_142, %parallel_loop3A_263 : vector<16xf32>
          %parallel_loop3A_265 = arith.addf %parallel_loop3A_259, %parallel_loop3A_264 : vector<16xf32>
          %parallel_loop3A_266 = vector.shape_cast %gather3A_136 : vector<16xi32> to vector<16x1xi32>
          %parallel_loop3A_267 = vector.shape_cast %parallel_loop3A_266 : vector<16x1xi32> to vector<16xi32>
          %parallel_loop3A_268 = tpu.dynamic_gather %parallel_loop3A_256[%parallel_loop3A_267] in [0] : vector<16xf32>, vector<16xi32> -> vector<16xf32>
          %parallel_loop3A_269 = vector.shape_cast %add3A_139 : vector<16xi32> to vector<16x1xi32>
          %parallel_loop3A_270 = vector.shape_cast %parallel_loop3A_269 : vector<16x1xi32> to vector<16xi32>
          %parallel_loop3A_271 = tpu.dynamic_gather %parallel_loop3A_256[%parallel_loop3A_270] in [0] : vector<16xf32>, vector<16xi32> -> vector<16xf32>
          %parallel_loop3A_272 = arith.subf %parallel_loop3A_271, %parallel_loop3A_268 : vector<16xf32>
          %parallel_loop3A_273 = arith.mulf %gather3A_142, %parallel_loop3A_272 : vector<16xf32>
          %parallel_loop3A_274 = arith.addf %parallel_loop3A_268, %parallel_loop3A_273 : vector<16xf32>
          %parallel_loop3A_275 = arith.maximumf %parallel_loop3A_265, %parallel_loop3A_274 : vector<16xf32>
          %parallel_loop3A_276 = vector.shape_cast %min3A_23 : vector<16xi32> to vector<16x1xi32>
          %parallel_loop3A_277 = vector.shape_cast %parallel_loop3A_276 : vector<16x1xi32> to vector<16xi32>
          %parallel_loop3A_278 = tpu.dynamic_gather %parallel_loop3A_275[%parallel_loop3A_277] in [0] : vector<16xf32>, vector<16xi32> -> vector<16xf32>
          %parallel_loop3A_279 = arith.maximumf %parallel_loop3A_275, %parallel_loop3A_278 : vector<16xf32>
          %parallel_loop3A_280 = arith.constant 14 : i32
          %parallel_loop3A_281 = arith.muli %squeeze3A_160, %parallel_loop3A_280 : i32
          %parallel_loop3A_282 = arith.addi %parallel_loop3A_218, %parallel_loop3A_281 : i32
          %parallel_loop3A_283 = arith.index_cast %parallel_loop3A_282 : i32 to index
          %parallel_loop3A_284 = tpu.vector_load %arg7[%parallel_loop3A_283] {strides = array<i32>} : memref<12560xf32, #tpu.memory_space<vmem>>, vector<16xf32>,
          %parallel_loop3A_285 = vector.shape_cast %parallel_loop3A_284 : vector<16xf32> to vector<16xf32>
          %parallel_loop3A_286 = arith.constant 14 : i32
          %parallel_loop3A_287 = arith.muli %squeeze3A_160, %parallel_loop3A_286 : i32
          %parallel_loop3A_288 = arith.addi %parallel_loop3A_218, %parallel_loop3A_287 : i32
          %parallel_loop3A_289 = arith.constant 14 : i32
          %parallel_loop3A_290 = arith.addi %parallel_loop3A_288, %parallel_loop3A_289 : i32
          %parallel_loop3A_291 = arith.index_cast %parallel_loop3A_290 : i32 to index
          %parallel_loop3A_292 = tpu.vector_load %arg7[%parallel_loop3A_291] {strides = array<i32>} : memref<12560xf32, #tpu.memory_space<vmem>>, vector<16xf32>,
          %parallel_loop3A_293 = vector.shape_cast %parallel_loop3A_292 : vector<16xf32> to vector<16xf32>
          %parallel_loop3A_294 = arith.subf %parallel_loop3A_293, %parallel_loop3A_285 : vector<16xf32>
          %parallel_loop3A_295 = vector.broadcast %squeeze3A_162 : f32 to vector<16xf32>
          %parallel_loop3A_296 = arith.mulf %parallel_loop3A_295, %parallel_loop3A_294 : vector<16xf32>
          %parallel_loop3A_297 = arith.addf %parallel_loop3A_285, %parallel_loop3A_296 : vector<16xf32>
          %parallel_loop3A_298 = arith.constant 14 : i32
          %parallel_loop3A_299 = arith.muli %squeeze3A_164, %parallel_loop3A_298 : i32
          %parallel_loop3A_300 = arith.addi %parallel_loop3A_218, %parallel_loop3A_299 : i32
          %parallel_loop3A_301 = arith.index_cast %parallel_loop3A_300 : i32 to index
          %parallel_loop3A_302 = tpu.vector_load %arg7[%parallel_loop3A_301] {strides = array<i32>} : memref<12560xf32, #tpu.memory_space<vmem>>, vector<16xf32>,
          %parallel_loop3A_303 = vector.shape_cast %parallel_loop3A_302 : vector<16xf32> to vector<16xf32>
          %parallel_loop3A_304 = arith.constant 14 : i32
          %parallel_loop3A_305 = arith.muli %squeeze3A_164, %parallel_loop3A_304 : i32
          %parallel_loop3A_306 = arith.addi %parallel_loop3A_218, %parallel_loop3A_305 : i32
          %parallel_loop3A_307 = arith.constant 14 : i32
          %parallel_loop3A_308 = arith.addi %parallel_loop3A_306, %parallel_loop3A_307 : i32
          %parallel_loop3A_309 = arith.index_cast %parallel_loop3A_308 : i32 to index
          %parallel_loop3A_310 = tpu.vector_load %arg7[%parallel_loop3A_309] {strides = array<i32>} : memref<12560xf32, #tpu.memory_space<vmem>>, vector<16xf32>,
          %parallel_loop3A_311 = vector.shape_cast %parallel_loop3A_310 : vector<16xf32> to vector<16xf32>
          %parallel_loop3A_312 = arith.subf %parallel_loop3A_311, %parallel_loop3A_303 : vector<16xf32>
          %parallel_loop3A_313 = vector.broadcast %squeeze3A_166 : f32 to vector<16xf32>
          %parallel_loop3A_314 = arith.mulf %parallel_loop3A_313, %parallel_loop3A_312 : vector<16xf32>
          %parallel_loop3A_315 = arith.addf %parallel_loop3A_303, %parallel_loop3A_314 : vector<16xf32>
          %parallel_loop3A_316 = vector.shape_cast %gather3A_136 : vector<16xi32> to vector<16x1xi32>
          %parallel_loop3A_317 = vector.shape_cast %parallel_loop3A_316 : vector<16x1xi32> to vector<16xi32>
          %parallel_loop3A_318 = tpu.dynamic_gather %parallel_loop3A_297[%parallel_loop3A_317] in [0] : vector<16xf32>, vector<16xi32> -> vector<16xf32>
          %parallel_loop3A_319 = vector.shape_cast %add3A_139 : vector<16xi32> to vector<16x1xi32>
          %parallel_loop3A_320 = vector.shape_cast %parallel_loop3A_319 : vector<16x1xi32> to vector<16xi32>
          %parallel_loop3A_321 = tpu.dynamic_gather %parallel_loop3A_297[%parallel_loop3A_320] in [0] : vector<16xf32>, vector<16xi32> -> vector<16xf32>
          %parallel_loop3A_322 = arith.subf %parallel_loop3A_321, %parallel_loop3A_318 : vector<16xf32>
          %parallel_loop3A_323 = arith.mulf %gather3A_142, %parallel_loop3A_322 : vector<16xf32>
          %parallel_loop3A_324 = arith.addf %parallel_loop3A_318, %parallel_loop3A_323 : vector<16xf32>
          %parallel_loop3A_325 = vector.shape_cast %gather3A_136 : vector<16xi32> to vector<16x1xi32>
          %parallel_loop3A_326 = vector.shape_cast %parallel_loop3A_325 : vector<16x1xi32> to vector<16xi32>
          %parallel_loop3A_327 = tpu.dynamic_gather %parallel_loop3A_315[%parallel_loop3A_326] in [0] : vector<16xf32>, vector<16xi32> -> vector<16xf32>
          %parallel_loop3A_328 = vector.shape_cast %add3A_139 : vector<16xi32> to vector<16x1xi32>
          %parallel_loop3A_329 = vector.shape_cast %parallel_loop3A_328 : vector<16x1xi32> to vector<16xi32>
          %parallel_loop3A_330 = tpu.dynamic_gather %parallel_loop3A_315[%parallel_loop3A_329] in [0] : vector<16xf32>, vector<16xi32> -> vector<16xf32>
          %parallel_loop3A_331 = arith.subf %parallel_loop3A_330, %parallel_loop3A_327 : vector<16xf32>
          %parallel_loop3A_332 = arith.mulf %gather3A_142, %parallel_loop3A_331 : vector<16xf32>
          %parallel_loop3A_333 = arith.addf %parallel_loop3A_327, %parallel_loop3A_332 : vector<16xf32>
          %parallel_loop3A_334 = arith.maximumf %parallel_loop3A_324, %parallel_loop3A_333 : vector<16xf32>
          %parallel_loop3A_335 = vector.shape_cast %min3A_23 : vector<16xi32> to vector<16x1xi32>
          %parallel_loop3A_336 = vector.shape_cast %parallel_loop3A_335 : vector<16x1xi32> to vector<16xi32>
          %parallel_loop3A_337 = tpu.dynamic_gather %parallel_loop3A_334[%parallel_loop3A_336] in [0] : vector<16xf32>, vector<16xi32> -> vector<16xf32>
          %parallel_loop3A_338 = arith.maximumf %parallel_loop3A_334, %parallel_loop3A_337 : vector<16xf32>
          %parallel_loop3A_339 = arith.constant 14 : i32
          %parallel_loop3A_340 = arith.muli %squeeze3A_168, %parallel_loop3A_339 : i32
          %parallel_loop3A_341 = arith.addi %parallel_loop3A_218, %parallel_loop3A_340 : i32
          %parallel_loop3A_342 = arith.index_cast %parallel_loop3A_341 : i32 to index
          %parallel_loop3A_343 = tpu.vector_load %arg7[%parallel_loop3A_342] {strides = array<i32>} : memref<12560xf32, #tpu.memory_space<vmem>>, vector<16xf32>,
          %parallel_loop3A_344 = vector.shape_cast %parallel_loop3A_343 : vector<16xf32> to vector<16xf32>
          %parallel_loop3A_345 = arith.constant 14 : i32
          %parallel_loop3A_346 = arith.muli %squeeze3A_168, %parallel_loop3A_345 : i32
          %parallel_loop3A_347 = arith.addi %parallel_loop3A_218, %parallel_loop3A_346 : i32
          %parallel_loop3A_348 = arith.constant 14 : i32
          %parallel_loop3A_349 = arith.addi %parallel_loop3A_347, %parallel_loop3A_348 : i32
          %parallel_loop3A_350 = arith.index_cast %parallel_loop3A_349 : i32 to index
          %parallel_loop3A_351 = tpu.vector_load %arg7[%parallel_loop3A_350] {strides = array<i32>} : memref<12560xf32, #tpu.memory_space<vmem>>, vector<16xf32>,
          %parallel_loop3A_352 = vector.shape_cast %parallel_loop3A_351 : vector<16xf32> to vector<16xf32>
          %parallel_loop3A_353 = arith.subf %parallel_loop3A_352, %parallel_loop3A_344 : vector<16xf32>
          %parallel_loop3A_354 = vector.broadcast %squeeze3A_170 : f32 to vector<16xf32>
          %parallel_loop3A_355 = arith.mulf %parallel_loop3A_354, %parallel_loop3A_353 : vector<16xf32>
          %parallel_loop3A_356 = arith.addf %parallel_loop3A_344, %parallel_loop3A_355 : vector<16xf32>
          %parallel_loop3A_357 = arith.constant 14 : i32
          %parallel_loop3A_358 = arith.muli %squeeze3A_172, %parallel_loop3A_357 : i32
          %parallel_loop3A_359 = arith.addi %parallel_loop3A_218, %parallel_loop3A_358 : i32
          %parallel_loop3A_360 = arith.index_cast %parallel_loop3A_359 : i32 to index
          %parallel_loop3A_361 = tpu.vector_load %arg7[%parallel_loop3A_360] {strides = array<i32>} : memref<12560xf32, #tpu.memory_space<vmem>>, vector<16xf32>,
          %parallel_loop3A_362 = vector.shape_cast %parallel_loop3A_361 : vector<16xf32> to vector<16xf32>
          %parallel_loop3A_363 = arith.constant 14 : i32
          %parallel_loop3A_364 = arith.muli %squeeze3A_172, %parallel_loop3A_363 : i32
          %parallel_loop3A_365 = arith.addi %parallel_loop3A_218, %parallel_loop3A_364 : i32
          %parallel_loop3A_366 = arith.constant 14 : i32
          %parallel_loop3A_367 = arith.addi %parallel_loop3A_365, %parallel_loop3A_366 : i32
          %parallel_loop3A_368 = arith.index_cast %parallel_loop3A_367 : i32 to index
          %parallel_loop3A_369 = tpu.vector_load %arg7[%parallel_loop3A_368] {strides = array<i32>} : memref<12560xf32, #tpu.memory_space<vmem>>, vector<16xf32>,
          %parallel_loop3A_370 = vector.shape_cast %parallel_loop3A_369 : vector<16xf32> to vector<16xf32>
          %parallel_loop3A_371 = arith.subf %parallel_loop3A_370, %parallel_loop3A_362 : vector<16xf32>
          %parallel_loop3A_372 = vector.broadcast %squeeze3A_174 : f32 to vector<16xf32>
          %parallel_loop3A_373 = arith.mulf %parallel_loop3A_372, %parallel_loop3A_371 : vector<16xf32>
          %parallel_loop3A_374 = arith.addf %parallel_loop3A_362, %parallel_loop3A_373 : vector<16xf32>
          %parallel_loop3A_375 = vector.shape_cast %gather3A_136 : vector<16xi32> to vector<16x1xi32>
          %parallel_loop3A_376 = vector.shape_cast %parallel_loop3A_375 : vector<16x1xi32> to vector<16xi32>
          %parallel_loop3A_377 = tpu.dynamic_gather %parallel_loop3A_356[%parallel_loop3A_376] in [0] : vector<16xf32>, vector<16xi32> -> vector<16xf32>
          %parallel_loop3A_378 = vector.shape_cast %add3A_139 : vector<16xi32> to vector<16x1xi32>
          %parallel_loop3A_379 = vector.shape_cast %parallel_loop3A_378 : vector<16x1xi32> to vector<16xi32>
          %parallel_loop3A_380 = tpu.dynamic_gather %parallel_loop3A_356[%parallel_loop3A_379] in [0] : vector<16xf32>, vector<16xi32> -> vector<16xf32>
          %parallel_loop3A_381 = arith.subf %parallel_loop3A_380, %parallel_loop3A_377 : vector<16xf32>
          %parallel_loop3A_382 = arith.mulf %gather3A_142, %parallel_loop3A_381 : vector<16xf32>
          %parallel_loop3A_383 = arith.addf %parallel_loop3A_377, %parallel_loop3A_382 : vector<16xf32>
          %parallel_loop3A_384 = vector.shape_cast %gather3A_136 : vector<16xi32> to vector<16x1xi32>
          %parallel_loop3A_385 = vector.shape_cast %parallel_loop3A_384 : vector<16x1xi32> to vector<16xi32>
          %parallel_loop3A_386 = tpu.dynamic_gather %parallel_loop3A_374[%parallel_loop3A_385] in [0] : vector<16xf32>, vector<16xi32> -> vector<16xf32>
          %parallel_loop3A_387 = vector.shape_cast %add3A_139 : vector<16xi32> to vector<16x1xi32>
          %parallel_loop3A_388 = vector.shape_cast %parallel_loop3A_387 : vector<16x1xi32> to vector<16xi32>
          %parallel_loop3A_389 = tpu.dynamic_gather %parallel_loop3A_374[%parallel_loop3A_388] in [0] : vector<16xf32>, vector<16xi32> -> vector<16xf32>
          %parallel_loop3A_390 = arith.subf %parallel_loop3A_389, %parallel_loop3A_386 : vector<16xf32>
          %parallel_loop3A_391 = arith.mulf %gather3A_142, %parallel_loop3A_390 : vector<16xf32>
          %parallel_loop3A_392 = arith.addf %parallel_loop3A_386, %parallel_loop3A_391 : vector<16xf32>
          %parallel_loop3A_393 = arith.maximumf %parallel_loop3A_383, %parallel_loop3A_392 : vector<16xf32>
          %parallel_loop3A_394 = vector.shape_cast %min3A_23 : vector<16xi32> to vector<16x1xi32>
          %parallel_loop3A_395 = vector.shape_cast %parallel_loop3A_394 : vector<16x1xi32> to vector<16xi32>
          %parallel_loop3A_396 = tpu.dynamic_gather %parallel_loop3A_393[%parallel_loop3A_395] in [0] : vector<16xf32>, vector<16xi32> -> vector<16xf32>
          %parallel_loop3A_397 = arith.maximumf %parallel_loop3A_393, %parallel_loop3A_396 : vector<16xf32>
          %parallel_loop3A_398 = arith.constant 14 : i32
          %parallel_loop3A_399 = arith.muli %squeeze3A_176, %parallel_loop3A_398 : i32
          %parallel_loop3A_400 = arith.addi %parallel_loop3A_218, %parallel_loop3A_399 : i32
          %parallel_loop3A_401 = arith.index_cast %parallel_loop3A_400 : i32 to index
          %parallel_loop3A_402 = tpu.vector_load %arg7[%parallel_loop3A_401] {strides = array<i32>} : memref<12560xf32, #tpu.memory_space<vmem>>, vector<16xf32>,
          %parallel_loop3A_403 = vector.shape_cast %parallel_loop3A_402 : vector<16xf32> to vector<16xf32>
          %parallel_loop3A_404 = arith.constant 14 : i32
          %parallel_loop3A_405 = arith.muli %squeeze3A_176, %parallel_loop3A_404 : i32
          %parallel_loop3A_406 = arith.addi %parallel_loop3A_218, %parallel_loop3A_405 : i32
          %parallel_loop3A_407 = arith.constant 14 : i32
          %parallel_loop3A_408 = arith.addi %parallel_loop3A_406, %parallel_loop3A_407 : i32
          %parallel_loop3A_409 = arith.index_cast %parallel_loop3A_408 : i32 to index
          %parallel_loop3A_410 = tpu.vector_load %arg7[%parallel_loop3A_409] {strides = array<i32>} : memref<12560xf32, #tpu.memory_space<vmem>>, vector<16xf32>,
          %parallel_loop3A_411 = vector.shape_cast %parallel_loop3A_410 : vector<16xf32> to vector<16xf32>
          %parallel_loop3A_412 = arith.subf %parallel_loop3A_411, %parallel_loop3A_403 : vector<16xf32>
          %parallel_loop3A_413 = vector.broadcast %squeeze3A_178 : f32 to vector<16xf32>
          %parallel_loop3A_414 = arith.mulf %parallel_loop3A_413, %parallel_loop3A_412 : vector<16xf32>
          %parallel_loop3A_415 = arith.addf %parallel_loop3A_403, %parallel_loop3A_414 : vector<16xf32>
          %parallel_loop3A_416 = arith.constant 14 : i32
          %parallel_loop3A_417 = arith.muli %squeeze3A_180, %parallel_loop3A_416 : i32
          %parallel_loop3A_418 = arith.addi %parallel_loop3A_218, %parallel_loop3A_417 : i32
          %parallel_loop3A_419 = arith.index_cast %parallel_loop3A_418 : i32 to index
          %parallel_loop3A_420 = tpu.vector_load %arg7[%parallel_loop3A_419] {strides = array<i32>} : memref<12560xf32, #tpu.memory_space<vmem>>, vector<16xf32>,
          %parallel_loop3A_421 = vector.shape_cast %parallel_loop3A_420 : vector<16xf32> to vector<16xf32>
          %parallel_loop3A_422 = arith.constant 14 : i32
          %parallel_loop3A_423 = arith.muli %squeeze3A_180, %parallel_loop3A_422 : i32
          %parallel_loop3A_424 = arith.addi %parallel_loop3A_218, %parallel_loop3A_423 : i32
          %parallel_loop3A_425 = arith.constant 14 : i32
          %parallel_loop3A_426 = arith.addi %parallel_loop3A_424, %parallel_loop3A_425 : i32
          %parallel_loop3A_427 = arith.index_cast %parallel_loop3A_426 : i32 to index
          %parallel_loop3A_428 = tpu.vector_load %arg7[%parallel_loop3A_427] {strides = array<i32>} : memref<12560xf32, #tpu.memory_space<vmem>>, vector<16xf32>,
          %parallel_loop3A_429 = vector.shape_cast %parallel_loop3A_428 : vector<16xf32> to vector<16xf32>
          %parallel_loop3A_430 = arith.subf %parallel_loop3A_429, %parallel_loop3A_421 : vector<16xf32>
          %parallel_loop3A_431 = vector.broadcast %squeeze3A_182 : f32 to vector<16xf32>
          %parallel_loop3A_432 = arith.mulf %parallel_loop3A_431, %parallel_loop3A_430 : vector<16xf32>
          %parallel_loop3A_433 = arith.addf %parallel_loop3A_421, %parallel_loop3A_432 : vector<16xf32>
          %parallel_loop3A_434 = vector.shape_cast %gather3A_136 : vector<16xi32> to vector<16x1xi32>
          %parallel_loop3A_435 = vector.shape_cast %parallel_loop3A_434 : vector<16x1xi32> to vector<16xi32>
          %parallel_loop3A_436 = tpu.dynamic_gather %parallel_loop3A_415[%parallel_loop3A_435] in [0] : vector<16xf32>, vector<16xi32> -> vector<16xf32>
          %parallel_loop3A_437 = vector.shape_cast %add3A_139 : vector<16xi32> to vector<16x1xi32>
          %parallel_loop3A_438 = vector.shape_cast %parallel_loop3A_437 : vector<16x1xi32> to vector<16xi32>
          %parallel_loop3A_439 = tpu.dynamic_gather %parallel_loop3A_415[%parallel_loop3A_438] in [0] : vector<16xf32>, vector<16xi32> -> vector<16xf32>
          %parallel_loop3A_440 = arith.subf %parallel_loop3A_439, %parallel_loop3A_436 : vector<16xf32>
          %parallel_loop3A_441 = arith.mulf %gather3A_142, %parallel_loop3A_440 : vector<16xf32>
          %parallel_loop3A_442 = arith.addf %parallel_loop3A_436, %parallel_loop3A_441 : vector<16xf32>
          %parallel_loop3A_443 = vector.shape_cast %gather3A_136 : vector<16xi32> to vector<16x1xi32>
          %parallel_loop3A_444 = vector.shape_cast %parallel_loop3A_443 : vector<16x1xi32> to vector<16xi32>
          %parallel_loop3A_445 = tpu.dynamic_gather %parallel_loop3A_433[%parallel_loop3A_444] in [0] : vector<16xf32>, vector<16xi32> -> vector<16xf32>
          %parallel_loop3A_446 = vector.shape_cast %add3A_139 : vector<16xi32> to vector<16x1xi32>
          %parallel_loop3A_447 = vector.shape_cast %parallel_loop3A_446 : vector<16x1xi32> to vector<16xi32>
          %parallel_loop3A_448 = tpu.dynamic_gather %parallel_loop3A_433[%parallel_loop3A_447] in [0] : vector<16xf32>, vector<16xi32> -> vector<16xf32>
          %parallel_loop3A_449 = arith.subf %parallel_loop3A_448, %parallel_loop3A_445 : vector<16xf32>
          %parallel_loop3A_450 = arith.mulf %gather3A_142, %parallel_loop3A_449 : vector<16xf32>
          %parallel_loop3A_451 = arith.addf %parallel_loop3A_445, %parallel_loop3A_450 : vector<16xf32>
          %parallel_loop3A_452 = arith.maximumf %parallel_loop3A_442, %parallel_loop3A_451 : vector<16xf32>
          %parallel_loop3A_453 = vector.shape_cast %min3A_23 : vector<16xi32> to vector<16x1xi32>
          %parallel_loop3A_454 = vector.shape_cast %parallel_loop3A_453 : vector<16x1xi32> to vector<16xi32>
          %parallel_loop3A_455 = tpu.dynamic_gather %parallel_loop3A_452[%parallel_loop3A_454] in [0] : vector<16xf32>, vector<16xi32> -> vector<16xf32>
          %parallel_loop3A_456 = arith.maximumf %parallel_loop3A_452, %parallel_loop3A_455 : vector<16xf32>
          %parallel_loop3A_457 = arith.constant 14 : i32
          %parallel_loop3A_458 = arith.muli %squeeze3A_184, %parallel_loop3A_457 : i32
          %parallel_loop3A_459 = arith.addi %parallel_loop3A_218, %parallel_loop3A_458 : i32
          %parallel_loop3A_460 = arith.index_cast %parallel_loop3A_459 : i32 to index
          %parallel_loop3A_461 = tpu.vector_load %arg7[%parallel_loop3A_460] {strides = array<i32>} : memref<12560xf32, #tpu.memory_space<vmem>>, vector<16xf32>,
          %parallel_loop3A_462 = vector.shape_cast %parallel_loop3A_461 : vector<16xf32> to vector<16xf32>
          %parallel_loop3A_463 = arith.constant 14 : i32
          %parallel_loop3A_464 = arith.muli %squeeze3A_184, %parallel_loop3A_463 : i32
          %parallel_loop3A_465 = arith.addi %parallel_loop3A_218, %parallel_loop3A_464 : i32
          %parallel_loop3A_466 = arith.constant 14 : i32
          %parallel_loop3A_467 = arith.addi %parallel_loop3A_465, %parallel_loop3A_466 : i32
          %parallel_loop3A_468 = arith.index_cast %parallel_loop3A_467 : i32 to index
          %parallel_loop3A_469 = tpu.vector_load %arg7[%parallel_loop3A_468] {strides = array<i32>} : memref<12560xf32, #tpu.memory_space<vmem>>, vector<16xf32>,
          %parallel_loop3A_470 = vector.shape_cast %parallel_loop3A_469 : vector<16xf32> to vector<16xf32>
          %parallel_loop3A_471 = arith.subf %parallel_loop3A_470, %parallel_loop3A_462 : vector<16xf32>
          %parallel_loop3A_472 = vector.broadcast %squeeze3A_186 : f32 to vector<16xf32>
          %parallel_loop3A_473 = arith.mulf %parallel_loop3A_472, %parallel_loop3A_471 : vector<16xf32>
          %parallel_loop3A_474 = arith.addf %parallel_loop3A_462, %parallel_loop3A_473 : vector<16xf32>
          %parallel_loop3A_475 = arith.constant 14 : i32
          %parallel_loop3A_476 = arith.muli %squeeze3A_188, %parallel_loop3A_475 : i32
          %parallel_loop3A_477 = arith.addi %parallel_loop3A_218, %parallel_loop3A_476 : i32
          %parallel_loop3A_478 = arith.index_cast %parallel_loop3A_477 : i32 to index
          %parallel_loop3A_479 = tpu.vector_load %arg7[%parallel_loop3A_478] {strides = array<i32>} : memref<12560xf32, #tpu.memory_space<vmem>>, vector<16xf32>,
          %parallel_loop3A_480 = vector.shape_cast %parallel_loop3A_479 : vector<16xf32> to vector<16xf32>
          %parallel_loop3A_481 = arith.constant 14 : i32
          %parallel_loop3A_482 = arith.muli %squeeze3A_188, %parallel_loop3A_481 : i32
          %parallel_loop3A_483 = arith.addi %parallel_loop3A_218, %parallel_loop3A_482 : i32
          %parallel_loop3A_484 = arith.constant 14 : i32
          %parallel_loop3A_485 = arith.addi %parallel_loop3A_483, %parallel_loop3A_484 : i32
          %parallel_loop3A_486 = arith.index_cast %parallel_loop3A_485 : i32 to index
          %parallel_loop3A_487 = tpu.vector_load %arg7[%parallel_loop3A_486] {strides = array<i32>} : memref<12560xf32, #tpu.memory_space<vmem>>, vector<16xf32>,
          %parallel_loop3A_488 = vector.shape_cast %parallel_loop3A_487 : vector<16xf32> to vector<16xf32>
          %parallel_loop3A_489 = arith.subf %parallel_loop3A_488, %parallel_loop3A_480 : vector<16xf32>
          %parallel_loop3A_490 = vector.broadcast %squeeze3A_190 : f32 to vector<16xf32>
          %parallel_loop3A_491 = arith.mulf %parallel_loop3A_490, %parallel_loop3A_489 : vector<16xf32>
          %parallel_loop3A_492 = arith.addf %parallel_loop3A_480, %parallel_loop3A_491 : vector<16xf32>
          %parallel_loop3A_493 = vector.shape_cast %gather3A_136 : vector<16xi32> to vector<16x1xi32>
          %parallel_loop3A_494 = vector.shape_cast %parallel_loop3A_493 : vector<16x1xi32> to vector<16xi32>
          %parallel_loop3A_495 = tpu.dynamic_gather %parallel_loop3A_474[%parallel_loop3A_494] in [0] : vector<16xf32>, vector<16xi32> -> vector<16xf32>
          %parallel_loop3A_496 = vector.shape_cast %add3A_139 : vector<16xi32> to vector<16x1xi32>
          %parallel_loop3A_497 = vector.shape_cast %parallel_loop3A_496 : vector<16x1xi32> to vector<16xi32>
          %parallel_loop3A_498 = tpu.dynamic_gather %parallel_loop3A_474[%parallel_loop3A_497] in [0] : vector<16xf32>, vector<16xi32> -> vector<16xf32>
          %parallel_loop3A_499 = arith.subf %parallel_loop3A_498, %parallel_loop3A_495 : vector<16xf32>
          %parallel_loop3A_500 = arith.mulf %gather3A_142, %parallel_loop3A_499 : vector<16xf32>
          %parallel_loop3A_501 = arith.addf %parallel_loop3A_495, %parallel_loop3A_500 : vector<16xf32>
          %parallel_loop3A_502 = vector.shape_cast %gather3A_136 : vector<16xi32> to vector<16x1xi32>
          %parallel_loop3A_503 = vector.shape_cast %parallel_loop3A_502 : vector<16x1xi32> to vector<16xi32>
          %parallel_loop3A_504 = tpu.dynamic_gather %parallel_loop3A_492[%parallel_loop3A_503] in [0] : vector<16xf32>, vector<16xi32> -> vector<16xf32>
          %parallel_loop3A_505 = vector.shape_cast %add3A_139 : vector<16xi32> to vector<16x1xi32>
          %parallel_loop3A_506 = vector.shape_cast %parallel_loop3A_505 : vector<16x1xi32> to vector<16xi32>
          %parallel_loop3A_507 = tpu.dynamic_gather %parallel_loop3A_492[%parallel_loop3A_506] in [0] : vector<16xf32>, vector<16xi32> -> vector<16xf32>
          %parallel_loop3A_508 = arith.subf %parallel_loop3A_507, %parallel_loop3A_504 : vector<16xf32>
          %parallel_loop3A_509 = arith.mulf %gather3A_142, %parallel_loop3A_508 : vector<16xf32>
          %parallel_loop3A_510 = arith.addf %parallel_loop3A_504, %parallel_loop3A_509 : vector<16xf32>
          %parallel_loop3A_511 = arith.maximumf %parallel_loop3A_501, %parallel_loop3A_510 : vector<16xf32>
          %parallel_loop3A_512 = vector.shape_cast %min3A_23 : vector<16xi32> to vector<16x1xi32>
          %parallel_loop3A_513 = vector.shape_cast %parallel_loop3A_512 : vector<16x1xi32> to vector<16xi32>
          %parallel_loop3A_514 = tpu.dynamic_gather %parallel_loop3A_511[%parallel_loop3A_513] in [0] : vector<16xf32>, vector<16xi32> -> vector<16xf32>
          %parallel_loop3A_515 = arith.maximumf %parallel_loop3A_511, %parallel_loop3A_514 : vector<16xf32>
          %parallel_loop3A_516 = arith.constant 14 : i32
          %parallel_loop3A_517 = arith.muli %squeeze3A_192, %parallel_loop3A_516 : i32
          %parallel_loop3A_518 = arith.addi %parallel_loop3A_218, %parallel_loop3A_517 : i32
          %parallel_loop3A_519 = arith.index_cast %parallel_loop3A_518 : i32 to index
          %parallel_loop3A_520 = tpu.vector_load %arg7[%parallel_loop3A_519] {strides = array<i32>} : memref<12560xf32, #tpu.memory_space<vmem>>, vector<16xf32>,
          %parallel_loop3A_521 = vector.shape_cast %parallel_loop3A_520 : vector<16xf32> to vector<16xf32>
          %parallel_loop3A_522 = arith.constant 14 : i32
          %parallel_loop3A_523 = arith.muli %squeeze3A_192, %parallel_loop3A_522 : i32
          %parallel_loop3A_524 = arith.addi %parallel_loop3A_218, %parallel_loop3A_523 : i32
          %parallel_loop3A_525 = arith.constant 14 : i32
          %parallel_loop3A_526 = arith.addi %parallel_loop3A_524, %parallel_loop3A_525 : i32
          %parallel_loop3A_527 = arith.index_cast %parallel_loop3A_526 : i32 to index
          %parallel_loop3A_528 = tpu.vector_load %arg7[%parallel_loop3A_527] {strides = array<i32>} : memref<12560xf32, #tpu.memory_space<vmem>>, vector<16xf32>,
          %parallel_loop3A_529 = vector.shape_cast %parallel_loop3A_528 : vector<16xf32> to vector<16xf32>
          %parallel_loop3A_530 = arith.subf %parallel_loop3A_529, %parallel_loop3A_521 : vector<16xf32>
          %parallel_loop3A_531 = vector.broadcast %squeeze3A_194 : f32 to vector<16xf32>
          %parallel_loop3A_532 = arith.mulf %parallel_loop3A_531, %parallel_loop3A_530 : vector<16xf32>
          %parallel_loop3A_533 = arith.addf %parallel_loop3A_521, %parallel_loop3A_532 : vector<16xf32>
          %parallel_loop3A_534 = arith.constant 14 : i32
          %parallel_loop3A_535 = arith.muli %squeeze3A_196, %parallel_loop3A_534 : i32
          %parallel_loop3A_536 = arith.addi %parallel_loop3A_218, %parallel_loop3A_535 : i32
          %parallel_loop3A_537 = arith.index_cast %parallel_loop3A_536 : i32 to index
          %parallel_loop3A_538 = tpu.vector_load %arg7[%parallel_loop3A_537] {strides = array<i32>} : memref<12560xf32, #tpu.memory_space<vmem>>, vector<16xf32>,
          %parallel_loop3A_539 = vector.shape_cast %parallel_loop3A_538 : vector<16xf32> to vector<16xf32>
          %parallel_loop3A_540 = arith.constant 14 : i32
          %parallel_loop3A_541 = arith.muli %squeeze3A_196, %parallel_loop3A_540 : i32
          %parallel_loop3A_542 = arith.addi %parallel_loop3A_218, %parallel_loop3A_541 : i32
          %parallel_loop3A_543 = arith.constant 14 : i32
          %parallel_loop3A_544 = arith.addi %parallel_loop3A_542, %parallel_loop3A_543 : i32
          %parallel_loop3A_545 = arith.index_cast %parallel_loop3A_544 : i32 to index
          %parallel_loop3A_546 = tpu.vector_load %arg7[%parallel_loop3A_545] {strides = array<i32>} : memref<12560xf32, #tpu.memory_space<vmem>>, vector<16xf32>,
          %parallel_loop3A_547 = vector.shape_cast %parallel_loop3A_546 : vector<16xf32> to vector<16xf32>
          %parallel_loop3A_548 = arith.subf %parallel_loop3A_547, %parallel_loop3A_539 : vector<16xf32>
          %parallel_loop3A_549 = vector.broadcast %squeeze3A_198 : f32 to vector<16xf32>
          %parallel_loop3A_550 = arith.mulf %parallel_loop3A_549, %parallel_loop3A_548 : vector<16xf32>
          %parallel_loop3A_551 = arith.addf %parallel_loop3A_539, %parallel_loop3A_550 : vector<16xf32>
          %parallel_loop3A_552 = vector.shape_cast %gather3A_136 : vector<16xi32> to vector<16x1xi32>
          %parallel_loop3A_553 = vector.shape_cast %parallel_loop3A_552 : vector<16x1xi32> to vector<16xi32>
          %parallel_loop3A_554 = tpu.dynamic_gather %parallel_loop3A_533[%parallel_loop3A_553] in [0] : vector<16xf32>, vector<16xi32> -> vector<16xf32>
          %parallel_loop3A_555 = vector.shape_cast %add3A_139 : vector<16xi32> to vector<16x1xi32>
          %parallel_loop3A_556 = vector.shape_cast %parallel_loop3A_555 : vector<16x1xi32> to vector<16xi32>
          %parallel_loop3A_557 = tpu.dynamic_gather %parallel_loop3A_533[%parallel_loop3A_556] in [0] : vector<16xf32>, vector<16xi32> -> vector<16xf32>
          %parallel_loop3A_558 = arith.subf %parallel_loop3A_557, %parallel_loop3A_554 : vector<16xf32>
          %parallel_loop3A_559 = arith.mulf %gather3A_142, %parallel_loop3A_558 : vector<16xf32>
          %parallel_loop3A_560 = arith.addf %parallel_loop3A_554, %parallel_loop3A_559 : vector<16xf32>
          %parallel_loop3A_561 = vector.shape_cast %gather3A_136 : vector<16xi32> to vector<16x1xi32>
          %parallel_loop3A_562 = vector.shape_cast %parallel_loop3A_561 : vector<16x1xi32> to vector<16xi32>
          %parallel_loop3A_563 = tpu.dynamic_gather %parallel_loop3A_551[%parallel_loop3A_562] in [0] : vector<16xf32>, vector<16xi32> -> vector<16xf32>
          %parallel_loop3A_564 = vector.shape_cast %add3A_139 : vector<16xi32> to vector<16x1xi32>
          %parallel_loop3A_565 = vector.shape_cast %parallel_loop3A_564 : vector<16x1xi32> to vector<16xi32>
          %parallel_loop3A_566 = tpu.dynamic_gather %parallel_loop3A_551[%parallel_loop3A_565] in [0] : vector<16xf32>, vector<16xi32> -> vector<16xf32>
          %parallel_loop3A_567 = arith.subf %parallel_loop3A_566, %parallel_loop3A_563 : vector<16xf32>
          %parallel_loop3A_568 = arith.mulf %gather3A_142, %parallel_loop3A_567 : vector<16xf32>
          %parallel_loop3A_569 = arith.addf %parallel_loop3A_563, %parallel_loop3A_568 : vector<16xf32>
          %parallel_loop3A_570 = arith.maximumf %parallel_loop3A_560, %parallel_loop3A_569 : vector<16xf32>
          %parallel_loop3A_571 = vector.shape_cast %min3A_23 : vector<16xi32> to vector<16x1xi32>
          %parallel_loop3A_572 = vector.shape_cast %parallel_loop3A_571 : vector<16x1xi32> to vector<16xi32>
          %parallel_loop3A_573 = tpu.dynamic_gather %parallel_loop3A_570[%parallel_loop3A_572] in [0] : vector<16xf32>, vector<16xi32> -> vector<16xf32>
          %parallel_loop3A_574 = arith.maximumf %parallel_loop3A_570, %parallel_loop3A_573 : vector<16xf32>
          %parallel_loop3A_575 = arith.constant 14 : i32
          %parallel_loop3A_576 = arith.muli %squeeze3A_200, %parallel_loop3A_575 : i32
          %parallel_loop3A_577 = arith.addi %parallel_loop3A_218, %parallel_loop3A_576 : i32
          %parallel_loop3A_578 = arith.index_cast %parallel_loop3A_577 : i32 to index
          %parallel_loop3A_579 = tpu.vector_load %arg7[%parallel_loop3A_578] {strides = array<i32>} : memref<12560xf32, #tpu.memory_space<vmem>>, vector<16xf32>,
          %parallel_loop3A_580 = vector.shape_cast %parallel_loop3A_579 : vector<16xf32> to vector<16xf32>
          %parallel_loop3A_581 = arith.constant 14 : i32
          %parallel_loop3A_582 = arith.muli %squeeze3A_200, %parallel_loop3A_581 : i32
          %parallel_loop3A_583 = arith.addi %parallel_loop3A_218, %parallel_loop3A_582 : i32
          %parallel_loop3A_584 = arith.constant 14 : i32
          %parallel_loop3A_585 = arith.addi %parallel_loop3A_583, %parallel_loop3A_584 : i32
          %parallel_loop3A_586 = arith.index_cast %parallel_loop3A_585 : i32 to index
          %parallel_loop3A_587 = tpu.vector_load %arg7[%parallel_loop3A_586] {strides = array<i32>} : memref<12560xf32, #tpu.memory_space<vmem>>, vector<16xf32>,
          %parallel_loop3A_588 = vector.shape_cast %parallel_loop3A_587 : vector<16xf32> to vector<16xf32>
          %parallel_loop3A_589 = arith.subf %parallel_loop3A_588, %parallel_loop3A_580 : vector<16xf32>
          %parallel_loop3A_590 = vector.broadcast %squeeze3A_202 : f32 to vector<16xf32>
          %parallel_loop3A_591 = arith.mulf %parallel_loop3A_590, %parallel_loop3A_589 : vector<16xf32>
          %parallel_loop3A_592 = arith.addf %parallel_loop3A_580, %parallel_loop3A_591 : vector<16xf32>
          %parallel_loop3A_593 = arith.constant 14 : i32
          %parallel_loop3A_594 = arith.muli %squeeze3A_204, %parallel_loop3A_593 : i32
          %parallel_loop3A_595 = arith.addi %parallel_loop3A_218, %parallel_loop3A_594 : i32
          %parallel_loop3A_596 = arith.index_cast %parallel_loop3A_595 : i32 to index
          %parallel_loop3A_597 = tpu.vector_load %arg7[%parallel_loop3A_596] {strides = array<i32>} : memref<12560xf32, #tpu.memory_space<vmem>>, vector<16xf32>,
          %parallel_loop3A_598 = vector.shape_cast %parallel_loop3A_597 : vector<16xf32> to vector<16xf32>
          %parallel_loop3A_599 = arith.constant 14 : i32
          %parallel_loop3A_600 = arith.muli %squeeze3A_204, %parallel_loop3A_599 : i32
          %parallel_loop3A_601 = arith.addi %parallel_loop3A_218, %parallel_loop3A_600 : i32
          %parallel_loop3A_602 = arith.constant 14 : i32
          %parallel_loop3A_603 = arith.addi %parallel_loop3A_601, %parallel_loop3A_602 : i32
          %parallel_loop3A_604 = arith.index_cast %parallel_loop3A_603 : i32 to index
          %parallel_loop3A_605 = tpu.vector_load %arg7[%parallel_loop3A_604] {strides = array<i32>} : memref<12560xf32, #tpu.memory_space<vmem>>, vector<16xf32>,
          %parallel_loop3A_606 = vector.shape_cast %parallel_loop3A_605 : vector<16xf32> to vector<16xf32>
          %parallel_loop3A_607 = arith.subf %parallel_loop3A_606, %parallel_loop3A_598 : vector<16xf32>
          %parallel_loop3A_608 = vector.broadcast %squeeze3A_206 : f32 to vector<16xf32>
          %parallel_loop3A_609 = arith.mulf %parallel_loop3A_608, %parallel_loop3A_607 : vector<16xf32>
          %parallel_loop3A_610 = arith.addf %parallel_loop3A_598, %parallel_loop3A_609 : vector<16xf32>
          %parallel_loop3A_611 = vector.shape_cast %gather3A_136 : vector<16xi32> to vector<16x1xi32>
          %parallel_loop3A_612 = vector.shape_cast %parallel_loop3A_611 : vector<16x1xi32> to vector<16xi32>
          %parallel_loop3A_613 = tpu.dynamic_gather %parallel_loop3A_592[%parallel_loop3A_612] in [0] : vector<16xf32>, vector<16xi32> -> vector<16xf32>
          %parallel_loop3A_614 = vector.shape_cast %add3A_139 : vector<16xi32> to vector<16x1xi32>
          %parallel_loop3A_615 = vector.shape_cast %parallel_loop3A_614 : vector<16x1xi32> to vector<16xi32>
          %parallel_loop3A_616 = tpu.dynamic_gather %parallel_loop3A_592[%parallel_loop3A_615] in [0] : vector<16xf32>, vector<16xi32> -> vector<16xf32>
          %parallel_loop3A_617 = arith.subf %parallel_loop3A_616, %parallel_loop3A_613 : vector<16xf32>
          %parallel_loop3A_618 = arith.mulf %gather3A_142, %parallel_loop3A_617 : vector<16xf32>
          %parallel_loop3A_619 = arith.addf %parallel_loop3A_613, %parallel_loop3A_618 : vector<16xf32>
          %parallel_loop3A_620 = vector.shape_cast %gather3A_136 : vector<16xi32> to vector<16x1xi32>
          %parallel_loop3A_621 = vector.shape_cast %parallel_loop3A_620 : vector<16x1xi32> to vector<16xi32>
          %parallel_loop3A_622 = tpu.dynamic_gather %parallel_loop3A_610[%parallel_loop3A_621] in [0] : vector<16xf32>, vector<16xi32> -> vector<16xf32>
          %parallel_loop3A_623 = vector.shape_cast %add3A_139 : vector<16xi32> to vector<16x1xi32>
          %parallel_loop3A_624 = vector.shape_cast %parallel_loop3A_623 : vector<16x1xi32> to vector<16xi32>
          %parallel_loop3A_625 = tpu.dynamic_gather %parallel_loop3A_610[%parallel_loop3A_624] in [0] : vector<16xf32>, vector<16xi32> -> vector<16xf32>
          %parallel_loop3A_626 = arith.subf %parallel_loop3A_625, %parallel_loop3A_622 : vector<16xf32>
          %parallel_loop3A_627 = arith.mulf %gather3A_142, %parallel_loop3A_626 : vector<16xf32>
          %parallel_loop3A_628 = arith.addf %parallel_loop3A_622, %parallel_loop3A_627 : vector<16xf32>
          %parallel_loop3A_629 = arith.maximumf %parallel_loop3A_619, %parallel_loop3A_628 : vector<16xf32>
          %parallel_loop3A_630 = vector.shape_cast %min3A_23 : vector<16xi32> to vector<16x1xi32>
          %parallel_loop3A_631 = vector.shape_cast %parallel_loop3A_630 : vector<16x1xi32> to vector<16xi32>
          %parallel_loop3A_632 = tpu.dynamic_gather %parallel_loop3A_629[%parallel_loop3A_631] in [0] : vector<16xf32>, vector<16xi32> -> vector<16xf32>
          %parallel_loop3A_633 = arith.maximumf %parallel_loop3A_629, %parallel_loop3A_632 : vector<16xf32>
          %parallel_loop3A_634 = vector.shape_cast %max3A_28 : vector<16xi32> to vector<16x1xi32>
          %parallel_loop3A_635 = vector.shape_cast %parallel_loop3A_634 : vector<16x1xi32> to vector<16xi32>
          %parallel_loop3A_636 = tpu.dynamic_gather %parallel_loop3A_338[%parallel_loop3A_635] in [0] : vector<16xf32>, vector<16xi32> -> vector<16xf32>
          %parallel_loop3A_637 = arith.select %lt3A_6, %parallel_loop3A_279, %parallel_loop3A_636 : vector<16xi1>, vector<16xf32>
          %parallel_loop3A_638 = arith.constant 0 : i32
          %parallel_loop3A_639 = arith.addi %parallel_loop3A_220, %parallel_loop3A_638 : i32
          %parallel_loop3A_640 = arith.index_cast %parallel_loop3A_639 : i32 to index
          %parallel_loop3A_641 = tpu.vector_load %arg9[%parallel_loop3A_640] {strides = array<i32>} : memref<4096xf32, #tpu.memory_space<vmem>>, vector<16xf32>,
          %parallel_loop3A_642 = vector.shape_cast %parallel_loop3A_641 : vector<16xf32> to vector<16xf32>
          %parallel_loop3A_643 = vector.shape_cast %parallel_loop3A_637 : vector<16xf32> to vector<16xf32>
          tpu.vector_store %arg9[%parallel_loop3A_640], %parallel_loop3A_643 {strides = array<i32>} : memref<4096xf32, #tpu.memory_space<vmem>>, vector<16xf32>,
          %parallel_loop3A_644 = vector.shape_cast %max3A_28 : vector<16xi32> to vector<16x1xi32>
          %parallel_loop3A_645 = vector.shape_cast %parallel_loop3A_644 : vector<16x1xi32> to vector<16xi32>
          %parallel_loop3A_646 = tpu.dynamic_gather %parallel_loop3A_456[%parallel_loop3A_645] in [0] : vector<16xf32>, vector<16xi32> -> vector<16xf32>
          %parallel_loop3A_647 = arith.select %lt3A_6, %parallel_loop3A_397, %parallel_loop3A_646 : vector<16xi1>, vector<16xf32>
          %parallel_loop3A_648 = arith.constant 16 : i32
          %parallel_loop3A_649 = arith.addi %parallel_loop3A_220, %parallel_loop3A_648 : i32
          %parallel_loop3A_650 = arith.index_cast %parallel_loop3A_649 : i32 to index
          %parallel_loop3A_651 = tpu.vector_load %arg9[%parallel_loop3A_650] {strides = array<i32>} : memref<4096xf32, #tpu.memory_space<vmem>>, vector<16xf32>,
          %parallel_loop3A_652 = vector.shape_cast %parallel_loop3A_651 : vector<16xf32> to vector<16xf32>
          %parallel_loop3A_653 = vector.shape_cast %parallel_loop3A_647 : vector<16xf32> to vector<16xf32>
          tpu.vector_store %arg9[%parallel_loop3A_650], %parallel_loop3A_653 {strides = array<i32>} : memref<4096xf32, #tpu.memory_space<vmem>>, vector<16xf32>,
          %parallel_loop3A_654 = vector.shape_cast %max3A_28 : vector<16xi32> to vector<16x1xi32>
          %parallel_loop3A_655 = vector.shape_cast %parallel_loop3A_654 : vector<16x1xi32> to vector<16xi32>
          %parallel_loop3A_656 = tpu.dynamic_gather %parallel_loop3A_574[%parallel_loop3A_655] in [0] : vector<16xf32>, vector<16xi32> -> vector<16xf32>
          %parallel_loop3A_657 = arith.select %lt3A_6, %parallel_loop3A_515, %parallel_loop3A_656 : vector<16xi1>, vector<16xf32>
          %parallel_loop3A_658 = arith.constant 32 : i32
          %parallel_loop3A_659 = arith.addi %parallel_loop3A_220, %parallel_loop3A_658 : i32
          %parallel_loop3A_660 = arith.index_cast %parallel_loop3A_659 : i32 to index
          %parallel_loop3A_661 = tpu.vector_load %arg9[%parallel_loop3A_660] {strides = array<i32>} : memref<4096xf32, #tpu.memory_space<vmem>>, vector<16xf32>,
          %parallel_loop3A_662 = vector.shape_cast %parallel_loop3A_661 : vector<16xf32> to vector<16xf32>
          %parallel_loop3A_663 = vector.shape_cast %parallel_loop3A_657 : vector<16xf32> to vector<16xf32>
          tpu.vector_store %arg9[%parallel_loop3A_660], %parallel_loop3A_663 {strides = array<i32>} : memref<4096xf32, #tpu.memory_space<vmem>>, vector<16xf32>,
          %parallel_loop3A_664 = arith.constant 48 : i32
          %parallel_loop3A_665 = arith.addi %parallel_loop3A_220, %parallel_loop3A_664 : i32
          %parallel_loop3A_666 = arith.index_cast %parallel_loop3A_665 : i32 to index
          %parallel_loop3A_667 = tpu.vector_load %arg9[%parallel_loop3A_666] {strides = array<i32>} : memref<4096xf32, #tpu.memory_space<vmem>>, vector<16xf32>,
          %parallel_loop3A_668 = vector.shape_cast %parallel_loop3A_667 : vector<16xf32> to vector<16xf32>
          %parallel_loop3A_669 = vector.shape_cast %parallel_loop3A_633 : vector<16xf32> to vector<16xf32>
          tpu.vector_store %arg9[%parallel_loop3A_666], %parallel_loop3A_669 {strides = array<i32>} : memref<4096xf32, #tpu.memory_space<vmem>>, vector<16xf32>,
        } {sc.loop_unroll_factor = 2 : i64, sc.parallel_access}
        %mul3A_209 = arith.constant 4096 : i32
        %mul3A_210 = arith.muli %add3A_104, %mul3A_209 : i32
        %dma_start3A = arith.constant 0 : i32
        %dma_start3A_211 = tpu.memref_slice %arg9[%dma_start3A] : memref<4096xf32, #tpu.memory_space<vmem>> -> memref<4096xf32, #tpu.memory_space<vmem>>
        %dma_start3A_212 = tpu.memref_slice %arg4[%mul3A_210] : memref<20480000xf32, #tpu.memory_space<hbm>> -> memref<4096xf32, #tpu.memory_space<hbm>>
        %dma_start3A_213 = tpu.memref_slice %arg4[%mul3A_210] : memref<20480000xf32, #tpu.memory_space<hbm>> -> memref<4096xf32, #tpu.memory_space<hbm>>
        %dma_start3A_214 = arith.constant 0 : i32
        %dma_start3A_215 = tpu.memref_slice %arg9[%dma_start3A_214] : memref<4096xf32, #tpu.memory_space<vmem>> -> memref<4096xf32, #tpu.memory_space<vmem>>
        tpu.enqueue_dma source(%dma_start3A_215 : memref<4096xf32, #tpu.memory_space<vmem>>) target(%dma_start3A_213 : memref<4096xf32, #tpu.memory_space<hbm>>) target_semaphore(%arg13 : memref<!tpu.dma_semaphore, #tpu.memory_space<semaphore_mem>>)
      } else {
      }
    }
    %scan3A_45 = arith.constant 79 : i32
    %add3A_46 = arith.constant 156 : i32
    %add3A_47 = arith.addi %mul3A_2, %add3A_46 : i32
    %lt3A_48 = arith.constant 5000 : i32
    %lt3A_49 = arith.cmpi slt, %add3A_47, %lt3A_48 : i32
    %convert_element_type3A_50 = arith.extui %lt3A_49 : i1 to i32
    %cond3A_51 = arith.constant 0 : i32
    %cond3A_52 = arith.cmpi ne, %convert_element_type3A_50, %cond3A_51 : i32
    scf.if %cond3A_52 {
      %dma_wait3A = arith.constant 0 : i32
      %dma_wait3A_60 = tpu.memref_slice %arg8[%dma_wait3A] : memref<4096xf32, #tpu.memory_space<vmem>> -> memref<4096xf32, #tpu.memory_space<vmem>>
      %dma_wait3A_61 = arith.constant 0 : i32
      %dma_wait3A_62 = tpu.memref_slice %arg4[%dma_wait3A_61] : memref<20480000xf32, #tpu.memory_space<hbm>> -> memref<4096xf32, #tpu.memory_space<hbm>>
      %dma_wait3A_63 = arith.constant 0 : i32
      %dma_wait3A_64 = tpu.memref_slice %arg4[%dma_wait3A_63] : memref<20480000xf32, #tpu.memory_space<hbm>> -> memref<4096xf32, #tpu.memory_space<hbm>>
      %dma_wait3A_65 = arith.constant 0 : i32
      %dma_wait3A_66 = tpu.memref_slice %arg8[%dma_wait3A_65] : memref<4096xf32, #tpu.memory_space<vmem>> -> memref<4096xf32, #tpu.memory_space<vmem>>
      tpu.wait_dma2 semaphore(%arg12 : memref<!tpu.dma_semaphore, #tpu.memory_space<semaphore_mem>>) src(%dma_wait3A_66 : memref<4096xf32, #tpu.memory_space<vmem>>) dst(%dma_wait3A_64 : memref<4096xf32, #tpu.memory_space<hbm>>)
    } else {
    }
    %add3A_53 = arith.constant 157 : i32
    %add3A_54 = arith.addi %mul3A_2, %add3A_53 : i32
    %lt3A_55 = arith.constant 5000 : i32
    %lt3A_56 = arith.cmpi slt, %add3A_54, %lt3A_55 : i32
    %convert_element_type3A_57 = arith.extui %lt3A_56 : i1 to i32
    %cond3A_58 = arith.constant 0 : i32
    %cond3A_59 = arith.cmpi ne, %convert_element_type3A_57, %cond3A_58 : i32
    scf.if %cond3A_59 {
      %dma_wait3A = arith.constant 0 : i32
      %dma_wait3A_60 = tpu.memref_slice %arg8[%dma_wait3A] : memref<4096xf32, #tpu.memory_space<vmem>> -> memref<4096xf32, #tpu.memory_space<vmem>>
      %dma_wait3A_61 = arith.constant 0 : i32
      %dma_wait3A_62 = tpu.memref_slice %arg4[%dma_wait3A_61] : memref<20480000xf32, #tpu.memory_space<hbm>> -> memref<4096xf32, #tpu.memory_space<hbm>>
      %dma_wait3A_63 = arith.constant 0 : i32
      %dma_wait3A_64 = tpu.memref_slice %arg4[%dma_wait3A_63] : memref<20480000xf32, #tpu.memory_space<hbm>> -> memref<4096xf32, #tpu.memory_space<hbm>>
      %dma_wait3A_65 = arith.constant 0 : i32
      %dma_wait3A_66 = tpu.memref_slice %arg8[%dma_wait3A_65] : memref<4096xf32, #tpu.memory_space<vmem>> -> memref<4096xf32, #tpu.memory_space<vmem>>
      tpu.wait_dma2 semaphore(%arg13 : memref<!tpu.dma_semaphore, #tpu.memory_space<semaphore_mem>>) src(%dma_wait3A_66 : memref<4096xf32, #tpu.memory_space<vmem>>) dst(%dma_wait3A_64 : memref<4096xf32, #tpu.memory_space<hbm>>)
    } else {
    }
    return
  }
}

</mosaic_0001>

<sc_bundles>
// kernel: kernel.3.cloned.1.call-start
scs
__scs_entry_jumppad:
0x0: {  	(pc) =	sbr.rel $0x88, $3  }
0x1: {  	(tag) =	ssettag $0x0;
	lr =	simm.s32 $0x1  }
0x2: {  	[smem:$0x3F9F] =	sst lr;
	_ =	strace $0xD0000000  }
0x3: {  	_ = 	snop  }
0x4: {  	_ = 	snop  }
0x5: {  	_ = 	snop  }
0x6: {  	_ = 	snop  }
0x7: {  	_ = 	snop  }
__scs_overlays_trampoline_lowered:
0x8: {  	[smem:$0x3FAE] =	sst s0  }
0x9: {  	[smem:$0x3FAF] =	sst s1  }
0xa: {  	[smem:$0x3FB0] =	sst s2  }
0xb: {  	[smem:$0x3FB1] =	sst s3  }
0xc: {  	[smem:$0x3FB2] =	sst s4  }
0xd: {  	[smem:$0x3FB3] =	sst s5  }
0xe: {  	[smem:$0x3FB4] =	sst s6  }
0xf: {  	[smem:$0x3FB5] =	sst s7  }
0x10: {  	[smem:$0x3FB6] =	sst s8  }
0x11: {  	[smem:$0x3FB7] =	sst s9;
	s0 =	simm.s32 @!p0 $0x0  }
0x12: {  	s1 =	sld [smem:$0x3F9D];
	s0 =	simm.s32 @p0 $0x1  }
0x13: {  	[smem:$0x3FB8] =	sst s0;
	s0 =	simm.s32 @!p1 $0x0  }
0x14: {  	s2 =	sld [smem:$0x3F9C];
	s0 =	simm.s32 @p1 $0x1  }
0x15: {  	[smem:$0x3FB9] =	sst s0;
	s0 =	simm.s32 @!p2 $0x0  }
0x16: {  	s3 =	sld [smem:$0x3FDB];
	s0 =	simm.s32 @p2 $0x1  }
0x17: {  	s4 =	simm.s32 $0x1BF5;
	[smem:$0x3FBB] =	sst s0  }
0x18: {  	s0 =	sld [smem:$0x3F9E];
	_ =	swait.ge [sflag:s4], $0x0  }
0x19: {  	s7 =	sld [smem:$0x3F9F]  }
0x1a: {  	s8 =	sadd.s32 $0xFFFFE003, lr  }
0x1b: {  	s9 =	sadd.s32 $0xFFFFFEF7, lr;
	s5 =	simm.s32 $0xFFFFFFFF;
	p2 =	slt.u32 s8, $0xFFFFF086  }
0x1c: {  	p1 =	slt.u32 s9, $0xF7A;
	s5 =	simm.s32 @!p2 $0x0  }
0x1d: {  	s5 =	simm.s32 @p1 $0x1;
	p0 =	seq.s32 s7, s2  }
0x1e: {  	s7 =	smul.u32 @!p0 $0xF7A, s2;
	p2 =	seq.s32 @!p0 s5, $0x0  }
0x1f: {  	s9 =	smul.u32 $0xF7A, s1;
	s8 =	simm.s32 @!p0 $0x1BF5;
	p2 =	por !p2, p0  }
0x20: {  	[sflag:s8] =	ssyncset.s32 @!p0 $0xFFFFF086;
	s6 =	sadd.s32 @!p0 s3, s7;
	s7 =	simm.s32 @!p0 $0x108  }
0x21: {  	s3 =	sadd.s32 s3, s9;
	s6 =	sadd.s32 @!p0 $0x88, s6;
	s7 =	simm.s32 @p2 $0x1082  }
0x22: {  	[simem:s7], [sflag:s8] =	dma.local @!p0 [hbm:s6], $0xF7A  }
0x23: {  	s9 =	sor.u32 $0xD0000000, s2;
	s6 =	simm.s32 $0x108;
	_ =	swait.ge @!p0 [sflag:s8], $0x0  }
0x24: {  	s3 =	sadd.s32 $0x88, s3;
	s6 =	simm.s32 @!p1 $0x1082;
	[sflag:s4] =	ssyncset.s32 $0xFFFFF086  }
0x25: {  	[simem:s6], [sflag:s4] =	dma.local [hbm:s3], $0xF7A  }
0x26: {  	[smem:$0x3F9F] =	sst s1;
	(tag) =	ssettag s2;
	_ =	strace s9  }
0x27: {  	s1 =	sld [smem:$0x3FAF]  }
0x28: {  	s2 =	sld [smem:$0x3FB0]  }
0x29: {  	s4 =	sld [smem:$0x3FB2]  }
0x2a: {  	p0 =	seq.s32 s5, $0x0;
	s5 =	sld [smem:$0x3FB3]  }
0x2b: {  	s6 =	sld [smem:$0x3FB4]  }
0x2c: {  	s7 =	sld [smem:$0x3FB5]  }
0x2d: {  	s3 =	simm.s32 $0x108;
	s8 =	sld [smem:$0x3FB6]  }
0x2e: {  	s3 =	simm.s32 @!p0 $0x1082;
	s9 =	sld [smem:$0x3FB7]  }
0x2f: {  	lr =	sadd.s32 s0, s3;
	s0 =	sld [smem:$0x3FAE]  }
0x30: {  	s3 =	sld [smem:$0x3FB1]  }
0x31: {  	[smem:$0x3FBA] =	sst s10  }
0x32: {  	s10 =	sld [smem:$0x3FB8];
	_ =	sdelay $0x3  }
0x33: {  	p0 =	seq.s32 s10, $0x1;
	s10 =	sld [smem:$0x3FBA];
	_ =	sdelay $0x3  }
0x34: {  	[smem:$0x3FBA] =	sst s10  }
0x35: {  	s10 =	sld [smem:$0x3FB9];
	_ =	sdelay $0x3  }
0x36: {  	p1 =	seq.s32 s10, $0x1;
	s10 =	sld [smem:$0x3FBA];
	_ =	sdelay $0x3  }
0x37: {  	[smem:$0x3FBA] =	sst s10  }
0x38: {  	s10 =	sld [smem:$0x3FBB]  }
0x39: {  	_ = 	snop;
	(pc) =	sbr.ind lr, $3  }
0x3a: {  	_ = 	snop  }
0x3b: {  	_ = 	snop  }
0x3c: {  	p2 =	seq.s32 s10, $0x1;
	s10 =	sld [smem:$0x3FBA]  }
0x3d: {  	_ =	shalt  }
0x3e: {  	_ =	shalt  }
0x3f: {  	_ =	shalt  }
0x40: {  	_ =	shalt  }
0x41: {  	_ =	shalt  }
0x42: {  	_ =	shalt  }
0x43: {  	_ =	shalt  }
0x44: {  	_ =	shalt  }
0x45: {  	_ =	shalt  }
0x46: {  	_ =	shalt  }
0x47: {  	_ =	shalt  }
0x48: {  	_ =	shalt  }
0x49: {  	_ =	shalt  }
0x4a: {  	_ =	shalt  }
0x4b: {  	_ =	shalt  }
0x4c: {  	_ =	shalt  }
0x4d: {  	_ =	shalt  }
0x4e: {  	_ =	shalt  }
0x4f: {  	_ =	shalt  }
0x50: {  	_ =	shalt  }
0x51: {  	_ =	shalt  }
0x52: {  	_ =	shalt  }
0x53: {  	_ =	shalt  }
0x54: {  	_ =	shalt  }
0x55: {  	_ =	shalt  }
0x56: {  	_ =	shalt  }
0x57: {  	_ =	shalt  }
0x58: {  	_ =	shalt  }
0x59: {  	_ =	shalt  }
0x5a: {  	_ =	shalt  }
0x5b: {  	_ =	shalt  }
0x5c: {  	_ =	shalt  }
0x5d: {  	_ =	shalt  }
0x5e: {  	_ =	shalt  }
0x5f: {  	_ =	shalt  }
0x60: {  	_ =	shalt  }
0x61: {  	_ =	shalt  }
0x62: {  	_ =	shalt  }
0x63: {  	_ =	shalt  }
0x64: {  	_ =	shalt  }
0x65: {  	_ =	shalt  }
0x66: {  	_ =	shalt  }
0x67: {  	_ =	shalt  }
0x68: {  	_ =	shalt  }
0x69: {  	_ =	shalt  }
0x6a: {  	_ =	shalt  }
0x6b: {  	_ =	shalt  }
0x6c: {  	_ =	shalt  }
0x6d: {  	_ =	shalt  }
0x6e: {  	_ =	shalt  }
0x6f: {  	_ =	shalt  }
0x70: {  	_ =	shalt  }
0x71: {  	_ =	shalt  }
0x72: {  	_ =	shalt  }
0x73: {  	_ =	shalt  }
0x74: {  	_ =	shalt  }
0x75: {  	_ =	shalt  }
0x76: {  	_ =	shalt  }
0x77: {  	_ =	shalt  }
0x78: {  	_ =	shalt  }
0x79: {  	_ =	shalt  }
0x7a: {  	_ =	shalt  }
0x7b: {  	_ =	shalt  }
0x7c: {  	_ =	shalt  }
0x7d: {  	_ =	shalt  }
0x7e: {  	_ =	shalt  }
0x7f: {  	_ =	shalt  }
0x80: {  	_ =	shalt  }
0x81: {  	_ =	shalt  }
0x82: {  	_ =	shalt  }
0x83: {  	_ =	shalt  }
0x84: {  	_ =	shalt  }
0x85: {  	_ =	shalt  }
0x86: {  	_ =	shalt  }
0x87: {  	_ =	shalt  }
.Lfunc_end0:
.L_simem_size_0:
called_computation.2_lowered:
.L_overlay_start_0:
0x88: {  	s2 =	sld [smem:$0x3FD9]  }
0x89: {  	s3 =	sld [smem:$0x3FFE];
	_ =	sdelay $0x1  }
0x8a: {  	s1 =	srdreg.scid  }
0x8b: {  	s0 =	sand.u32 $0x1, s1  }
0x8c: {  	s17 =	sshll.u32 s0, $0xA;
	s2 =	sadd.s32 s3, s2  }
0x8d: {  	s2 =	sadd.s32 s2, s17  }
0x8e: {  	[smem:$0x3FC6] =	sst s2  }
0x8f: {  	_ = 	snop  }
0x90: {  	s2 =	sld [smem:$0x3FD0];
	(tm) =	ssettm $0x1  }
0x91: {  	s18 =	sld [smem:$0x3FFB];
	_ =	sdelay $0x3  }
0x92: {  	_ =	strace s18  }
0x93: {  	s3 =	sld [smem:$0x3FFC];
	_ =	sdelay $0x3  }
0x94: {  	_ =	strace s3  }
0x95: {  	s3 =	sld [smem:$0x3FFD];
	_ =	sdelay $0x3  }
0x96: {  	_ =	strace s3  }
0x97: {  	_ =	strace $0x8FFFFFFF  }
0x98: {  	s19 =	sld [smem:$0x3FDB];
	_ =	sdelay $0x1  }
0x99: {  	s4 =	simm.s32 $_scs_section_size  }
0x9a: {  	s5 =	simm.s32 $_size__tile_overlayer_lowered;
	s6 =	simm.s32 $_tile_overlayer_lowered  }
0x9b: {  	s22 =	simm.s32 $0x1BFF;
	s21 =	sshll.u32 s6, $0x1;
	s3 =	sadd.s32 s4, s19  }
0x9c: {  	s7 =	simm.s32 $0x0;
	s20 =	sshll.u32 s5, $0x1;
	s5 =	sadd.s32 s21, s3  }
0x9d: {  	[timem:s7], [sflag:s22] =	dma.local [hbm:s5], s20  }
0x9e: {  	_ =	swait.ge [sflag:s22], s20  }
0x9f: {  	s4 =	ssub.s32 $0x0, s20;
	[sflag:s22] =	ssyncset.done $0x0  }
0xa0: {  	[sflag:s22] =	ssyncadd.s32 s4;
	_ =	sdelay $0x1  }
0xa1: {  	s23 =	simm.s32 $0x1B8B  }
0xa2: {  	_ =	swait.ge [sflag:s23], $0x1  }
0xa3: {  	[sflag:s23] =	ssyncset.done $0x0  }
0xa4: {  	s25 =	simm.s32 $0x1B8E;
	s24 =	sld [smem:$0x3FFE];
	[sflag:s23] =	ssyncadd.s32 $0xFFFFFFFF  }
0xa5: {  	s26 =	simm.s32 $execute0_lowered;
	[smem:$0x3FD2] =	sst s25  }
0xa6: {  	s5 =	sshll.u32 s26, $0x1;
	_ =	strace $0x80000049;
	[dreg:$0x1] =	wrdreg $0xFFFFFFFF  }
0xa7: {  	s28 =	simm.s32 $_size_execute0_lowered;
	s3 =	sadd.s32 s3, s5;
	[dreg:$0x0] =	wrdreg $0x0  }
0xa8: {  	s5 =	sshll.u32 s28, $0x1;
	[dreg:$0x2] =	wrdreg s3  }
0xa9: {  	[dreg:$0x3] =	wrdreg s5  }
0xaa: {  	[dreg:$0x4] =	wrdreg $0xC0  }
0xab: {  	_ =	task [dreg:s7], $0x5FFFF  }
0xac: {  	[dreg:$0x1] =	wrdreg $0xFFFFFFFF  }
0xad: {  	[dreg:$0x0] =	wrdreg $0x60  }
0xae: {  	[dreg:$0x2] =	wrdreg s24  }
0xaf: {  	[dreg:$0x3] =	wrdreg s2  }
0xb0: {  	[dreg:$0x4] =	wrdreg $0x9  }
0xb1: {  	_ =	task.clear_ibuf [dreg:s7], $0x5FFFF;
	_ =	strace $0x90000049  }
0xb2: {  	s29 =	simm.s32 $0x9;
	_ =	strace $0x8000004B  }
0xb3: {  	_ =	swait.ge [sflag:s29], $0x1  }
0xb4: {  	[sflag:s29] =	ssyncadd.s32 $0xFFFFFFFF  }
0xb5: {  	_ =	strace $0x9000004B  }
0xb6: {  	_ =	sfence  }
0xb7: {  	s30 =	sld [smem:$0x0];
	_ =	sdelay $0x2  }
0xb8: {  	s31 =	sshll.u32 s1, $0xD;
	s1 =	sshrl.u32 s1, $0x2  }
0xb9: {  	s3 =	sand.u32 $0x4000, s31;
	s1 =	sadd.s32 s1, s30  }
0xba: {  	s0 =	sor.u32 s3, s0;
	s1 =	sshll.u32 s1, $0x11  }
0xbb: {  	s0 =	sor.u32 s1, s0  }
0xbc: {  	s0 =	sadd.s32 $0x8F2B, s0  }
0xbd: {  	[sflag:s0] =	ssyncadd.remote.s32 $0x1  }
0xbe: {  	_ =	sfence.sel $0xFFFF  }
0xbf: {  	[dreg:$0x0] =	wrdreg $0xFFFFFFFF;
	(pc) =	sbr.abs _section_cstart, $3  }
0xc0: {  	[dreg:$0x1] =	wrdreg $0xFFFFFFFF  }
0xc1: {  	_ =	task.clear_ibuf [dreg:s7], $0x2FFFF;
	_ =	strace $0x9FFFFFFF  }
0xc2: {  	(tm) =	ssettm $0x7FFFFFFF  }
0xc3: {  	_ =	shalt  }
tec
execute0_lowered:
.L_overlay_start_1:
0x0: {  	(tag) =	ssettag $0x1  }
0x1: {  	v0 =	vimm.f32 $1.107142930e+00  }
0x2: {  	vm0 =	vcmask $0x300;
	v1 =	vimm.s32 $0x1CA86423;
	v2 =	vimm.s32 $0xDB9750  }
0x3: {  	v3 =	vimm.s32 $0x390000;
	v4 =	vimm.s32 $0xEDCBA987;
	vm1 =	vcmask $0x2304  }
0x4: {  	v58 =	vimm.s32 $0x4070605;
	v0 =	vsel vm0, $0x3D124925, v0;
	vm0 =	vcmask $0x704  }
0x5: {  	v1 =	vunpack.c.l.s4.s8 v1;
	v2 =	vunpack.c.l.s4.s8 v2;
	v3 =	vunpack.c.l.s2.s4 v3  }
0x6: {  	v4 =	vunpack.c.l.s4.s8 v4;
	v0 =	vsel vm0, $0x3DDB6DB8, v0;
	vm0 =	vcmask $0xB08  }
0x7: {  	v0 =	vsel vm0, $0x3E36DB6E, v0;
	vm0 =	vcmask $0xF0C;
	v1 =	vunpack.c.0.s8.s32 v1  }
0x8: {  	v2 =	vunpack.c.0.s8.s32 v2;
	v0 =	vsel vm0, $0x3E800000, v0;
	vm0 =	vcmask $0x1310  }
0x9: {  	v3 =	vunpack.c.l.s4.s8 v3;
	v0 =	vsel vm0, $0x3EA4924A, v0;
	vm0 =	vcmask $0x1714  }
0xa: {  	s5 =	rddreg [dreg:$0x0];
	v4 =	vunpack.c.0.s8.s32 v4;
	v0 =	vsel vm0, $0x3EC92493, v0;
	vm0 =	vcmask $0x1B18  }
0xb: {  	s1 =	srdreg.scid;
	s6 =	rddreg [dreg:$0x1];
	s2 =	simm.s32 $0x0;
	v1 =	vnsel vm1, $0x0, v1;
	v0 =	vsel vm0, $0x3EEDB6DC, v0;
	vm0 =	vcmask $0x1F1C  }
0xc: {  	s0 =	stileid.u32;
	[smem:$0x7FF] =	sst s2;
	vm1 =	vcmask $0x3F24;
	v0 =	vsel vm0, $0x3F092493, v0;
	vm0 =	vcmask $0x2320  }
0xd: {  	s4 =	sand.u32 $0x1, s1;
	s31 =	sshll.u32 s0, $0x1;
	_ =	strace $0x8000004A;
	v56 =	vunpack.c.0.s8.s32 v3;
	v0 =	vsel vm0, $0x3F1B6DB7, v0;
	vm0 =	vcmask $0x2724  }
0xe: {  	s16 =	sor.u32 s4, s31;
	s7 =	ssub.s32 $0x2, s4;
	s4 =	sadd.s32 $0x1000, s5;
	v57 =	vand.u32 $0xF, v4;
	v0 =	vsel vm0, $0x3F2DB6DC, v0;
	vm0 =	vcmask $0x2B28  }
0xf: {  	s5 =	sadd.s32 $0x77B200, s5;
	v3 =	vunpack.c.0.s8.s32 v58;
	v0 =	vsel vm0, $0x3F400001, v0;
	vm0 =	vcmask $0x2F2C  }
0x10: {  	s3 =	smul.u32 $0x9E, s16;
	v55 =	vsel vm1, v2, v1;
	v0 =	vsel vm0, $0x3F524925, v0;
	vm0 =	vcmask $0x3330  }
0x11: {  	s11 =	simm.s32 $0x300;
	s8 =	smul.u32 $0x4F, s16;
	vm1 =	vcmask $0x2B00;
	v0 =	vsel vm0, $0x3F64924A, v0;
	vm0 =	vcmask $0x3734  }
.Ltmp0:
0x12: {  	s12 =	simm.s32 $0x1;
	s13 =	simm.s32 $0x6600;
	v59 =	vand.u32 $0x3, v56;
	v0 =	vsel vm0, $0x3F76DB6E, v0;
	vm0 =	vcmask $0x3B38;
	(pc) =	sbr.rel .LBB2_1-.Ltmp0, $4  }
0x13: {  	s14 =	simm.s32 $0x2;
	s15 =	simm.s32 $0x7600;
	s10 =	smul.u32 $0x3C7C0, s16;
	v63 =	vnsel vm1, $0x8, v59;
	v0 =	vsel vm0, $0x3F84924A, v0;
	vm0 =	vcmask $0x1F00  }
0x14: {  	s9 =	sshrl.u32 s7, $0x1;
	p0 =	seq.s32 s16, $0x1F;
	s16 =	simm.s32 $0x0;
	[tilespmem:$0x1FFD0] =	vst v0;
	v60 =	vnsel vm0, $0xF, v57;
	vm0 =	vcmask $0x3B2C;
	v0 =	vand.u32 $0xF, v55  }
0x15: {  	s9 =	ssub.s32 s7, s9;
	s6 =	sadd.s32 s6, s8;
	s7 =	sadd.s32 s4, s10;
	[tilespmem:$0x1FFE0] =	vst v0;
	v28 =	vsel vm0, v3, v63  }
0x16: {  	s8 =	sadd.s32 $0x2, s3;
	s9 =	smax.u32 s9, $0x1;
	s10 =	simm.s32 $0x5;
	vm0 =	vmmov $0x7f;
	[tilespmem:$0x1FFF0] =	vst v28  }
.LBB2_11:
0x17: {  	s0 =	simm.s32 @!p0 $0x3;
	s16 =	sadd.s32 $0x1, s16  }
0x18: {  	_ =	swait.ge @!p0 [sflag:s0], $0x1000;
	p1 =	sne.s32 s16, s9  }
.Ltmp1:
0x19: {  	[sflag:s0] =	ssyncset.done @!p0 $0x0;
	(pc) =	sbr.rel @!p1 .LBB2_12-.Ltmp1, $4  }
0x1a: {  	[sflag:s0] =	ssyncadd.s32 @!p0 $0xFFFFF000;
	s0 =	simm.s32 @!p0 $0x4  }
0x1b: {  	_ =	swait.ge @!p0 [sflag:s0], $0x1000  }
0x1c: {  	[sflag:s0] =	ssyncset.done @!p0 $0x0  }
0x1d: {  	[sflag:s0] =	ssyncadd.s32 @!p0 $0xFFFFF000  }
.LBB2_1:
0x1e: {  	[tilespmem:s2], [sflag:$0x5] =	stream.linear.gather [hbm4b:s6+s2], $0x278, $0x38;
	[tilespmem:$0x8600] =	vst v63  }
.Ltmp2:
0x1f: {  	_ = 	snop;
	(pc) =	sbr.rel .LBB2_2-.Ltmp2, $4  }
0x20: {  	_ =	swait.ge [sflag:s10], $0x278  }
0x21: {  	[sflag:s10] =	ssyncset.done $0x0  }
0x22: {  	s17 =	simm.s32 $0x0;
	[sflag:s10] =	ssyncadd.s32 $0xFFFFFD88  }
0x23: {  	[tilespmem:s11], [sflag:$0x1] =	stream.linear.gather [hbm4b:s7+s2], $0x3100, $0x38;
	[tilespmem:$0x8600] =	vst v63  }
.LBB2_10:
0x24: {  	s17 =	sadd.s32 $0x1, s17  }
0x25: {  	p1 =	sne.s32 s17, $0x4F  }
.Ltmp3:
0x26: {  	_ = 	snop;
	(pc) =	sbr.rel @!p1 .LBB2_11-.Ltmp3, $1  }
0x27: {  	_ =	sdelay $0x3  }
.LBB2_2:
0x28: {  	s19 =	sshllo.u32 s17, $0x1  }
0x29: {  	s18 =	sadd.s32 s3, s19  }
0x2a: {  	p1 =	sgt.u32 s18, $0x1387  }
0x2b: {  	s21 =	smul.u32 @!p1 $0x620, s18  }
0x2c: {  	s20 =	sshll.u32 s17, $0x1  }
0x2d: {  	s22 =	simm.s32 @!p1 $0x0;
	s23 =	simm.s32 @!p1 $0x3480;
	s21 =	sadd.s32 @!p1 s4, s21  }
0x2e: {  	[tilespmem:s23], [sflag:$0x2] =	stream.linear.gather @!p1 [hbm4b:s21+s22], $0x3100, $0x38;
	[tilespmem:$0x8600] =	vst v63  }
0x2f: {  	s21 =	sadd.s32 s3, s20  }
0x30: {  	p2 =	sne.s32 s17, $0x0;
	p3 =	slt.u32 s21, $0x1389  }
0x31: {  	p2 =	por !p2, !p3;
	p3 =	sgt.u32 s21, $0x1387  }
.Ltmp4:
0x32: {  	p2 =	por !p2, !p2;
	(pc) =	sbr.rel @p3 .LBB2_6-.Ltmp4, $4  }
0x33: {  	s22 =	simm.s32 @p2 $0x3  }
0x34: {  	_ =	swait.ge @p2 [sflag:s22], $0x1000  }
0x35: {  	[sflag:s22] =	ssyncset.done @p2 $0x0  }
0x36: {  	[sflag:s22] =	ssyncadd.s32 @p2 $0xFFFFF000  }
0x37: {  	_ =	swait.ge [sflag:s12], $0x3100  }
0x38: {  	s22 =	sshll.u32 s17, $0x3;
	[sflag:s12] =	ssyncset.done $0x0  }
0x39: {  	s22 =	sand.u32 $0x3FFFFFF8, s22;
	[sflag:s12] =	ssyncadd.s32 $0xFFFFCF00  }
0x3a: {  	v0 =	vld [tilespmem:s22+$0x0];
	_ =	sdelay $0x4  }
0x3b: {  	(v2sf) =	vpush v0, $0x0  }
0x3c: {  	(v2sf) =	vpush v0, $0x1  }
0x3d: {  	(v2sf) =	vpush v0, $0x2  }
0x3e: {  	(v2sf) =	vpush v0, $0x3;
	_ =	sdelay $0xb  }
0x3f: {  	s23 =	spop (v2sf)  }
0x40: {  	v3 =	vld [tilespmem:$0x1FFD0];
	s0 =	spop (v2sf)  }
0x41: {  	s24 =	spop (v2sf)  }
0x42: {  	s25 =	spop (v2sf)  }
0x43: {  	s22 =	ssub.f32 s25, s0;
	_ =	sdelay $0x1  }
0x44: {  	v4 =	vbroadcast v0, $0x1;
	v2 =	vmul.f32 s22, v3;
	_ =	sdelay $0x1  }
0x45: {  	v2 =	vadd.f32 v2, v4;
	_ =	sdelay $0x1  }
0x46: {  	v4 =	vtrunc.f32 v2  }
0x47: {  	v8 =	vcvt.f32.s32 v4;
	_ =	sdelay $0x1  }
0x48: {  	v4 =	vmul.u32 $0x38, v8;
	_ =	sdelay $0x1  }
0x49: {  	v5 =	vadd.s32 $0x348, v4  }
0x4a: {  	(v2sf) =	vpush v5, $0x0  }
0x4b: {  	(v2sf) =	vpush v5, $0x1  }
0x4c: {  	(v2sf) =	vpush v5, $0x2  }
0x4d: {  	(v2sf) =	vpush v5, $0x3  }
0x4e: {  	(v2sf) =	vpush v5, $0x4  }
0x4f: {  	(v2sf) =	vpush v5, $0x5  }
0x50: {  	v7 =	vadd.s32 $0x310, v4;
	(v2sf) =	vpush v5, $0x6  }
0x51: {  	(v2sf) =	vpush v7, $0xD;
	_ =	sdelay $0x6  }
0x52: {  	(v2sf) =	vpush v7, $0xC  }
0x53: {  	s22 =	spop (v2sf)  }
0x54: {  	(v2sf) =	vpush v7, $0xB;
	s25 =	spop (v2sf)  }
0x55: {  	(v2sf) =	vpush v7, $0xA;
	s26 =	spop (v2sf)  }
0x56: {  	(v2sf) =	vpush v7, $0x9;
	s28 =	spop (v2sf)  }
0x57: {  	s25 =	sshra.s32 s25, $0x2;
	(v2sf) =	vpush v7, $0x8;
	s29 =	spop (v2sf)  }
0x58: {  	(v2sf) =	vpush v7, $0x7;
	v7 =	vmov s25;
	s30 =	spop (v2sf)  }
0x59: {  	s29 =	sshra.s32 s29, $0x2;
	s31 =	spop (v2sf)  }
0x5a: {  	s23 =	ssub.f32 s24, s23;
	v9 =	vmov s29;
	s1 =	spop (v2sf)  }
0x5b: {  	v0 =	vbroadcast v0, $0x0;
	s29 =	sshra.s32 s30, $0x2;
	s1 =	sshra.s32 s1, $0x2  }
0x5c: {  	v12 =	vmul.f32 s23, v3;
	v3 =	vld [tilespmem:$0x1FFE0];
	v10 =	vmov s29;
	v5 =	vmov s1;
	s1 =	sshra.s32 s22, $0x2;
	s22 =	simm.s32 $0x300  }
0x5d: {  	s29 =	sshra.s32 s26, $0x2;
	v38 =	vld.idx.msk [tilespmem:v7+s22+$0xFFFFFFF2 ss:$0x1], $0xffff  }
0x5e: {  	v0 =	vadd.f32 v12, v0;
	v13 =	vmov s29;
	v34 =	vld.idx.msk [tilespmem:v7+s22+$0x0 ss:$0x1], $0xffff  }
0x5f: {  	s23 =	sshra.s32 s31, $0x2;
	v39 =	vld.idx.msk [tilespmem:v9+s22+$0xFFFFFFF2 ss:$0x1], $0xffff  }
0x60: {  	v14 =	vtrunc.f32 v0;
	v16 =	vmov s23;
	v40 =	vld.idx.msk [tilespmem:v9+s22+$0x0 ss:$0x1], $0xffff  }
0x61: {  	v15 =	vcvt.f32.s32 v14;
	s0 =	spop (v2sf);
	v41 =	vld.idx.msk [tilespmem:v10+s22+$0xFFFFFFF2 ss:$0x1], $0xffff  }
0x62: {  	s0 =	sshra.s32 s0, $0x2;
	v42 =	vld.idx.msk [tilespmem:v10+s22+$0x0 ss:$0x1], $0xffff  }
0x63: {  	v17 =	vcvt.s32.f32 v15;
	v8 =	vcvt.s32.f32 v8;
	v4 =	vmov s0;
	v47 =	vld.idx.msk [tilespmem:v13+s22+$0xFFFFFFF2 ss:$0x1], $0xffff  }
0x64: {  	v15 =	vperm.xlane v15, v3;
	v48 =	vld.idx.msk [tilespmem:v13+s22+$0x0 ss:$0x1], $0xffff  }
0x65: {  	v0 =	vsub.f32 v0, v17;
	v2 =	vsub.f32 v2, v8;
	v6 =	vmov s1;
	v50 =	vld.idx.msk [tilespmem:v16+s22+$0xFFFFFFF2 ss:$0x1], $0xffff  }
0x66: {  	v36 =	vld.idx.msk [tilespmem:v5+s22+$0x0 ss:$0x1], $0xffff  }
0x67: {  	v17 =	vadd.s32 $0x1, v15;
	v8 =	vperm.xlane v0, v3;
	v3 =	vbroadcast v2, $0x0;
	v32 =	vld.idx.msk [tilespmem:v5+s22+$0xE ss:$0x1], $0xffff  }
0x68: {  	v15 =	vand.u32 $0xF, v15;
	v19 =	vbroadcast v2, $0x1;
	v21 =	vbroadcast v2, $0x2;
	v35 =	vld.idx.msk [tilespmem:v4+s22+$0x0 ss:$0x1], $0xffff;
	s0 =	spop (v2sf)  }
0x69: {  	v17 =	vand.u32 $0xF, v17;
	v22 =	vbroadcast v2, $0x3;
	v23 =	vbroadcast v2, $0x4;
	v31 =	vld.idx.msk [tilespmem:v4+s22+$0xE ss:$0x1], $0xffff;
	s25 =	spop (v2sf);
	s0 =	sshra.s32 s0, $0x2  }
0x6a: {  	v24 =	vbroadcast v2, $0x5;
	v26 =	vbroadcast v2, $0x6;
	v37 =	vld.idx.msk [tilespmem:v6+s22+$0xFFFFFFF2 ss:$0x1], $0xffff;
	s1 =	spop (v2sf);
	v25 =	vmov s0  }
0x6b: {  	v27 =	vbroadcast v2, $0x7;
	v29 =	vbroadcast v2, $0x8;
	v33 =	vld.idx.msk [tilespmem:v6+s22+$0x0 ss:$0x1], $0xffff;
	v59 =	vsub.f32 v34, v38;
	s1 =	sshra.s32 s1, $0x2  }
0x6c: {  	v30 =	vbroadcast v2, $0x9;
	v51 =	vld.idx.msk [tilespmem:v16+s22+$0x0 ss:$0x1], $0xffff;
	v34 =	vbroadcast v2, $0xB;
	s30 =	spop (v2sf);
	v12 =	vmov s1  }
0x6d: {  	v40 =	vsub.f32 v40, v39;
	v42 =	vsub.f32 v42, v41;
	v59 =	vmul.f32 v59, v19;
	s30 =	sshra.s32 s30, $0x2  }
0x6e: {  	v48 =	vsub.f32 v48, v47;
	v57 =	vsub.f32 v32, v36;
	v11 =	vmov s30  }
0x6f: {  	v32 =	vbroadcast v2, $0xC;
	s30 =	sshra.s32 s28, $0x2;
	v54 =	vsub.f32 v31, v35;
	v31 =	vbroadcast v2, $0xA;
	v1 =	vld.idx.msk [tilespmem:v25+s22+$0x0 ss:$0x1], $0xffff  }
0x70: {  	s24 =	spop (v2sf);
	v56 =	vsub.f32 v33, v37;
	v33 =	vbroadcast v2, $0xD;
	v14 =	vmov s30;
	v2 =	vld.idx.msk [tilespmem:v25+s22+$0xE ss:$0x1], $0xffff  }
0x71: {  	v51 =	vsub.f32 v51, v50;
	v40 =	vmul.f32 v40, v23;
	v38 =	vadd.f32 v59, v38;
	s26 =	sshra.s32 s24, $0x2;
	v45 =	vld.idx.msk [tilespmem:v12+s22+$0x0 ss:$0x1], $0xffff  }
0x72: {  	v42 =	vmul.f32 v42, v24;
	v48 =	vmul.f32 v48, v21;
	v18 =	vmov s26;
	v46 =	vld.idx.msk [tilespmem:v12+s22+$0xE ss:$0x1], $0xffff  }
0x73: {  	s28 =	sshra.s32 s25, $0x2;
	v51 =	vmul.f32 v51, v26;
	v39 =	vadd.f32 v40, v39;
	v40 =	vperm.xlane v38, v15;
	v43 =	vld.idx.msk [tilespmem:v11+s22+$0x0 ss:$0x1], $0xffff  }
0x74: {  	v20 =	vmov s28;
	v38 =	vperm.xlane v38, v17;
	v54 =	vmul.f32 v54, v32;
	v44 =	vld.idx.msk [tilespmem:v11+s22+$0xE ss:$0x1], $0xffff  }
0x75: {  	v41 =	vadd.f32 v42, v41;
	v57 =	vmul.f32 v57, v33;
	v56 =	vmul.f32 v56, v3;
	v0 =	vld.idx.msk [tilespmem:v14+s22+$0xFFFFFFF2 ss:$0x1], $0xffff  }
0x76: {  	v42 =	vperm.xlane v39, v15;
	v61 =	vadd.f32 v48, v47;
	v38 =	vsub.f32 v38, v40;
	v49 =	vld.idx.msk [tilespmem:v14+s22+$0x0 ss:$0x1], $0xffff  }
0x77: {  	v39 =	vperm.xlane v39, v17;
	v50 =	vadd.f32 v51, v50;
	v35 =	vadd.f32 v54, v35;
	v52 =	vld.idx.msk [tilespmem:v18+s22+$0x0 ss:$0x1], $0xffff  }
0x78: {  	v36 =	vadd.f32 v57, v36;
	v37 =	vadd.f32 v56, v37;
	v38 =	vmul.f32 v38, v8;
	v53 =	vld.idx.msk [tilespmem:v18+s22+$0xE ss:$0x1], $0xffff  }
0x79: {  	v39 =	vsub.f32 v39, v42;
	v55 =	vld.idx.msk [tilespmem:v20+s22+$0x0 ss:$0x1], $0xffff;
	v63 =	vperm.xlane v35, v15;
	v35 =	vperm.xlane v35, v17  }
0x7a: {  	v58 =	vld.idx.msk [tilespmem:v20+s22+$0xE ss:$0x1], $0xffff;
	v57 =	vperm.xlane v36, v15;
	v36 =	vperm.xlane v36, v17;
	v2 =	vsub.f32 v2, v1  }
0x7b: {  	v38 =	vadd.f32 v38, v40;
	v35 =	vsub.f32 v35, v63  }
0x7c: {  	v39 =	vmul.f32 v39, v8;
	v36 =	vsub.f32 v36, v57;
	v46 =	vsub.f32 v46, v45  }
0x7d: {  	v2 =	vmul.f32 v2, v34;
	v44 =	vsub.f32 v44, v43;
	v35 =	vmul.f32 v35, v8  }
0x7e: {  	v36 =	vmul.f32 v36, v8;
	v49 =	vsub.f32 v49, v0;
	v53 =	vsub.f32 v53, v52  }
0x7f: {  	v46 =	vmul.f32 v46, v30;
	v58 =	vsub.f32 v58, v55;
	v44 =	vmul.f32 v44, v29  }
0x80: {  	v39 =	vadd.f32 v39, v42;
	v49 =	vmul.f32 v49, v22;
	v53 =	vmul.f32 v53, v27  }
0x81: {  	v2 =	vadd.f32 v2, v1;
	v62 =	vmul.f32 v58, v31;
	v58 =	vperm.xlane v37, v15  }
0x82: {  	v37 =	vperm.xlane v37, v17;
	v45 =	vadd.f32 v46, v45;
	v46 =	vperm.xlane v61, v17  }
0x83: {  	v43 =	vadd.f32 v44, v43;
	v44 =	vperm.xlane v41, v15;
	v41 =	vperm.xlane v41, v17  }
0x84: {  	v0 =	vadd.f32 v49, v0;
	v48 =	vperm.xlane v45, v15;
	v45 =	vperm.xlane v45, v17  }
0x85: {  	v49 =	vperm.xlane v61, v15;
	v52 =	vadd.f32 v53, v52;
	v53 =	vperm.xlane v50, v15  }
0x86: {  	v35 =	vadd.f32 v35, v63;
	v50 =	vperm.xlane v50, v17;
	v61 =	vperm.xlane v2, v15  }
0x87: {  	v1 =	vld.idx.msk [tilespmem:v13+s22+$0xFFFFFF2E ss:$0x1], $0xffff;
	v36 =	vadd.f32 v36, v57;
	v2 =	vperm.xlane v2, v17;
	v47 =	vperm.xlane v43, v15  }
0x88: {  	[tilespmem:$0x1FE10] =	vst v13;
	v54 =	vadd.f32 v62, v55;
	v43 =	vperm.xlane v43, v17;
	v51 =	vperm.xlane v0, v15  }
0x89: {  	v56 =	vld.idx.msk [tilespmem:v13+s22+$0xFFFFFF3C ss:$0x1], $0xffff;
	v37 =	vsub.f32 v37, v58;
	v0 =	vperm.xlane v0, v17;
	v55 =	vperm.xlane v52, v15  }
0x8a: {  	v57 =	vld.idx.msk [tilespmem:v14+s22+$0xFFFFFF2E ss:$0x1], $0xffff;
	v41 =	vsub.f32 v41, v44;
	v52 =	vperm.xlane v52, v17;
	v59 =	vperm.xlane v54, v15  }
0x8b: {  	[tilespmem:$0x1FE20] =	vst v14;
	v37 =	vmul.f32 v37, v8;
	v45 =	vsub.f32 v45, v48;
	v46 =	vsub.f32 v46, v49  }
0x8c: {  	v40 =	vld.idx.msk [tilespmem:v16+s22+$0xFFFFFF2E ss:$0x1], $0xffff;
	v54 =	vperm.xlane v54, v17;
	v50 =	vsub.f32 v50, v53;
	v43 =	vsub.f32 v43, v47  }
0x8d: {  	v41 =	vmul.f32 v41, v8;
	v37 =	vadd.f32 v37, v58;
	v58 =	vld.idx.msk [tilespmem:v14+s22+$0xFFFFFF3C ss:$0x1], $0xffff;
	[tilespmem:$0x1FE30] =	vst v16  }
0x8e: {  	v2 =	vsub.f32 v2, v61;
	v0 =	vsub.f32 v0, v51;
	v45 =	vmul.f32 v45, v8;
	v42 =	vld.idx.msk [tilespmem:v16+s22+$0xFFFFFF3C ss:$0x1], $0xffff  }
0x8f: {  	v43 =	vmul.f32 v43, v8;
	v41 =	vadd.f32 v41, v44;
	v44 =	vld.idx.msk [tilespmem:v18+s22+$0xFFFFFF3C ss:$0x1], $0xffff;
	[tilespmem:$0x1FE40] =	vst v18  }
0x90: {  	v52 =	vsub.f32 v52, v55;
	v46 =	vmul.f32 v46, v8;
	v45 =	vadd.f32 v45, v48;
	v48 =	vld.idx.msk [tilespmem:v20+s22+$0xFFFFFF3C ss:$0x1], $0xffff  }
0x91: {  	v0 =	vmul.f32 v0, v8;
	v43 =	vadd.f32 v43, v47;
	v47 =	vld.idx.msk [tilespmem:v18+s22+$0xFFFFFF4A ss:$0x1], $0xffff;
	[tilespmem:$0x1FE50] =	vst v20  }
0x92: {  	v54 =	vsub.f32 v54, v59;
	v50 =	vmul.f32 v50, v8;
	v46 =	vadd.f32 v46, v49;
	v49 =	vld.idx.msk [tilespmem:v20+s22+$0xFFFFFF4A ss:$0x1], $0xffff  }
0x93: {  	v52 =	vmul.f32 v52, v8;
	v0 =	vadd.f32 v0, v51;
	v51 =	vld.idx.msk [tilespmem:v25+s22+$0xFFFFFF3C ss:$0x1], $0xffff;
	[tilespmem:$0x1FE60] =	vst v25  }
0x94: {  	v2 =	vmul.f32 v2, v8;
	v50 =	vadd.f32 v50, v53;
	v53 =	vld.idx.msk [tilespmem:v25+s22+$0xFFFFFF4A ss:$0x1], $0xffff  }
0x95: {  	v35 =	vmax.f32 v35, v36;
	v54 =	vmul.f32 v54, v8;
	v52 =	vadd.f32 v52, v55;
	v55 =	vld.idx.msk [tilespmem:v6+s22+$0xFFFFFF3C ss:$0x1], $0xffff  }
0x96: {  	v2 =	vadd.f32 v2, v61;
	v37 =	vmax.f32 v37, v38;
	v36 =	vld.idx.msk [tilespmem:v7+s22+$0xFFFFFF2E ss:$0x1], $0xffff;
	[tilespmem:$0x1FE70] =	vst v7  }
0x97: {  	v54 =	vadd.f32 v54, v59;
	v0 =	vmax.f32 v46, v0;
	v62 =	vmax.f32 v50, v52;
	v46 =	vld.idx.msk [tilespmem:v7+s22+$0xFFFFFF3C ss:$0x1], $0xffff  }
0x98: {  	v39 =	vmax.f32 v39, v41;
	v52 =	vld.idx.msk [tilespmem:v9+s22+$0xFFFFFF2E ss:$0x1], $0xffff;
	[tilespmem:$0x1FE80] =	vst v9;
	v50 =	vperm.xlane v62, v60  }
0x99: {  	v20 =	vperm.xlane v37, v60;
	v61 =	vperm.xlane v39, v60;
	v2 =	vmax.f32 v54, v2;
	v54 =	vld.idx.msk [tilespmem:v9+s22+$0xFFFFFF3C ss:$0x1], $0xffff  }
0x9a: {  	v63 =	vperm.xlane v0, v60;
	v38 =	vmax.f32 v62, v50;
	v50 =	vld.idx.msk [tilespmem:v10+s22+$0xFFFFFF2E ss:$0x1], $0xffff;
	[tilespmem:$0x1FE90] =	vst v10  }
0x9b: {  	v56 =	vsub.f32 v56, v1;
	v43 =	vmax.f32 v43, v45;
	v45 =	vld.idx.msk [tilespmem:v10+s22+$0xFFFFFF3C ss:$0x1], $0xffff;
	[tilespmem:$0x1FEA0] =	vst v6  }
0x9c: {  	v37 =	vmax.f32 v37, v20;
	v39 =	vmax.f32 v39, v61;
	v0 =	vmax.f32 v0, v63;
	v59 =	vld.idx.msk [tilespmem:v6+s22+$0xFFFFFF2E ss:$0x1], $0xffff  }
0x9d: {  	v63 =	vsub.f32 v58, v57;
	v0 =	vperm.xlane v0, v28;
	v58 =	vld.idx.msk [tilespmem:v11+s22+$0xFFFFFF3C ss:$0x1], $0xffff;
	[tilespmem:$0x1FEB0] =	vst v21  }
0x9e: {  	v20 =	vmul.f32 v56, v21;
	v42 =	vsub.f32 v42, v40;
	v38 =	vperm.xlane v38, v28;
	[tilespmem:$0x1FEC0] =	vst v11  }
0x9f: {  	v62 =	vperm.xlane v43, v60;
	v0 =	vsel vm0, v37, v0;
	v56 =	vld.idx.msk [tilespmem:v11+s22+$0xFFFFFF4A ss:$0x1], $0xffff;
	[tilespmem:$0x1FED0] =	vst v22  }
0xa0: {  	v37 =	vmul.f32 v63, v22;
	v39 =	vsel vm0, v39, v38;
	v38 =	vld.idx.msk [tilespmem:v12+s22+$0xFFFFFF3C ss:$0x1], $0xffff;
	[tilespmem:$0x1FEE0] =	vst v12  }
0xa1: {  	v41 =	vmax.f32 v43, v62;
	v43 =	vadd.f32 v20, v1;
	v1 =	vld.idx.msk [tilespmem:v12+s22+$0xFFFFFF4A ss:$0x1], $0xffff;
	[tilespmem:$0x1FEF0] =	vst v26  }
0xa2: {  	v42 =	vmul.f32 v42, v26;
	v37 =	vadd.f32 v37, v57;
	v57 =	vld.idx.msk [tilespmem:v4+s22+$0xFFFFFF3C ss:$0x1], $0xffff;
	[tilespmem:$0x1FF00] =	vst v27  }
0xa3: {  	v47 =	vsub.f32 v47, v44;
	[tilespmem:$0x1FF10] =	vst v4  }
0xa4: {  	v53 =	vsub.f32 v53, v51;
	v61 =	vadd.f32 v42, v40;
	v40 =	vld.idx.msk [tilespmem:v4+s22+$0xFFFFFF4A ss:$0x1], $0xffff;
	[tilespmem:$0x1FF20] =	vst v31  }
0xa5: {  	v25 =	vperm.xlane v2, v60;
	v49 =	vsub.f32 v49, v48;
	[tilespmem:$0x1FF30] =	vst v34  }
0xa6: {  	v47 =	vmul.f32 v47, v27;
	v22 =	vmul.f32 v53, v34;
	v53 =	vld.idx.msk [tilespmem:v5+s22+$0xFFFFFF3C ss:$0x1], $0xffff;
	[tilespmem:$0x1FF40] =	vst v3  }
0xa7: {  	v2 =	vmax.f32 v2, v25;
	v46 =	vsub.f32 v46, v36;
	[tilespmem:$0x1FF50] =	vst v19  }
0xa8: {  	v21 =	vmul.f32 v49, v31;
	v62 =	vperm.xlane v2, v28;
	v47 =	vadd.f32 v47, v44;
	[tilespmem:$0x1FF60] =	vst v5  }
0xa9: {  	v63 =	vperm.xlane v35, v60;
	v46 =	vmul.f32 v46, v19;
	v26 =	vld.idx.msk [tilespmem:v5+s22+$0xFFFFFF4A ss:$0x1], $0xffff;
	[tilespmem:$0x1FF70] =	vst v23  }
0xaa: {  	v48 =	vadd.f32 v21, v48;
	v49 =	vadd.f32 v22, v51;
	v51 =	vsel vm0, v41, v62;
	[tilespmem:$0x1FF80] =	vst v24  }
0xab: {  	v20 =	vmax.f32 v35, v63;
	v35 =	vperm.xlane v43, v15;
	v62 =	vperm.xlane v47, v17;
	[tilespmem:$0x1FF90] =	vst v29  }
0xac: {  	v2 =	vadd.f32 v46, v36;
	v63 =	vperm.xlane v48, v17;
	v55 =	vsub.f32 v55, v59;
	[tilespmem:$0x1FFA0] =	vst v30  }
0xad: {  	v4 =	vsub.f32 v54, v52;
	v36 =	vperm.xlane v37, v15;
	v34 =	vperm.xlane v37, v17;
	[tilespmem:$0x1FFB0] =	vst v32  }
0xae: {  	s23 =	simm.s32 $0x40;
	v21 =	vsub.f32 v56, v58;
	v25 =	vmul.f32 v55, v3;
	v5 =	vsub.f32 v45, v50;
	[tilespmem:$0x1FFC0] =	vst v33;
	s22 =	simm.s32 $0x6620  }
0xaf: {  	s29 =	sor.u32 $0x50, s23;
	v37 =	vperm.xlane v61, v15;
	v61 =	vperm.xlane v61, v17;
	v22 =	vsub.f32 v1, v38;
	[tilespmem:s22+$0x20] =	vst v0  }
0xb0: {  	s30 =	sor.u32 $0x60, s23;
	v55 =	vadd.f32 v25, v59;
	v44 =	vmul.f32 v5, v24;
	v24 =	vmul.f32 v21, v29;
	[tilespmem:s29+$0x6600] =	vst v39  }
0xb1: {  	v41 =	vmul.f32 v4, v23;
	v40 =	vsub.f32 v40, v57;
	[tilespmem:s30+$0x6600] =	vst v51;
	v51 =	vsub.f32 v34, v36  }
0xb2: {  	v25 =	vmul.f32 v22, v30;
	v42 =	vadd.f32 v44, v50;
	v45 =	vadd.f32 v24, v58  }
0xb3: {  	v0 =	vperm.xlane v55, v15;
	v54 =	vperm.xlane v55, v17;
	v23 =	vsub.f32 v26, v53  }
0xb4: {  	v26 =	vmul.f32 v40, v32;
	v44 =	vadd.f32 v25, v38;
	v38 =	vperm.xlane v47, v15  }
0xb5: {  	v40 =	vadd.f32 v41, v52;
	v32 =	vmul.f32 v23, v33;
	v33 =	vperm.xlane v43, v17  }
0xb6: {  	v46 =	vadd.f32 v26, v57;
	v43 =	vperm.xlane v48, v15;
	v52 =	vsub.f32 v62, v38  }
0xb7: {  	s31 =	sor.u32 $0x70, s23;
	v41 =	vperm.xlane v49, v15;
	v47 =	vadd.f32 v32, v53;
	v48 =	vsub.f32 v33, v35  }
0xb8: {  	s24 =	simm.s32 $0x0;
	s25 =	simm.s32 $0x488;
	[tilespmem:s31+$0x6600] =	vst v20;
	v53 =	vperm.xlane v49, v17;
	v49 =	vsub.f32 v61, v37;
	v50 =	vsub.f32 v63, v43  }
.LBB2_4:
0xb9: {  	v3 =	vld [tilespmem:$0x1FF10]  }
0xba: {  	v39 =	vld [tilespmem:$0x1FF60]  }
0xbb: {  	v21 =	vld [tilespmem:$0x1FEA0]  }
0xbc: {  	v12 =	vld [tilespmem:$0x1FE70]  }
0xbd: {  	v13 =	vld [tilespmem:$0x1FE80]  }
0xbe: {  	v14 =	vld [tilespmem:$0x1FE90]  }
0xbf: {  	v18 =	vld [tilespmem:$0x1FEC0];
	v53 =	vsub.f32 v53, v41  }
0xc0: {  	v6 =	vld [tilespmem:$0x1FE20]  }
0xc1: {  	v7 =	vld [tilespmem:$0x1FE30];
	v34 =	vmul.f32 v50, v8;
	v53 =	vmul.f32 v53, v8  }
0xc2: {  	v9 =	vld [tilespmem:$0x1FE40];
	v62 =	vperm.xlane v45, v15;
	v26 =	vperm.xlane v45, v17  }
0xc3: {  	v10 =	vld [tilespmem:$0x1FE50];
	v43 =	vadd.f32 v34, v43;
	v5 =	vadd.f32 v53, v41  }
0xc4: {  	v20 =	vsub.f32 v26, v62;
	v26 =	vld [tilespmem:$0x1FEE0]  }
0xc5: {  	v41 =	vmax.f32 v43, v5;
	v5 =	vld [tilespmem:$0x1FE10]  }
0xc6: {  	v4 =	vld.idx.msk [tilespmem:v3+s25+$0x0 ss:$0x1], $0xffff  }
0xc7: {  	v57 =	vld.idx.msk [tilespmem:v3+s25+$0xE ss:$0x1], $0xffff  }
0xc8: {  	v58 =	vperm.xlane v40, v15;
	v55 =	vperm.xlane v40, v17;
	v40 =	vld.idx.msk [tilespmem:v39+s25+$0x0 ss:$0x1], $0xffff  }
0xc9: {  	v56 =	vperm.xlane v2, v15;
	v2 =	vperm.xlane v2, v17;
	v61 =	vld.idx.msk [tilespmem:v39+s25+$0xE ss:$0x1], $0xffff  }
0xca: {  	v59 =	vperm.xlane v42, v15;
	v25 =	vperm.xlane v42, v17;
	v42 =	vld.idx.msk [tilespmem:v21+s25+$0xFFFFFFF2 ss:$0x1], $0xffff  }
0xcb: {  	v1 =	vmov v60;
	v63 =	vperm.xlane v44, v15;
	v32 =	vperm.xlane v44, v17;
	v19 =	vld.idx.msk [tilespmem:v21+s25+$0x0 ss:$0x1], $0xffff  }
0xcc: {  	v54 =	vsub.f32 v54, v0;
	v22 =	vperm.xlane v46, v15;
	v33 =	vperm.xlane v46, v17;
	v45 =	vld.idx.msk [tilespmem:v12+s25+$0xFFFFFFF2 ss:$0x1], $0xffff  }
0xcd: {  	v23 =	vperm.xlane v47, v15;
	v24 =	vperm.xlane v47, v17;
	v60 =	vsub.f32 v25, v59;
	v25 =	vld.idx.msk [tilespmem:v12+s25+$0x0 ss:$0x1], $0xffff  }
0xce: {  	v48 =	vmul.f32 v48, v8;
	v51 =	vmul.f32 v51, v8;
	v2 =	vsub.f32 v2, v56;
	v47 =	vld.idx.msk [tilespmem:v13+s25+$0xFFFFFFF2 ss:$0x1], $0xffff  }
0xcf: {  	v49 =	vmul.f32 v49, v8;
	v55 =	vsub.f32 v55, v58;
	v44 =	vsub.f32 v32, v63;
	v27 =	vld.idx.msk [tilespmem:v13+s25+$0x0 ss:$0x1], $0xffff  }
0xd0: {  	v52 =	vmul.f32 v52, v8;
	v46 =	vsub.f32 v33, v22;
	v24 =	vsub.f32 v24, v23;
	v50 =	vld.idx.msk [tilespmem:v14+s25+$0xFFFFFFF2 ss:$0x1], $0xffff  }
0xd1: {  	v35 =	vadd.f32 v48, v35;
	v54 =	vmul.f32 v54, v8;
	v37 =	vadd.f32 v49, v37;
	v49 =	vld.idx.msk [tilespmem:v14+s25+$0x0 ss:$0x1], $0xffff  }
0xd2: {  	v38 =	vadd.f32 v52, v38;
	v2 =	vmul.f32 v2, v8;
	v48 =	vmul.f32 v55, v8;
	v52 =	vld.idx.msk [tilespmem:v18+s25+$0x0 ss:$0x1], $0xffff  }
0xd3: {  	v36 =	vadd.f32 v51, v36;
	v51 =	vmul.f32 v60, v8;
	v24 =	vmul.f32 v24, v8;
	v53 =	vld.idx.msk [tilespmem:v18+s25+$0xE ss:$0x1], $0xffff  }
0xd4: {  	v20 =	vmul.f32 v20, v8;
	v32 =	vmul.f32 v46, v8;
	v48 =	vadd.f32 v48, v58;
	v58 =	vld.idx.msk [tilespmem:v6+s25+$0xFFFFFFF2 ss:$0x1], $0xffff  }
0xd5: {  	v35 =	vmax.f32 v35, v36;
	v60 =	vmul.f32 v44, v8;
	v23 =	vadd.f32 v24, v23;
	v24 =	vld.idx.msk [tilespmem:v6+s25+$0x0 ss:$0x1], $0xffff  }
0xd6: {  	v37 =	vmax.f32 v37, v38;
	v20 =	vadd.f32 v20, v62;
	v22 =	vadd.f32 v32, v22;
	v62 =	vld.idx.msk [tilespmem:v7+s25+$0xFFFFFFF2 ss:$0x1], $0xffff  }
0xd7: {  	v2 =	vadd.f32 v2, v56;
	v51 =	vadd.f32 v51, v59;
	v56 =	vperm.xlane v37, v1;
	v46 =	vld.idx.msk [tilespmem:v7+s25+$0x0 ss:$0x1], $0xffff  }
0xd8: {  	v33 =	vadd.f32 v54, v0;
	v36 =	vadd.f32 v60, v63;
	v43 =	vmax.f32 v22, v23;
	v22 =	vld.idx.msk [tilespmem:v9+s25+$0x0 ss:$0x1], $0xffff  }
0xd9: {  	v59 =	vperm.xlane v41, v1;
	v38 =	vmax.f32 v48, v51;
	v56 =	vmax.f32 v37, v56;
	v51 =	vld.idx.msk [tilespmem:v9+s25+$0xE ss:$0x1], $0xffff  }
0xda: {  	v20 =	vmax.f32 v20, v36;
	v36 =	vperm.xlane v56, v28;
	v56 =	vld [tilespmem:$0x1FFC0]  }
0xdb: {  	v2 =	vmax.f32 v33, v2;
	v60 =	vmax.f32 v41, v59;
	v59 =	vld.idx.msk [tilespmem:v6+s25+$0xFFFFFF2E ss:$0x1], $0xffff  }
0xdc: {  	v63 =	vperm.xlane v2, v1;
	v55 =	vld.idx.msk [tilespmem:v26+s25+$0x0 ss:$0x1], $0xffff  }
0xdd: {  	v11 =	vperm.xlane v43, v1;
	v44 =	vld.idx.msk [tilespmem:v26+s25+$0xE ss:$0x1], $0xffff  }
0xde: {  	v34 =	vperm.xlane v35, v1;
	v48 =	vperm.xlane v38, v1;
	v2 =	vmax.f32 v2, v63;
	v63 =	vld.idx.msk [tilespmem:v10+s25+$0x0 ss:$0x1], $0xffff  }
0xdf: {  	[tilespmem:$0x1FD90] =	vst v11;
	v11 =	vld [tilespmem:$0x1FE60]  }
0xe0: {  	v35 =	vmax.f32 v35, v34;
	v38 =	vmax.f32 v38, v48;
	v48 =	vld [tilespmem:$0x1FFB0]  }
0xe1: {  	v35 =	vperm.xlane v35, v28;
	v32 =	vsub.f32 v57, v4;
	v57 =	vld.idx.msk [tilespmem:v10+s25+$0xE ss:$0x1], $0xffff  }
0xe2: {  	v37 =	vperm.xlane v60, v28;
	v28 =	vsub.f32 v61, v40;
	v61 =	vld [tilespmem:$0x1FF50]  }
0xe3: {  	v2 =	vsel vm0, v2, v35;
	v35 =	vld.idx.msk [tilespmem:v7+s25+$0xFFFFFF2E ss:$0x1], $0xffff  }
0xe4: {  	v16 =	vsel vm0, v38, v36;
	v36 =	vld [tilespmem:$0x1FF90]  }
0xe5: {  	v60 =	vsub.f32 v46, v62;
	v46 =	vld.idx.msk [tilespmem:v10+s25+$0xFFFFFF3C ss:$0x1], $0xffff  }
0xe6: {  	[tilespmem:$0x1FD60] =	vst v2;
	v2 =	vsub.f32 v49, v50;
	v49 =	vld.idx.msk [tilespmem:v18+s25+$0xFFFFFF4A ss:$0x1], $0xffff  }
0xe7: {  	v0 =	vld.idx.msk [tilespmem:v5+s25+$0xFFFFFFF2 ss:$0x1], $0xffff  }
0xe8: {  	v54 =	vld.idx.msk [tilespmem:v5+s25+$0x0 ss:$0x1], $0xffff  }
0xe9: {  	[tilespmem:$0x1FD70] =	vst v16;
	v16 =	vld.idx.msk [tilespmem:v5+s25+$0xFFFFFF2E ss:$0x1], $0xffff  }
0xea: {  	v5 =	vld.idx.msk [tilespmem:v5+s25+$0xFFFFFF3C ss:$0x1], $0xffff  }
0xeb: {  	v23 =	vperm.xlane v20, v1;
	v33 =	vsub.f32 v25, v45;
	[tilespmem:$0x1FDC0] =	vst v59;
	v59 =	vld [tilespmem:$0x1FF40]  }
0xec: {  	v41 =	vsub.f32 v53, v52;
	v28 =	vmul.f32 v28, v56;
	v56 =	vld.idx.msk [tilespmem:v12+s25+$0xFFFFFF3C ss:$0x1], $0xffff  }
0xed: {  	v20 =	vmax.f32 v20, v23;
	v23 =	vmul.f32 v33, v61;
	v33 =	vld [tilespmem:$0x1FF70]  }
0xee: {  	v29 =	vmul.f32 v41, v36;
	v41 =	vsub.f32 v57, v63;
	v57 =	vld.idx.msk [tilespmem:v7+s25+$0xFFFFFF3C ss:$0x1], $0xffff  }
0xef: {  	[tilespmem:$0x1FDE0] =	vst v35;
	v35 =	vld [tilespmem:$0x1FEB0]  }
0xf0: {  	v36 =	vld [tilespmem:$0x1FF20]  }
0xf1: {  	v34 =	vsub.f32 v27, v47;
	v27 =	vld.idx.msk [tilespmem:v11+s25+$0x0 ss:$0x1], $0xffff  }
0xf2: {  	v53 =	vld.idx.msk [tilespmem:v11+s25+$0xE ss:$0x1], $0xffff;
	[tilespmem:$0x1FDA0] =	vst v16  }
0xf3: {  	v16 =	vsel vm0, v20, v37;
	v20 =	vsub.f32 v24, v58;
	v24 =	vmul.f32 v32, v48;
	v32 =	vld.idx.msk [tilespmem:v6+s25+$0xFFFFFF3C ss:$0x1], $0xffff  }
0xf4: {  	v37 =	vld [tilespmem:$0x1FFA0]  }
0xf5: {  	v48 =	vld.idx.msk [tilespmem:v9+s25+$0xFFFFFF3C ss:$0x1], $0xffff  }
0xf6: {  	v19 =	vsub.f32 v19, v42;
	v28 =	vadd.f32 v28, v40;
	v40 =	vld.idx.msk [tilespmem:v11+s25+$0xFFFFFF3C ss:$0x1], $0xffff  }
0xf7: {  	v38 =	vsub.f32 v54, v0;
	v54 =	vld.idx.msk [tilespmem:v21+s25+$0xFFFFFF3C ss:$0x1], $0xffff  }
0xf8: {  	v19 =	vmul.f32 v19, v59;
	v23 =	vadd.f32 v23, v45;
	v45 =	vld.idx.msk [tilespmem:v13+s25+$0xFFFFFF2E ss:$0x1], $0xffff  }
0xf9: {  	v29 =	vadd.f32 v29, v52;
	v52 =	vld.idx.msk [tilespmem:v26+s25+$0xFFFFFF3C ss:$0x1], $0xffff  }
0xfa: {  	v19 =	vadd.f32 v19, v42;
	v42 =	vld.idx.msk [tilespmem:v12+s25+$0xFFFFFF2E ss:$0x1], $0xffff  }
0xfb: {  	[tilespmem:$0x1FDB0] =	vst v5;
	v5 =	vperm.xlane v28, v15;
	v25 =	vmul.f32 v34, v33;
	v34 =	vld [tilespmem:$0x1FF80]  }
0xfc: {  	v44 =	vsub.f32 v44, v55;
	v7 =	vperm.xlane v23, v15;
	[tilespmem:$0x1FDF0] =	vst v57;
	v57 =	vmul.f32 v38, v35;
	v38 =	vld [tilespmem:$0x1FF00]  }
0xfd: {  	v23 =	vperm.xlane v23, v17;
	v33 =	vmul.f32 v41, v36;
	v41 =	vld [tilespmem:$0x1FF30]  }
0xfe: {  	v51 =	vsub.f32 v51, v22;
	v28 =	vperm.xlane v28, v17;
	v30 =	vmul.f32 v44, v37;
	v44 =	vld [tilespmem:$0x1FED0]  }
0xff: {  	[tilespmem:$0x1FD80] =	vst v16;
	v24 =	vadd.f32 v24, v4;
	v6 =	vperm.xlane v19, v15;
	v23 =	vsub.f32 v23, v7;
	v37 =	vld [tilespmem:$0x1FEF0]  }
0x100: {  	v19 =	vperm.xlane v19, v17;
	v53 =	vsub.f32 v53, v27;
	v25 =	vadd.f32 v25, v47;
	v47 =	vld.idx.msk [tilespmem:v14+s25+$0xFFFFFF2E ss:$0x1], $0xffff  }
0x101: {  	v0 =	vadd.f32 v57, v0;
	v33 =	vadd.f32 v33, v63;
	v63 =	vld.idx.msk [tilespmem:v21+s25+$0xFFFFFF2E ss:$0x1], $0xffff;
	v2 =	vmul.f32 v2, v34  }
0x102: {  	[tilespmem:$0x1FDD0] =	vst v32;
	v23 =	vmul.f32 v23, v8;
	v32 =	vmul.f32 v51, v38;
	v51 =	vld.idx.msk [tilespmem:v10+s25+$0xFFFFFF4A ss:$0x1], $0xffff  }
0x103: {  	v57 =	vperm.xlane v0, v17;
	v34 =	vmul.f32 v53, v41;
	v53 =	vld.idx.msk [tilespmem:v11+s25+$0xFFFFFF4A ss:$0x1], $0xffff;
	v2 =	vadd.f32 v2, v50  }
0x104: {  	v28 =	vsub.f32 v28, v5;
	v20 =	vmul.f32 v20, v44;
	v31 =	vmul.f32 v60, v37;
	v60 =	vld.idx.msk [tilespmem:v9+s25+$0xFFFFFF4A ss:$0x1], $0xffff  }
0x105: {  	v50 =	vld.idx.msk [tilespmem:v18+s25+$0xFFFFFF3C ss:$0x1], $0xffff;
	v10 =	vperm.xlane v2, v15;
	v11 =	vperm.xlane v2, v17;
	v2 =	vadd.f32 v30, v55  }
0x106: {  	v20 =	vadd.f32 v20, v58;
	v58 =	vld.idx.msk [tilespmem:v13+s25+$0xFFFFFF3C ss:$0x1], $0xffff;
	v13 =	vperm.xlane v0, v15;
	v0 =	vadd.f32 v31, v62  }
0x107: {  	v19 =	vsub.f32 v19, v6;
	v62 =	vld.idx.msk [tilespmem:v14+s25+$0xFFFFFF3C ss:$0x1], $0xffff;
	v12 =	vperm.xlane v2, v15;
	v55 =	vperm.xlane v2, v17  }
0x108: {  	v2 =	vadd.f32 v32, v22;
	v22 =	vperm.xlane v0, v15;
	v32 =	vperm.xlane v0, v17;
	v0 =	vld.idx.msk [tilespmem:v39+s25+$0xFFFFFF4A ss:$0x1], $0xffff  }
0x109: {  	v9 =	vperm.xlane v25, v15;
	v25 =	vperm.xlane v25, v17;
	[tilespmem:$0x1FE00] =	vst v60;
	v60 =	vmov v1;
	v1 =	vld [tilespmem:$0x1FD60]  }
0x10a: {  	v7 =	vadd.f32 v23, v7;
	v14 =	vperm.xlane v2, v15;
	v16 =	vperm.xlane v2, v17;
	v2 =	vld.idx.msk [tilespmem:v26+s25+$0xFFFFFF4A ss:$0x1], $0xffff  }
0x10b: {  	v19 =	vmul.f32 v19, v8;
	v27 =	vadd.f32 v34, v27;
	v21 =	vsub.f32 v55, v12;
	v55 =	vld.idx.msk [tilespmem:v3+s25+$0xFFFFFF3C ss:$0x1], $0xffff  }
0x10c: {  	v34 =	vperm.xlane v33, v15;
	v33 =	vperm.xlane v33, v17;
	v25 =	vsub.f32 v25, v9;
	v3 =	vld.idx.msk [tilespmem:v3+s25+$0xFFFFFF4A ss:$0x1], $0xffff  }
0x10d: {  	v31 =	vperm.xlane v20, v15;
	v20 =	vperm.xlane v20, v17;
	v26 =	vsub.f32 v57, v13;
	v57 =	vld.idx.msk [tilespmem:v39+s25+$0xFFFFFF3C ss:$0x1], $0xffff  }
0x10e: {  	v6 =	vadd.f32 v19, v6;
	v11 =	vsub.f32 v11, v10;
	[tilespmem:s22+$0xFFFFFFE0] =	vst v1;
	v1 =	vld [tilespmem:$0x1FD70]  }
0x10f: {  	v33 =	vsub.f32 v33, v34;
	v25 =	vmul.f32 v25, v8;
	v20 =	vsub.f32 v20, v31  }
0x110: {  	v32 =	vsub.f32 v32, v22;
	v11 =	vmul.f32 v11, v8;
	v16 =	vsub.f32 v16, v14  }
0x111: {  	v9 =	vadd.f32 v25, v9;
	v26 =	vmul.f32 v26, v8;
	v20 =	vmul.f32 v20, v8  }
0x112: {  	v19 =	vmul.f32 v32, v8;
	v10 =	vadd.f32 v11, v10;
	v11 =	vmul.f32 v16, v8  }
0x113: {  	v28 =	vmul.f32 v28, v8;
	v13 =	vadd.f32 v26, v13;
	v20 =	vadd.f32 v20, v31;
	[tilespmem:s22+$0xFFFFFFF0] =	vst v1;
	v1 =	vld [tilespmem:$0x1FD80]  }
0x114: {  	v4 =	vperm.xlane v24, v15;
	v19 =	vadd.f32 v19, v22;
	v11 =	vadd.f32 v11, v14  }
0x115: {  	v5 =	vadd.f32 v28, v5;
	v28 =	vld [tilespmem:$0x1FFF0];
	v25 =	vmul.f32 v33, v8;
	v33 =	vmax.f32 v6, v7  }
0x116: {  	v7 =	vmax.f32 v9, v10;
	v6 =	vmax.f32 v13, v20;
	v10 =	vmax.f32 v19, v11  }
0x117: {  	v9 =	vperm.xlane v6, v60;
	v13 =	vperm.xlane v10, v60  }
0x118: {  	v30 =	vperm.xlane v29, v15;
	v29 =	vperm.xlane v29, v17;
	[tilespmem:s22+$0x0] =	vst v1;
	v1 =	vld [tilespmem:$0x1FD90]  }
0x119: {  	v6 =	vmax.f32 v6, v9;
	v9 =	vperm.xlane v7, v60;
	v10 =	vmax.f32 v10, v13  }
0x11a: {  	v21 =	vmul.f32 v21, v8;
	v10 =	vperm.xlane v10, v28  }
0x11b: {  	v24 =	vperm.xlane v24, v17;
	v29 =	vsub.f32 v29, v30;
	v7 =	vmax.f32 v7, v9  }
0x11c: {  	v12 =	vadd.f32 v21, v12;
	v21 =	vadd.f32 v25, v34;
	v34 =	vsel vm0, v7, v10;
	v7 =	vld [tilespmem:$0x1FDB0]  }
0x11d: {  	v24 =	vsub.f32 v24, v4;
	v14 =	vmax.f32 v43, v1;
	v1 =	vld [tilespmem:$0x1FDA0]  }
0x11e: {  	v29 =	vmul.f32 v29, v8  }
0x11f: {  	v24 =	vmul.f32 v24, v8  }
0x120: {  	v16 =	vadd.f32 v29, v30  }
0x121: {  	v4 =	vadd.f32 v24, v4;
	v18 =	vperm.xlane v27, v15  }
0x122: {  	v11 =	vmax.f32 v16, v12;
	v12 =	vperm.xlane v33, v60;
	v7 =	vsub.f32 v7, v1  }
0x123: {  	v27 =	vperm.xlane v27, v17;
	v6 =	vperm.xlane v6, v28  }
0x124: {  	v4 =	vmax.f32 v4, v5;
	v5 =	vmax.f32 v33, v12;
	v43 =	vmul.f32 v7, v35  }
0x125: {  	v27 =	vsub.f32 v27, v18;
	v5 =	vsel vm0, v5, v6;
	[tilespmem:s22+$0x10] =	vst v14;
	s22 =	sadd.s32 $0x80, s22  }
0x126: {  	[tilespmem:s22+$0x20] =	vst v5;
	v5 =	vadd.f32 v43, v1;
	v1 =	vld [tilespmem:$0x1FF70]  }
0x127: {  	v32 =	vmul.f32 v27, v8;
	v13 =	vperm.xlane v11, v60;
	_ =	sdelay $0x1  }
0x128: {  	v18 =	vadd.f32 v32, v18;
	v9 =	vmax.f32 v11, v13;
	v13 =	vsub.f32 v58, v45;
	_ =	sdelay $0x1  }
0x129: {  	v14 =	vmax.f32 v21, v18;
	v13 =	vmul.f32 v13, v1;
	v1 =	vld [tilespmem:$0x1FF80]  }
0x12a: {  	v16 =	vperm.xlane v14, v60;
	_ =	sdelay $0x1  }
0x12b: {  	v12 =	vmax.f32 v14, v16;
	v14 =	vsub.f32 v62, v47  }
0x12c: {  	v10 =	vld [tilespmem:$0x1FDD0]  }
0x12d: {  	v11 =	vperm.xlane v4, v60;
	v14 =	vmul.f32 v14, v1;
	v1 =	vld [tilespmem:$0x1FF90]  }
0x12e: {  	v18 =	vld [tilespmem:$0x1FDC0]  }
0x12f: {  	v4 =	vmax.f32 v4, v11;
	v11 =	vsub.f32 v53, v40;
	v6 =	vperm.xlane v12, v28  }
0x130: {  	v19 =	vld [tilespmem:$0x1FDE0];
	v16 =	vsub.f32 v49, v50  }
0x131: {  	v11 =	vmul.f32 v11, v41;
	v39 =	vsel vm0, v9, v6;
	v6 =	vld [tilespmem:$0x1FDF0]  }
0x132: {  	v54 =	vsub.f32 v54, v63;
	v16 =	vmul.f32 v16, v1;
	v1 =	vld [tilespmem:$0x1FFA0]  }
0x133: {  	v11 =	vadd.f32 v11, v40;
	v10 =	vsub.f32 v10, v18  }
0x134: {  	s23 =	sadd.s32 $0x80, s23;
	v2 =	vsub.f32 v2, v52;
	v12 =	vsub.f32 v56, v42;
	v9 =	vld [tilespmem:$0x1FE00]  }
0x135: {  	s0 =	sor.u32 $0x50, s23;
	v3 =	vsub.f32 v3, v55;
	v41 =	vperm.xlane v11, v15;
	v10 =	vmul.f32 v10, v44  }
0x136: {  	s30 =	sor.u32 $0x60, s23;
	v53 =	vperm.xlane v11, v17;
	[tilespmem:s0+$0x6600] =	vst v34;
	v7 =	vsub.f32 v51, v46;
	v12 =	vmul.f32 v12, v61  }
0x137: {  	s31 =	sor.u32 $0x70, s23;
	[tilespmem:s30+$0x6600] =	vst v39;
	v10 =	vadd.f32 v10, v18;
	v6 =	vsub.f32 v6, v19;
	v18 =	vmul.f32 v2, v1;
	v1 =	vld [tilespmem:$0x1FFB0]  }
0x138: {  	v0 =	vsub.f32 v0, v57;
	[tilespmem:s31+$0x6600] =	vst v4;
	v7 =	vmul.f32 v7, v36;
	v4 =	vmul.f32 v54, v59  }
0x139: {  	v35 =	vperm.xlane v5, v15;
	v9 =	vsub.f32 v9, v48;
	v6 =	vmul.f32 v6, v37  }
0x13a: {  	v7 =	vadd.f32 v7, v46;
	v5 =	vperm.xlane v5, v17;
	v36 =	vperm.xlane v10, v15  }
0x13b: {  	v10 =	vperm.xlane v10, v17;
	v9 =	vmul.f32 v9, v38;
	v6 =	vadd.f32 v6, v19  }
0x13c: {  	v4 =	vadd.f32 v4, v63;
	v43 =	vperm.xlane v7, v15;
	v3 =	vmul.f32 v3, v1;
	v1 =	vld [tilespmem:$0x1FFC0]  }
0x13d: {  	s24 =	sadd.s32 $0x2, s24;
	v9 =	vadd.f32 v9, v48;
	v37 =	vperm.xlane v6, v15;
	v6 =	vperm.xlane v6, v17  }
0x13e: {  	p3 =	slt.u32 s24, $0x3E;
	v7 =	vperm.xlane v7, v17;
	v51 =	vsub.f32 v10, v36;
	v40 =	vadd.f32 v13, v45  }
.Ltmp5:
0x13f: {  	v48 =	vsub.f32 v5, v35;
	v38 =	vperm.xlane v9, v15;
	v49 =	vsub.f32 v6, v37;
	(pc) =	sbr.rel @p3 .LBB2_4-.Ltmp5, $4  }
0x140: {  	v9 =	vperm.xlane v9, v17;
	v45 =	vadd.f32 v16, v50;
	v50 =	vsub.f32 v7, v43  }
0x141: {  	v2 =	vadd.f32 v12, v42;
	v42 =	vadd.f32 v14, v47;
	v0 =	vmul.f32 v0, v1  }
0x142: {  	v54 =	vperm.xlane v4, v17;
	v44 =	vadd.f32 v18, v52;
	v52 =	vsub.f32 v9, v38  }
0x143: {  	s25 =	sadd.s32 $0x188, s25;
	v46 =	vadd.f32 v3, v55;
	v47 =	vadd.f32 v0, v57;
	v0 =	vperm.xlane v4, v15  }
0x144: {  	v3 =	vperm.xlane v2, v15  }
0x145: {  	v39 =	vperm.xlane v2, v17;
	v5 =	vperm.xlane v40, v15  }
0x146: {  	v7 =	vperm.xlane v40, v17;
	v9 =	vperm.xlane v42, v15  }
0x147: {  	v10 =	vperm.xlane v42, v17;
	v11 =	vperm.xlane v45, v15  }
0x148: {  	v12 =	vperm.xlane v45, v17;
	v13 =	vperm.xlane v44, v15  }
0x149: {  	v14 =	vperm.xlane v44, v17;
	v19 =	vmul.f32 v48, v8  }
0x14a: {  	v20 =	vmul.f32 v51, v8;
	v21 =	vmul.f32 v49, v8  }
0x14b: {  	v4 =	vsub.f32 v53, v41;
	v22 =	vmul.f32 v52, v8;
	v23 =	vmul.f32 v50, v8  }
0x14c: {  	v6 =	vsub.f32 v54, v0;
	v16 =	vperm.xlane v46, v15;
	v2 =	vsub.f32 v39, v3  }
0x14d: {  	v18 =	vperm.xlane v46, v17;
	v7 =	vsub.f32 v7, v5;
	v10 =	vsub.f32 v10, v9  }
0x14e: {  	v40 =	vperm.xlane v47, v15;
	v12 =	vsub.f32 v12, v11;
	v14 =	vsub.f32 v14, v13  }
0x14f: {  	v42 =	vperm.xlane v47, v17;
	v19 =	vadd.f32 v19, v35;
	v20 =	vadd.f32 v20, v36  }
0x150: {  	v4 =	vmul.f32 v4, v8;
	v21 =	vadd.f32 v21, v37;
	v22 =	vadd.f32 v22, v38  }
0x151: {  	v23 =	vadd.f32 v23, v43;
	v18 =	vsub.f32 v18, v16;
	v6 =	vmul.f32 v6, v8  }
0x152: {  	v17 =	vsub.f32 v42, v40;
	v2 =	vmul.f32 v2, v8;
	v7 =	vmul.f32 v7, v8  }
0x153: {  	v10 =	vmul.f32 v10, v8;
	v4 =	vadd.f32 v4, v41;
	v19 =	vmax.f32 v19, v20  }
0x154: {  	v12 =	vmul.f32 v12, v8;
	v14 =	vmul.f32 v14, v8;
	v44 =	vmax.f32 v21, v22  }
0x155: {  	v18 =	vmul.f32 v18, v8;
	v45 =	vmul.f32 v17, v8;
	v46 =	vadd.f32 v6, v0  }
0x156: {  	v48 =	vperm.xlane v19, v60;
	v50 =	vperm.xlane v44, v60;
	v2 =	vadd.f32 v2, v3  }
0x157: {  	v47 =	vmax.f32 v23, v4;
	v5 =	vadd.f32 v7, v5;
	v49 =	vadd.f32 v10, v9  }
0x158: {  	v51 =	vadd.f32 v12, v11;
	v52 =	vadd.f32 v14, v13;
	v53 =	vperm.xlane v47, v60  }
0x159: {  	v54 =	vadd.f32 v18, v16;
	v8 =	vadd.f32 v45, v40;
	v4 =	vmax.f32 v19, v48  }
0x15a: {  	v57 =	vmax.f32 v44, v50;
	v0 =	vmax.f32 v46, v2;
	v55 =	vmax.f32 v5, v49  }
0x15b: {  	v56 =	vmax.f32 v51, v52;
	v4 =	vperm.xlane v4, v28;
	v58 =	vperm.xlane v0, v60  }
0x15c: {  	v6 =	vperm.xlane v57, v28;
	v3 =	vmax.f32 v47, v53;
	v59 =	vperm.xlane v55, v60  }
0x15d: {  	v8 =	vmax.f32 v54, v8;
	v10 =	vperm.xlane v56, v60;
	v0 =	vmax.f32 v0, v58  }
0x15e: {  	v3 =	vperm.xlane v3, v28;
	v2 =	vmax.f32 v55, v59;
	v0 =	vsel vm0, v0, v4  }
0x15f: {  	v61 =	vperm.xlane v8, v60;
	v5 =	vmax.f32 v56, v10;
	v2 =	vsel vm0, v2, v6;
	[tilespmem:s22+$0xFFFFFFE0] =	vst v0  }
0x160: {  	v62 =	vsel vm0, v5, v3;
	[tilespmem:s22+$0xFFFFFFF0] =	vst v2  }
0x161: {  	s0 =	sshll.u32 s21, $0x9;
	v63 =	vmax.f32 v8, v61;
	[tilespmem:s22+$0x0] =	vst v62  }
0x162: {  	s0 =	sadd.s32 s5, s0;
	[tilespmem:s22+$0x10] =	vst v63  }
0x163: {  	[hbm4b:s0+s2] =	stream.linear.scatter [tilespmem:s13], [sflag:$0x3], $0x1000, $0x38;
	[tilespmem:$0x8600] =	vst v63  }
.LBB2_6:
0x164: {  	p3 =	seq.s32 s17, $0x4E  }
0x165: {  	s0 =	sadd.s32 @!p3 s20, s8  }
0x166: {  	p4 =	sgt.u32 @!p3 s0, $0x1387  }
0x167: {  	p3 =	por p4, p3  }
0x168: {  	s0 =	smul.u32 @!p3 $0x620, s0;
	_ =	sdelay $0x1  }
0x169: {  	s1 =	simm.s32 @!p3 $0x0;
	s20 =	simm.s32 @!p3 $0x300;
	s0 =	sadd.s32 @!p3 s4, s0  }
0x16a: {  	[tilespmem:s20], [sflag:$0x1] =	stream.linear.gather @!p3 [hbm4b:s0+s1], $0x3100, $0x38;
	[tilespmem:$0x8600] =	vst v63  }
.Ltmp6:
0x16b: {  	_ = 	snop;
	(pc) =	sbr.rel @p1 .LBB2_10-.Ltmp6, $4  }
0x16c: {  	s0 =	simm.s32 @p2 $0x4  }
0x16d: {  	_ =	swait.ge @p2 [sflag:s0], $0x1000  }
0x16e: {  	[sflag:s0] =	ssyncset.done @p2 $0x0  }
0x16f: {  	[sflag:s0] =	ssyncadd.s32 @p2 $0xFFFFF000  }
0x170: {  	_ =	swait.ge [sflag:s14], $0x3100  }
0x171: {  	s0 =	sshll.u32 s19, $0x2;
	[sflag:s14] =	ssyncset.done $0x0  }
0x172: {  	s0 =	sand.u32 $0x3FFFFFFC, s0;
	[sflag:s14] =	ssyncadd.s32 $0xFFFFCF00  }
0x173: {  	v0 =	vld [tilespmem:s0+$0x0];
	_ =	sdelay $0x4  }
0x174: {  	(v2sf) =	vpush v0, $0x0  }
0x175: {  	(v2sf) =	vpush v0, $0x1  }
0x176: {  	(v2sf) =	vpush v0, $0x2  }
0x177: {  	(v2sf) =	vpush v0, $0x3;
	_ =	sdelay $0xb  }
0x178: {  	s0 =	spop (v2sf)  }
0x179: {  	v6 =	vld [tilespmem:$0x1FFD0];
	s1 =	spop (v2sf)  }
0x17a: {  	s20 =	spop (v2sf)  }
0x17b: {  	s29 =	spop (v2sf)  }
0x17c: {  	s1 =	ssub.f32 s29, s1;
	_ =	sdelay $0x1  }
0x17d: {  	v3 =	vbroadcast v0, $0x1;
	v2 =	vmul.f32 s1, v6;
	_ =	sdelay $0x1  }
0x17e: {  	v2 =	vadd.f32 v2, v3;
	_ =	sdelay $0x1  }
0x17f: {  	v3 =	vtrunc.f32 v2  }
0x180: {  	v3 =	vcvt.f32.s32 v3;
	_ =	sdelay $0x1  }
0x181: {  	v4 =	vmul.u32 $0x38, v3;
	_ =	sdelay $0x1  }
0x182: {  	v5 =	vadd.s32 $0x348, v4  }
0x183: {  	(v2sf) =	vpush v5, $0x0  }
0x184: {  	(v2sf) =	vpush v5, $0x1  }
0x185: {  	(v2sf) =	vpush v5, $0x2  }
0x186: {  	(v2sf) =	vpush v5, $0x3  }
0x187: {  	(v2sf) =	vpush v5, $0x4  }
0x188: {  	(v2sf) =	vpush v5, $0x5  }
0x189: {  	v7 =	vadd.s32 $0x310, v4;
	(v2sf) =	vpush v5, $0x6  }
0x18a: {  	(v2sf) =	vpush v7, $0xD;
	_ =	sdelay $0x7  }
0x18b: {  	s30 =	spop (v2sf)  }
0x18c: {  	s21 =	spop (v2sf)  }
0x18d: {  	(v2sf) =	vpush v7, $0xC;
	s22 =	spop (v2sf)  }
0x18e: {  	s0 =	ssub.f32 s20, s0;
	(v2sf) =	vpush v7, $0xB;
	s23 =	spop (v2sf)  }
0x18f: {  	v0 =	vbroadcast v0, $0x0;
	(v2sf) =	vpush v7, $0xA;
	s1 =	sshra.s32 s30, $0x2;
	s24 =	spop (v2sf)  }
0x190: {  	v8 =	vmul.f32 s0, v6;
	(v2sf) =	vpush v7, $0x9;
	v10 =	vmov s1;
	s25 =	spop (v2sf)  }
0x191: {  	s29 =	sshra.s32 s21, $0x2;
	(v2sf) =	vpush v7, $0x8;
	s26 =	spop (v2sf)  }
0x192: {  	v0 =	vadd.f32 v8, v0;
	(v2sf) =	vpush v7, $0x7;
	v7 =	vmov s29;
	s31 =	spop (v2sf)  }
0x193: {  	s20 =	sshra.s32 s22, $0x2;
	s19 =	sshra.s32 s31, $0x2  }
0x194: {  	v61 =	vld [tilespmem:$0x1FFE0];
	v8 =	vtrunc.f32 v0;
	v1 =	vmov s20;
	v9 =	vmov s19;
	s19 =	simm.s32 $0x3480  }
0x195: {  	v8 =	vcvt.f32.s32 v8;
	s21 =	sshra.s32 s23, $0x2;
	v37 =	vld.idx.msk [tilespmem:v10+s19+$0xFFFFFFF2 ss:$0x1], $0xffff  }
0x196: {  	v14 =	vmov s21;
	v33 =	vld.idx.msk [tilespmem:v10+s19+$0x0 ss:$0x1], $0xffff  }
0x197: {  	v15 =	vcvt.s32.f32 v8;
	s30 =	sshra.s32 s24, $0x2;
	v38 =	vld.idx.msk [tilespmem:v7+s19+$0xFFFFFFF2 ss:$0x1], $0xffff  }
0x198: {  	v3 =	vcvt.s32.f32 v3;
	v11 =	vmov s30;
	v34 =	vld.idx.msk [tilespmem:v7+s19+$0x0 ss:$0x1], $0xffff  }
0x199: {  	v0 =	vsub.f32 v0, v15;
	s25 =	sshra.s32 s25, $0x2;
	v47 =	vld.idx.msk [tilespmem:v1+s19+$0xFFFFFFF2 ss:$0x1], $0xffff  }
0x19a: {  	v2 =	vsub.f32 v2, v3;
	v12 =	vmov s25;
	v3 =	vld.idx.msk [tilespmem:v1+s19+$0x0 ss:$0x1], $0xffff  }
0x19b: {  	v15 =	vperm.xlane v8, v61;
	v8 =	vperm.xlane v0, v61;
	s22 =	sshra.s32 s26, $0x2;
	v0 =	vld.idx.msk [tilespmem:v14+s19+$0xFFFFFFF2 ss:$0x1], $0xffff  }
0x19c: {  	v16 =	vmov s22;
	v48 =	vld.idx.msk [tilespmem:v14+s19+$0x0 ss:$0x1], $0xffff  }
0x19d: {  	v39 =	vld.idx.msk [tilespmem:v11+s19+$0xFFFFFFF2 ss:$0x1], $0xffff  }
0x19e: {  	v40 =	vld.idx.msk [tilespmem:v11+s19+$0x0 ss:$0x1], $0xffff  }
0x19f: {  	v4 =	vbroadcast v2, $0x0;
	v19 =	vbroadcast v2, $0x1;
	s28 =	spop (v2sf);
	v41 =	vld.idx.msk [tilespmem:v12+s19+$0xFFFFFFF2 ss:$0x1], $0xffff  }
0x1a0: {  	v17 =	vadd.s32 $0x1, v15;
	v21 =	vbroadcast v2, $0x2;
	v22 =	vbroadcast v2, $0x3;
	s28 =	sshra.s32 s28, $0x2;
	v42 =	vld.idx.msk [tilespmem:v12+s19+$0x0 ss:$0x1], $0xffff  }
0x1a1: {  	v23 =	vbroadcast v2, $0x4;
	v24 =	vbroadcast v2, $0x5;
	v5 =	vmov s28;
	v49 =	vld.idx.msk [tilespmem:v16+s19+$0xFFFFFFF2 ss:$0x1], $0xffff  }
0x1a2: {  	v15 =	vand.u32 $0xF, v15;
	v26 =	vbroadcast v2, $0x6;
	v27 =	vbroadcast v2, $0x7;
	v50 =	vld.idx.msk [tilespmem:v16+s19+$0x0 ss:$0x1], $0xffff  }
0x1a3: {  	v17 =	vand.u32 $0xF, v17;
	v29 =	vbroadcast v2, $0x8;
	v30 =	vbroadcast v2, $0x9;
	v36 =	vld.idx.msk [tilespmem:v9+s19+$0x0 ss:$0x1], $0xffff  }
0x1a4: {  	v32 =	vld.idx.msk [tilespmem:v9+s19+$0xE ss:$0x1], $0xffff;
	s1 =	spop (v2sf);
	v55 =	vsub.f32 v33, v37;
	v58 =	vsub.f32 v34, v38;
	v33 =	vbroadcast v2, $0xD  }
0x1a5: {  	v34 =	vbroadcast v2, $0xB;
	v3 =	vsub.f32 v3, v47;
	v48 =	vsub.f32 v48, v0;
	s28 =	sshra.s32 s1, $0x2  }
0x1a6: {  	v35 =	vld.idx.msk [tilespmem:v5+s19+$0x0 ss:$0x1], $0xffff;
	s24 =	spop (v2sf);
	v40 =	vsub.f32 v40, v39;
	v25 =	vmov s28;
	v55 =	vmul.f32 v55, v4  }
0x1a7: {  	v31 =	vld.idx.msk [tilespmem:v5+s19+$0xE ss:$0x1], $0xffff;
	s31 =	spop (v2sf);
	s26 =	sshra.s32 s24, $0x2;
	v42 =	vsub.f32 v42, v41;
	v58 =	vmul.f32 v58, v19;
	v3 =	vmul.f32 v3, v21  }
0x1a8: {  	v48 =	vmul.f32 v48, v22;
	s31 =	sshra.s32 s31, $0x2;
	v20 =	vmov s26;
	v50 =	vsub.f32 v50, v49  }
0x1a9: {  	v40 =	vmul.f32 v40, v23;
	v13 =	vmov s31;
	v56 =	vsub.f32 v32, v36  }
0x1aa: {  	v32 =	vbroadcast v2, $0xC;
	v37 =	vadd.f32 v55, v37;
	v38 =	vadd.f32 v58, v38  }
0x1ab: {  	v42 =	vmul.f32 v42, v24;
	v3 =	vadd.f32 v3, v47;
	v0 =	vadd.f32 v48, v0  }
0x1ac: {  	s29 =	spop (v2sf);
	v53 =	vsub.f32 v31, v35;
	v31 =	vbroadcast v2, $0xA;
	v50 =	vmul.f32 v50, v26  }
0x1ad: {  	s30 =	sshra.s32 s29, $0x2;
	s23 =	spop (v2sf);
	v39 =	vadd.f32 v40, v39;
	v56 =	vmul.f32 v56, v33;
	v40 =	vperm.xlane v38, v15  }
0x1ae: {  	v6 =	vmov s30;
	s25 =	sshra.s32 s23, $0x2;
	v38 =	vperm.xlane v38, v17;
	v48 =	vperm.xlane v3, v15  }
0x1af: {  	v18 =	vmov s25;
	v3 =	vperm.xlane v3, v17;
	v53 =	vmul.f32 v53, v32  }
0x1b0: {  	v41 =	vadd.f32 v42, v41;
	v59 =	vld.idx.msk [tilespmem:v25+s19+$0x0 ss:$0x1], $0xffff;
	v42 =	vperm.xlane v39, v15;
	v39 =	vperm.xlane v39, v17  }
0x1b1: {  	v2 =	vld.idx.msk [tilespmem:v25+s19+$0xE ss:$0x1], $0xffff;
	v49 =	vadd.f32 v50, v49;
	v50 =	vperm.xlane v0, v15;
	v36 =	vadd.f32 v56, v36  }
0x1b2: {  	v0 =	vperm.xlane v0, v17;
	v54 =	vld.idx.msk [tilespmem:v20+s19+$0x0 ss:$0x1], $0xffff;
	v38 =	vsub.f32 v38, v40;
	v3 =	vsub.f32 v3, v48  }
0x1b3: {  	v57 =	vld.idx.msk [tilespmem:v20+s19+$0xE ss:$0x1], $0xffff;
	v35 =	vadd.f32 v53, v35;
	v63 =	vperm.xlane v49, v15;
	v49 =	vperm.xlane v49, v17  }
0x1b4: {  	v45 =	vld.idx.msk [tilespmem:v13+s19+$0x0 ss:$0x1], $0xffff;
	v39 =	vsub.f32 v39, v42;
	v56 =	vperm.xlane v36, v15;
	v36 =	vperm.xlane v36, v17  }
0x1b5: {  	v46 =	vld.idx.msk [tilespmem:v13+s19+$0xE ss:$0x1], $0xffff;
	v0 =	vsub.f32 v0, v50;
	v38 =	vmul.f32 v38, v8;
	v3 =	vmul.f32 v3, v8  }
0x1b6: {  	v43 =	vld.idx.msk [tilespmem:v6+s19+$0x0 ss:$0x1], $0xffff;
	v55 =	vperm.xlane v35, v15;
	v35 =	vperm.xlane v35, v17;
	v49 =	vsub.f32 v49, v63  }
0x1b7: {  	v44 =	vld.idx.msk [tilespmem:v6+s19+$0xE ss:$0x1], $0xffff;
	v39 =	vmul.f32 v39, v8;
	v2 =	vsub.f32 v2, v59;
	v36 =	vsub.f32 v36, v56  }
0x1b8: {  	v51 =	vld.idx.msk [tilespmem:v18+s19+$0x0 ss:$0x1], $0xffff;
	v0 =	vmul.f32 v0, v8;
	v38 =	vadd.f32 v38, v40;
	v3 =	vadd.f32 v3, v48  }
0x1b9: {  	v52 =	vld.idx.msk [tilespmem:v18+s19+$0xE ss:$0x1], $0xffff;
	v57 =	vsub.f32 v57, v54;
	v35 =	vsub.f32 v35, v55  }
0x1ba: {  	v39 =	vadd.f32 v39, v42;
	v49 =	vmul.f32 v49, v8;
	v0 =	vadd.f32 v0, v50  }
0x1bb: {  	v46 =	vsub.f32 v46, v45;
	v2 =	vmul.f32 v2, v34;
	v36 =	vmul.f32 v36, v8  }
0x1bc: {  	v44 =	vsub.f32 v44, v43;
	v62 =	vmul.f32 v57, v31;
	v57 =	vperm.xlane v37, v15  }
0x1bd: {  	v37 =	vperm.xlane v37, v17;
	v35 =	vmul.f32 v35, v8;
	v49 =	vadd.f32 v49, v63  }
0x1be: {  	v0 =	vmax.f32 v3, v0;
	v52 =	vsub.f32 v52, v51;
	v46 =	vmul.f32 v46, v30  }
0x1bf: {  	v2 =	vadd.f32 v2, v59;
	v59 =	vld.idx.msk [tilespmem:v1+s19+$0xFFFFFF2E ss:$0x1], $0xffff;
	v44 =	vmul.f32 v44, v29;
	v53 =	vadd.f32 v62, v54  }
0x1c0: {  	[tilespmem:$0x1FBA0] =	vst v1;
	v37 =	vsub.f32 v37, v57;
	v35 =	vadd.f32 v35, v55;
	v52 =	vmul.f32 v52, v27  }
0x1c1: {  	v55 =	vld.idx.msk [tilespmem:v1+s19+$0xFFFFFF3C ss:$0x1], $0xffff;
	v45 =	vadd.f32 v46, v45;
	v1 =	vperm.xlane v2, v15;
	v2 =	vperm.xlane v2, v17  }
0x1c2: {  	v43 =	vadd.f32 v44, v43;
	v44 =	vperm.xlane v41, v15;
	v41 =	vperm.xlane v41, v17  }
0x1c3: {  	v36 =	vadd.f32 v36, v56;
	v56 =	vld.idx.msk [tilespmem:v14+s19+$0xFFFFFF2E ss:$0x1], $0xffff;
	v62 =	vperm.xlane v53, v15;
	v37 =	vmul.f32 v37, v8  }
0x1c4: {  	[tilespmem:$0x1FBB0] =	vst v14;
	v47 =	vperm.xlane v45, v15;
	v45 =	vperm.xlane v45, v17;
	v51 =	vadd.f32 v52, v51  }
0x1c5: {  	v40 =	vld.idx.msk [tilespmem:v16+s19+$0xFFFFFF2E ss:$0x1], $0xffff;
	v46 =	vperm.xlane v43, v15;
	v43 =	vperm.xlane v43, v17;
	v41 =	vsub.f32 v41, v44  }
0x1c6: {  	v53 =	vperm.xlane v53, v17;
	v37 =	vadd.f32 v37, v57;
	v57 =	vld.idx.msk [tilespmem:v14+s19+$0xFFFFFF3C ss:$0x1], $0xffff;
	v45 =	vsub.f32 v45, v47  }
0x1c7: {  	[tilespmem:$0x1FBC0] =	vst v16;
	v61 =	vperm.xlane v51, v15;
	v43 =	vsub.f32 v43, v46;
	v41 =	vmul.f32 v41, v8  }
0x1c8: {  	v2 =	vsub.f32 v2, v1;
	v51 =	vperm.xlane v51, v17;
	v42 =	vld.idx.msk [tilespmem:v16+s19+$0xFFFFFF3C ss:$0x1], $0xffff;
	v45 =	vmul.f32 v45, v8  }
0x1c9: {  	v43 =	vmul.f32 v43, v8;
	v41 =	vadd.f32 v41, v44;
	v44 =	vld.idx.msk [tilespmem:v18+s19+$0xFFFFFF3C ss:$0x1], $0xffff;
	[tilespmem:$0x1FBD0] =	vst v18  }
0x1ca: {  	v63 =	vperm.xlane v0, v60;
	v53 =	vsub.f32 v53, v62;
	v45 =	vadd.f32 v45, v47;
	v47 =	vld.idx.msk [tilespmem:v20+s19+$0xFFFFFF3C ss:$0x1], $0xffff  }
0x1cb: {  	v51 =	vsub.f32 v51, v61;
	v43 =	vadd.f32 v43, v46;
	v46 =	vld.idx.msk [tilespmem:v18+s19+$0xFFFFFF4A ss:$0x1], $0xffff;
	[tilespmem:$0x1FBE0] =	vst v20  }
0x1cc: {  	v0 =	vmax.f32 v0, v63;
	v2 =	vmul.f32 v2, v8;
	v48 =	vld.idx.msk [tilespmem:v20+s19+$0xFFFFFF4A ss:$0x1], $0xffff  }
0x1cd: {  	v53 =	vmul.f32 v53, v8;
	v51 =	vmul.f32 v51, v8;
	v50 =	vld.idx.msk [tilespmem:v25+s19+$0xFFFFFF3C ss:$0x1], $0xffff;
	[tilespmem:$0x1FBF0] =	vst v25  }
0x1ce: {  	v35 =	vmax.f32 v35, v36;
	v55 =	vsub.f32 v55, v59;
	v2 =	vadd.f32 v2, v1;
	v52 =	vld.idx.msk [tilespmem:v25+s19+$0xFFFFFF4A ss:$0x1], $0xffff  }
0x1cf: {  	v0 =	vperm.xlane v0, v28;
	v53 =	vadd.f32 v53, v62;
	v51 =	vadd.f32 v51, v61;
	v54 =	vld.idx.msk [tilespmem:v10+s19+$0xFFFFFF3C ss:$0x1], $0xffff  }
0x1d0: {  	v37 =	vmax.f32 v37, v38;
	v63 =	vsub.f32 v57, v56;
	v36 =	vld.idx.msk [tilespmem:v7+s19+$0xFFFFFF2E ss:$0x1], $0xffff;
	[tilespmem:$0x1FC00] =	vst v7  }
0x1d1: {  	v39 =	vmax.f32 v39, v41;
	v2 =	vmax.f32 v53, v2;
	v3 =	vmax.f32 v49, v51;
	v38 =	vld.idx.msk [tilespmem:v7+s19+$0xFFFFFF3C ss:$0x1], $0xffff  }
0x1d2: {  	v42 =	vsub.f32 v42, v40;
	v51 =	vld.idx.msk [tilespmem:v11+s19+$0xFFFFFF2E ss:$0x1], $0xffff;
	[tilespmem:$0x1FC10] =	vst v11;
	v49 =	vperm.xlane v3, v60  }
0x1d3: {  	v20 =	vperm.xlane v37, v60;
	v61 =	vperm.xlane v39, v60;
	v43 =	vmax.f32 v43, v45;
	v53 =	vld.idx.msk [tilespmem:v11+s19+$0xFFFFFF3C ss:$0x1], $0xffff  }
0x1d4: {  	v25 =	vperm.xlane v2, v60;
	v3 =	vmax.f32 v3, v49;
	v49 =	vld.idx.msk [tilespmem:v12+s19+$0xFFFFFF2E ss:$0x1], $0xffff;
	[tilespmem:$0x1FC20] =	vst v12  }
0x1d5: {  	v42 =	vmul.f32 v42, v26;
	v37 =	vmax.f32 v37, v20;
	v45 =	vld.idx.msk [tilespmem:v12+s19+$0xFFFFFF3C ss:$0x1], $0xffff;
	[tilespmem:$0x1FC30] =	vst v10  }
0x1d6: {  	v62 =	vperm.xlane v43, v60;
	v39 =	vmax.f32 v39, v61;
	v20 =	vmul.f32 v55, v21;
	v58 =	vld.idx.msk [tilespmem:v10+s19+$0xFFFFFF2E ss:$0x1], $0xffff  }
0x1d7: {  	v2 =	vmax.f32 v2, v25;
	v0 =	vsel vm0, v37, v0;
	v57 =	vld.idx.msk [tilespmem:v6+s19+$0xFFFFFF3C ss:$0x1], $0xffff;
	[tilespmem:$0x1FC40] =	vst v21  }
0x1d8: {  	v37 =	vmul.f32 v63, v22;
	v1 =	vadd.f32 v42, v40;
	v3 =	vperm.xlane v3, v28;
	[tilespmem:$0x1FC50] =	vst v6  }
0x1d9: {  	v41 =	vmax.f32 v43, v62;
	v46 =	vsub.f32 v46, v44;
	v21 =	vld.idx.msk [tilespmem:v6+s19+$0xFFFFFF4A ss:$0x1], $0xffff;
	[tilespmem:$0x1FC60] =	vst v22  }
0x1da: {  	v43 =	vadd.f32 v20, v59;
	v3 =	vsel vm0, v39, v3;
	v39 =	vld.idx.msk [tilespmem:v13+s19+$0xFFFFFF3C ss:$0x1], $0xffff;
	[tilespmem:$0x1FC70] =	vst v13  }
0x1db: {  	v63 =	vperm.xlane v2, v28;
	v38 =	vsub.f32 v38, v36;
	v22 =	vld.idx.msk [tilespmem:v13+s19+$0xFFFFFF4A ss:$0x1], $0xffff;
	[tilespmem:$0x1FC80] =	vst v26  }
0x1dc: {  	v48 =	vsub.f32 v48, v47;
	v37 =	vadd.f32 v37, v56;
	v56 =	vld.idx.msk [tilespmem:v5+s19+$0xFFFFFF3C ss:$0x1], $0xffff;
	[tilespmem:$0x1FC90] =	vst v27  }
0x1dd: {  	v59 =	vperm.xlane v1, v17;
	v52 =	vsub.f32 v52, v50;
	v38 =	vmul.f32 v38, v19;
	[tilespmem:$0x1FCA0] =	vst v5  }
0x1de: {  	v46 =	vmul.f32 v46, v27;
	v62 =	vsel vm0, v41, v63;
	v40 =	vld.idx.msk [tilespmem:v5+s19+$0xFFFFFF4A ss:$0x1], $0xffff;
	[tilespmem:$0x1FCB0] =	vst v31  }
0x1df: {  	v25 =	vmul.f32 v48, v31;
	v26 =	vmul.f32 v52, v34;
	v2 =	vadd.f32 v38, v36;
	[tilespmem:$0x1FCC0] =	vst v34  }
0x1e0: {  	v20 =	vsub.f32 v45, v49;
	v54 =	vsub.f32 v54, v58;
	v61 =	vld.idx.msk [tilespmem:v9+s19+$0xFFFFFF3C ss:$0x1], $0xffff;
	[tilespmem:$0x1FCD0] =	vst v4  }
0x1e1: {  	v36 =	vperm.xlane v37, v15;
	v50 =	vadd.f32 v26, v50;
	v5 =	vsub.f32 v53, v51;
	[tilespmem:$0x1FCE0] =	vst v19  }
0x1e2: {  	[tilespmem:$0x1FCF0] =	vst v9;
	v21 =	vsub.f32 v21, v57;
	v41 =	vmul.f32 v20, v24;
	v34 =	vmul.f32 v54, v4  }
0x1e3: {  	v54 =	vadd.f32 v25, v47;
	v48 =	vld.idx.msk [tilespmem:v9+s19+$0xFFFFFF4A ss:$0x1], $0xffff;
	v4 =	vperm.xlane v35, v60;
	v38 =	vmul.f32 v5, v23  }
0x1e4: {  	[tilespmem:$0x1FD10] =	vst v24;
	v53 =	vperm.xlane v50, v17;
	v22 =	vsub.f32 v22, v39;
	v24 =	vmul.f32 v21, v29  }
0x1e5: {  	v42 =	vadd.f32 v41, v49;
	v41 =	vperm.xlane v50, v15;
	v58 =	vadd.f32 v34, v58  }
0x1e6: {  	[tilespmem:$0x1FD00] =	vst v23;
	v63 =	vmax.f32 v35, v4;
	v35 =	vperm.xlane v43, v15;
	v34 =	vperm.xlane v43, v17  }
0x1e7: {  	[tilespmem:$0x1FD20] =	vst v29;
	v43 =	vperm.xlane v54, v15;
	v40 =	vsub.f32 v40, v56;
	v25 =	vmul.f32 v22, v30  }
0x1e8: {  	[tilespmem:$0x1FD30] =	vst v30;
	v45 =	vadd.f32 v24, v57;
	v57 =	vperm.xlane v37, v17;
	v23 =	vsub.f32 v48, v61  }
0x1e9: {  	v52 =	vadd.f32 v46, v44;
	[tilespmem:$0x1FD40] =	vst v32;
	v37 =	vperm.xlane v1, v15;
	v26 =	vmul.f32 v40, v32  }
0x1ea: {  	s20 =	simm.s32 $0x40;
	[tilespmem:$0x1FD50] =	vst v33;
	s19 =	simm.s32 $0x7620;
	v40 =	vadd.f32 v38, v51;
	v44 =	vadd.f32 v25, v39;
	v33 =	vmul.f32 v23, v33  }
0x1eb: {  	s29 =	sor.u32 $0x50, s20;
	[tilespmem:s19+$0x20] =	vst v0;
	v38 =	vperm.xlane v52, v15;
	v52 =	vperm.xlane v52, v17;
	v48 =	vsub.f32 v34, v35  }
0x1ec: {  	s30 =	sor.u32 $0x60, s20;
	[tilespmem:s29+$0x7600] =	vst v3;
	v51 =	vsub.f32 v57, v36;
	v47 =	vadd.f32 v33, v61;
	v61 =	vperm.xlane v54, v17  }
0x1ed: {  	s31 =	sor.u32 $0x70, s20;
	[tilespmem:s30+$0x7600] =	vst v62;
	v0 =	vperm.xlane v58, v15;
	v49 =	vsub.f32 v59, v37;
	v46 =	vadd.f32 v26, v56  }
0x1ee: {  	s21 =	simm.s32 $0x0;
	s22 =	simm.s32 $0x3608;
	[tilespmem:s31+$0x7600] =	vst v63;
	v52 =	vsub.f32 v52, v38;
	v54 =	vperm.xlane v58, v17;
	v50 =	vsub.f32 v61, v43  }
.LBB2_8:
0x1ef: {  	v26 =	vld [tilespmem:$0x1FCA0]  }
0x1f0: {  	v1 =	vld [tilespmem:$0x1FCF0]  }
0x1f1: {  	v18 =	vld [tilespmem:$0x1FC30]  }
0x1f2: {  	v11 =	vld [tilespmem:$0x1FC00]  }
0x1f3: {  	v12 =	vld [tilespmem:$0x1FC10]  }
0x1f4: {  	v14 =	vld [tilespmem:$0x1FC20]  }
0x1f5: {  	v16 =	vld [tilespmem:$0x1FC50];
	v3 =	vperm.xlane v2, v15;
	v2 =	vperm.xlane v2, v17;
	v53 =	vsub.f32 v53, v41  }
0x1f6: {  	v21 =	vld [tilespmem:$0x1FC70]  }
0x1f7: {  	v6 =	vld [tilespmem:$0x1FBB0];
	v34 =	vmul.f32 v50, v8;
	v2 =	vsub.f32 v2, v3;
	v53 =	vmul.f32 v53, v8  }
0x1f8: {  	v7 =	vld [tilespmem:$0x1FBC0]  }
0x1f9: {  	v9 =	vld [tilespmem:$0x1FBD0];
	v43 =	vadd.f32 v34, v43;
	v2 =	vmul.f32 v2, v8;
	v5 =	vadd.f32 v53, v41  }
0x1fa: {  	v10 =	vld [tilespmem:$0x1FBE0]  }
0x1fb: {  	v2 =	vadd.f32 v2, v3;
	v3 =	vmax.f32 v43, v5;
	v5 =	vld [tilespmem:$0x1FBA0]  }
0x1fc: {  	v39 =	vld.idx.msk [tilespmem:v26+s22+$0x0 ss:$0x1], $0xffff  }
0x1fd: {  	v56 =	vld.idx.msk [tilespmem:v26+s22+$0xE ss:$0x1], $0xffff  }
0x1fe: {  	v57 =	vperm.xlane v40, v15;
	v55 =	vperm.xlane v40, v17;
	v40 =	vld.idx.msk [tilespmem:v1+s22+$0x0 ss:$0x1], $0xffff  }
0x1ff: {  	v4 =	vld.idx.msk [tilespmem:v1+s22+$0xE ss:$0x1], $0xffff  }
0x200: {  	v58 =	vperm.xlane v42, v15;
	v59 =	vperm.xlane v42, v17;
	v42 =	vld.idx.msk [tilespmem:v18+s22+$0xFFFFFFF2 ss:$0x1], $0xffff  }
0x201: {  	v61 =	vperm.xlane v45, v15;
	v63 =	vld.idx.msk [tilespmem:v18+s22+$0x0 ss:$0x1], $0xffff  }
0x202: {  	v25 =	vperm.xlane v45, v17;
	v62 =	vperm.xlane v44, v15;
	v45 =	vld.idx.msk [tilespmem:v11+s22+$0xFFFFFFF2 ss:$0x1], $0xffff  }
0x203: {  	v32 =	vperm.xlane v44, v17;
	v20 =	vperm.xlane v46, v15;
	v24 =	vld.idx.msk [tilespmem:v11+s22+$0x0 ss:$0x1], $0xffff  }
0x204: {  	v54 =	vsub.f32 v54, v0;
	v22 =	vperm.xlane v47, v15;
	v23 =	vperm.xlane v47, v17;
	v47 =	vld.idx.msk [tilespmem:v12+s22+$0xFFFFFFF2 ss:$0x1], $0xffff  }
0x205: {  	v48 =	vmul.f32 v48, v8;
	v49 =	vmul.f32 v49, v8;
	v19 =	vsub.f32 v25, v61;
	v25 =	vld.idx.msk [tilespmem:v12+s22+$0x0 ss:$0x1], $0xffff  }
0x206: {  	v52 =	vmul.f32 v52, v8;
	v55 =	vsub.f32 v55, v57;
	v59 =	vsub.f32 v59, v58;
	v50 =	vld.idx.msk [tilespmem:v14+s22+$0xFFFFFFF2 ss:$0x1], $0xffff  }
0x207: {  	v51 =	vmul.f32 v51, v8;
	v44 =	vsub.f32 v32, v62;
	v37 =	vadd.f32 v49, v37;
	v49 =	vld.idx.msk [tilespmem:v14+s22+$0x0 ss:$0x1], $0xffff  }
0x208: {  	v33 =	vperm.xlane v46, v17;
	v23 =	vsub.f32 v23, v22;
	v38 =	vadd.f32 v52, v38;
	v52 =	vld.idx.msk [tilespmem:v16+s22+$0x0 ss:$0x1], $0xffff  }
0x209: {  	v35 =	vadd.f32 v48, v35;
	v54 =	vmul.f32 v54, v8;
	v36 =	vadd.f32 v51, v36;
	v53 =	vld.idx.msk [tilespmem:v16+s22+$0xE ss:$0x1], $0xffff  }
0x20a: {  	v46 =	vsub.f32 v33, v20;
	v48 =	vmul.f32 v55, v8;
	v51 =	vmul.f32 v59, v8;
	v55 =	vld.idx.msk [tilespmem:v21+s22+$0x0 ss:$0x1], $0xffff  }
0x20b: {  	v35 =	vmax.f32 v35, v36;
	v59 =	vmul.f32 v44, v8;
	v23 =	vmul.f32 v23, v8;
	v44 =	vld.idx.msk [tilespmem:v21+s22+$0xE ss:$0x1], $0xffff  }
0x20c: {  	v19 =	vmul.f32 v19, v8;
	v37 =	vmax.f32 v37, v38;
	v33 =	vadd.f32 v48, v57;
	v57 =	vld.idx.msk [tilespmem:v6+s22+$0xFFFFFFF2 ss:$0x1], $0xffff  }
0x20d: {  	v38 =	vmul.f32 v46, v8;
	v46 =	vadd.f32 v54, v0;
	v22 =	vadd.f32 v23, v22;
	v23 =	vld.idx.msk [tilespmem:v6+s22+$0x0 ss:$0x1], $0xffff  }
0x20e: {  	v54 =	vperm.xlane v37, v60;
	v19 =	vadd.f32 v19, v61;
	v36 =	vadd.f32 v59, v62;
	v62 =	vld.idx.msk [tilespmem:v7+s22+$0xFFFFFFF2 ss:$0x1], $0xffff  }
0x20f: {  	v20 =	vadd.f32 v38, v20;
	v27 =	vld.idx.msk [tilespmem:v10+s22+$0x0 ss:$0x1], $0xffff  }
0x210: {  	v32 =	vperm.xlane v35, v60;
	v19 =	vmax.f32 v19, v36;
	v36 =	vmax.f32 v37, v54;
	v37 =	vld.idx.msk [tilespmem:v7+s22+$0x0 ss:$0x1], $0xffff  }
0x211: {  	v34 =	vadd.f32 v51, v58;
	v43 =	vmax.f32 v20, v22;
	v20 =	vld.idx.msk [tilespmem:v9+s22+$0x0 ss:$0x1], $0xffff  }
0x212: {  	v58 =	vperm.xlane v3, v60;
	v35 =	vmax.f32 v35, v32;
	v54 =	vld.idx.msk [tilespmem:v9+s22+$0xE ss:$0x1], $0xffff  }
0x213: {  	v2 =	vmax.f32 v46, v2;
	v38 =	vmax.f32 v33, v34;
	v34 =	vld [tilespmem:$0x1FD40];
	v13 =	vperm.xlane v43, v60  }
0x214: {  	v3 =	vmax.f32 v3, v58;
	v59 =	vperm.xlane v2, v60;
	v48 =	vperm.xlane v19, v60;
	v58 =	vld.idx.msk [tilespmem:v10+s22+$0xE ss:$0x1], $0xffff  }
0x215: {  	v35 =	vperm.xlane v35, v28;
	v61 =	vperm.xlane v38, v60;
	[tilespmem:$0x1FB20] =	vst v13;
	v13 =	vld [tilespmem:$0x1FBF0]  }
0x216: {  	v36 =	vperm.xlane v36, v28;
	v2 =	vmax.f32 v2, v59;
	v19 =	vmax.f32 v19, v48;
	v48 =	vld [tilespmem:$0x1FD20]  }
0x217: {  	v38 =	vmax.f32 v38, v61;
	v2 =	vsel vm0, v2, v35;
	v35 =	vld [tilespmem:$0x1FD50]  }
0x218: {  	v61 =	vsel vm0, v38, v36;
	v36 =	vld.idx.msk [tilespmem:v6+s22+$0xFFFFFF2E ss:$0x1], $0xffff  }
0x219: {  	v33 =	vsub.f32 v44, v55;
	v44 =	vld [tilespmem:$0x1FD10]  }
0x21a: {  	[tilespmem:$0x1FB00] =	vst v61;
	v61 =	vld [tilespmem:$0x1FCE0]  }
0x21b: {  	v3 =	vperm.xlane v3, v28;
	v46 =	vsub.f32 v63, v42;
	v63 =	vsub.f32 v37, v62;
	v37 =	vld.idx.msk [tilespmem:v6+s22+$0xFFFFFF3C ss:$0x1], $0xffff  }
0x21c: {  	v0 =	vld.idx.msk [tilespmem:v5+s22+$0xFFFFFFF2 ss:$0x1], $0xffff  }
0x21d: {  	v56 =	vsub.f32 v56, v39;
	v3 =	vsel vm0, v19, v3;
	v51 =	vld.idx.msk [tilespmem:v5+s22+$0x0 ss:$0x1], $0xffff  }
0x21e: {  	[tilespmem:$0x1FAF0] =	vst v2;
	v2 =	vsub.f32 v49, v50;
	v49 =	vsub.f32 v53, v52;
	v32 =	vld.idx.msk [tilespmem:v5+s22+$0xFFFFFF2E ss:$0x1], $0xffff  }
0x21f: {  	[tilespmem:$0x1FB10] =	vst v3;
	v3 =	vld.idx.msk [tilespmem:v5+s22+$0xFFFFFF3C ss:$0x1], $0xffff;
	v19 =	vmul.f32 v56, v34  }
0x220: {  	v28 =	vmul.f32 v49, v48;
	v49 =	vld [tilespmem:$0x1FD30]  }
0x221: {  	v19 =	vadd.f32 v19, v39;
	v39 =	vld [tilespmem:$0x1FCC0]  }
0x222: {  	v48 =	vld.idx.msk [tilespmem:v16+s22+$0xFFFFFF4A ss:$0x1], $0xffff  }
0x223: {  	v41 =	vsub.f32 v24, v45;
	[tilespmem:$0x1FB50] =	vst v36;
	v36 =	vld [tilespmem:$0x1FCB0]  }
0x224: {  	v2 =	vmul.f32 v2, v44;
	v44 =	vld.idx.msk [tilespmem:v10+s22+$0xFFFFFF3C ss:$0x1], $0xffff  }
0x225: {  	v22 =	vmul.f32 v41, v61;
	v41 =	vld [tilespmem:$0x1FD00]  }
0x226: {  	[tilespmem:$0x1FB60] =	vst v37;
	v37 =	vld [tilespmem:$0x1FC80]  }
0x227: {  	v28 =	vadd.f32 v28, v52;
	v52 =	vld.idx.msk [tilespmem:v21+s22+$0xFFFFFF3C ss:$0x1], $0xffff  }
0x228: {  	v59 =	vsub.f32 v4, v40;
	v24 =	vsub.f32 v25, v47;
	v25 =	vld.idx.msk [tilespmem:v13+s22+$0x0 ss:$0x1], $0xffff  }
0x229: {  	v53 =	vld.idx.msk [tilespmem:v13+s22+$0xE ss:$0x1], $0xffff  }
0x22a: {  	[tilespmem:$0x1FB40] =	vst v3;
	v3 =	vsub.f32 v23, v57;
	v23 =	vmul.f32 v59, v35;
	v59 =	vld [tilespmem:$0x1FCD0]  }
0x22b: {  	[tilespmem:$0x1FB30] =	vst v32;
	v32 =	vld.idx.msk [tilespmem:v7+s22+$0xFFFFFF3C ss:$0x1], $0xffff  }
0x22c: {  	v35 =	vld [tilespmem:$0x1FC40]  }
0x22d: {  	v38 =	vsub.f32 v51, v0;
	v2 =	vadd.f32 v2, v50;
	v50 =	vld.idx.msk [tilespmem:v16+s22+$0xFFFFFF3C ss:$0x1], $0xffff  }
0x22e: {  	v51 =	vsub.f32 v58, v27;
	v22 =	vadd.f32 v22, v45;
	v45 =	vld.idx.msk [tilespmem:v12+s22+$0xFFFFFF2E ss:$0x1], $0xffff  }
0x22f: {  	v29 =	vmul.f32 v33, v49;
	v33 =	vld.idx.msk [tilespmem:v9+s22+$0xFFFFFF4A ss:$0x1], $0xffff  }
0x230: {  	v23 =	vadd.f32 v23, v40;
	v40 =	vld.idx.msk [tilespmem:v13+s22+$0xFFFFFF3C ss:$0x1], $0xffff;
	v31 =	vmul.f32 v51, v36  }
0x231: {  	v51 =	vld.idx.msk [tilespmem:v10+s22+$0xFFFFFF4A ss:$0x1], $0xffff;
	v6 =	vperm.xlane v22, v15;
	v22 =	vperm.xlane v22, v17  }
0x232: {  	v10 =	vperm.xlane v2, v17;
	v24 =	vmul.f32 v24, v41;
	v41 =	vld [tilespmem:$0x1FC60]  }
0x233: {  	v63 =	vmul.f32 v63, v37;
	v56 =	vmul.f32 v46, v59;
	v46 =	vld.idx.msk [tilespmem:v7+s22+$0xFFFFFF2E ss:$0x1], $0xffff  }
0x234: {  	v34 =	vperm.xlane v23, v15;
	v58 =	vmul.f32 v38, v35;
	v53 =	vsub.f32 v53, v25;
	v38 =	vld [tilespmem:$0x1FC90]  }
0x235: {  	v23 =	vperm.xlane v23, v17;
	v24 =	vadd.f32 v24, v47;
	v47 =	vld.idx.msk [tilespmem:v14+s22+$0xFFFFFF2E ss:$0x1], $0xffff;
	v42 =	vadd.f32 v56, v42  }
0x236: {  	[tilespmem:$0x1FB80] =	vst v32;
	v32 =	vmul.f32 v53, v39;
	v53 =	vld.idx.msk [tilespmem:v13+s22+$0xFFFFFF4A ss:$0x1], $0xffff;
	v0 =	vadd.f32 v58, v0  }
0x237: {  	v54 =	vsub.f32 v54, v20;
	v56 =	vld.idx.msk [tilespmem:v11+s22+$0xFFFFFF3C ss:$0x1], $0xffff;
	v3 =	vmul.f32 v3, v41;
	v4 =	vperm.xlane v42, v15  }
0x238: {  	v58 =	vld.idx.msk [tilespmem:v12+s22+$0xFFFFFF3C ss:$0x1], $0xffff;
	v5 =	vperm.xlane v42, v17;
	v12 =	vperm.xlane v0, v15;
	[tilespmem:$0x1FB70] =	vst v46  }
0x239: {  	v46 =	vld.idx.msk [tilespmem:v9+s22+$0xFFFFFF3C ss:$0x1], $0xffff;
	v30 =	vmul.f32 v54, v38;
	v9 =	vperm.xlane v2, v15;
	v2 =	vadd.f32 v29, v55  }
0x23a: {  	v42 =	vld.idx.msk [tilespmem:v11+s22+$0xFFFFFF2E ss:$0x1], $0xffff;
	v3 =	vadd.f32 v3, v57;
	v57 =	vperm.xlane v0, v17;
	v0 =	vadd.f32 v63, v62  }
0x23b: {  	v62 =	vld.idx.msk [tilespmem:v14+s22+$0xFFFFFF3C ss:$0x1], $0xffff;
	v11 =	vperm.xlane v2, v15;
	v55 =	vperm.xlane v2, v17;
	v2 =	vadd.f32 v30, v20  }
0x23c: {  	v27 =	vadd.f32 v31, v27;
	v20 =	vperm.xlane v0, v15;
	v30 =	vperm.xlane v0, v17;
	v0 =	vld.idx.msk [tilespmem:v1+s22+$0xFFFFFF4A ss:$0x1], $0xffff  }
0x23d: {  	v22 =	vsub.f32 v22, v6;
	v31 =	vperm.xlane v2, v15;
	v14 =	vperm.xlane v2, v17;
	v2 =	vld.idx.msk [tilespmem:v21+s22+$0xFFFFFF4A ss:$0x1], $0xffff  }
0x23e: {  	[tilespmem:$0x1FB90] =	vst v33;
	v33 =	vperm.xlane v19, v15;
	v21 =	vsub.f32 v57, v12;
	v57 =	vld.idx.msk [tilespmem:v1+s22+$0xFFFFFF3C ss:$0x1], $0xffff  }
0x23f: {  	v23 =	vsub.f32 v23, v34;
	v19 =	vperm.xlane v19, v17;
	v22 =	vmul.f32 v22, v8;
	v1 =	vld [tilespmem:$0x1FAF0]  }
0x240: {  	v7 =	vperm.xlane v24, v15;
	v24 =	vperm.xlane v24, v17;
	v54 =	vld.idx.msk [tilespmem:v18+s22+$0xFFFFFF3C ss:$0x1], $0xffff  }
0x241: {  	v23 =	vmul.f32 v23, v8;
	v25 =	vadd.f32 v32, v25;
	v32 =	vperm.xlane v27, v15;
	v63 =	vld.idx.msk [tilespmem:v18+s22+$0xFFFFFF2E ss:$0x1], $0xffff  }
0x242: {  	v19 =	vsub.f32 v19, v33;
	v27 =	vperm.xlane v27, v17;
	v18 =	vsub.f32 v55, v11;
	v55 =	vld.idx.msk [tilespmem:v26+s22+$0xFFFFFF3C ss:$0x1], $0xffff  }
0x243: {  	v29 =	vperm.xlane v28, v15;
	v28 =	vperm.xlane v28, v17;
	v24 =	vsub.f32 v24, v7;
	v26 =	vld.idx.msk [tilespmem:v26+s22+$0xFFFFFF4A ss:$0x1], $0xffff  }
0x244: {  	v23 =	vadd.f32 v23, v34;
	v34 =	vadd.f32 v22, v6;
	v16 =	vperm.xlane v25, v15;
	[tilespmem:s19+$0xFFFFFFE0] =	vst v1;
	v1 =	vld [tilespmem:$0x1FB00]  }
0x245: {  	v5 =	vsub.f32 v5, v4;
	v25 =	vperm.xlane v25, v17;
	v19 =	vmul.f32 v19, v8  }
0x246: {  	v27 =	vsub.f32 v27, v32;
	v10 =	vsub.f32 v10, v9;
	v24 =	vmul.f32 v24, v8  }
0x247: {  	v28 =	vsub.f32 v28, v29;
	v13 =	vperm.xlane v3, v15;
	v3 =	vperm.xlane v3, v17  }
0x248: {  	v5 =	vmul.f32 v5, v8;
	v25 =	vsub.f32 v25, v16;
	v19 =	vadd.f32 v19, v33  }
0x249: {  	v10 =	vmul.f32 v10, v8;
	v7 =	vadd.f32 v24, v7;
	v3 =	vsub.f32 v3, v13;
	[tilespmem:s19+$0xFFFFFFF0] =	vst v1;
	v1 =	vld [tilespmem:$0x1FB10]  }
0x24a: {  	v28 =	vmul.f32 v28, v8;
	v30 =	vsub.f32 v30, v20;
	v4 =	vadd.f32 v5, v4  }
0x24b: {  	v14 =	vsub.f32 v14, v31;
	v21 =	vmul.f32 v21, v8;
	v18 =	vmul.f32 v18, v8  }
0x24c: {  	v9 =	vadd.f32 v10, v9;
	v3 =	vmul.f32 v3, v8;
	v6 =	vmul.f32 v30, v8  }
0x24d: {  	v4 =	vmax.f32 v4, v34;
	v10 =	vmul.f32 v14, v8;
	v14 =	vadd.f32 v28, v29  }
0x24e: {  	v11 =	vadd.f32 v18, v11;
	v18 =	vmul.f32 v27, v8;
	v12 =	vadd.f32 v21, v12;
	[tilespmem:s19+$0x0] =	vst v1;
	v1 =	vld [tilespmem:$0x1FB20]  }
0x24f: {  	v3 =	vadd.f32 v3, v13;
	v13 =	vmul.f32 v25, v8;
	v6 =	vadd.f32 v6, v20  }
0x250: {  	v28 =	vld [tilespmem:$0x1FFF0];
	v10 =	vadd.f32 v10, v31;
	v18 =	vadd.f32 v18, v32;
	v32 =	vmax.f32 v7, v9  }
0x251: {  	v9 =	vmax.f32 v14, v11;
	v13 =	vadd.f32 v13, v16;
	v3 =	vmax.f32 v12, v3  }
0x252: {  	v34 =	vld [tilespmem:$0x1FB40];
	v7 =	vperm.xlane v3, v60;
	v6 =	vmax.f32 v6, v10;
	v10 =	vperm.xlane v4, v60  }
0x253: {  	v11 =	vperm.xlane v6, v60;
	v12 =	vmax.f32 v18, v13;
	v25 =	vmax.f32 v43, v1;
	v1 =	vld [tilespmem:$0x1FB30]  }
0x254: {  	v3 =	vmax.f32 v3, v7;
	v7 =	vperm.xlane v32, v60;
	v13 =	vperm.xlane v12, v60  }
0x255: {  	v4 =	vmax.f32 v4, v10;
	v6 =	vmax.f32 v6, v11;
	v3 =	vperm.xlane v3, v28  }
0x256: {  	v11 =	vperm.xlane v9, v60;
	v10 =	vmax.f32 v12, v13;
	v6 =	vperm.xlane v6, v28  }
0x257: {  	s20 =	sadd.s32 $0x80, s20;
	v5 =	vmax.f32 v32, v7;
	v3 =	vsel vm0, v4, v3;
	v33 =	vperm.xlane v10, v28;
	[tilespmem:s19+$0x10] =	vst v25;
	s19 =	sadd.s32 $0x80, s19  }
0x258: {  	s0 =	sor.u32 $0x50, s20;
	v7 =	vmax.f32 v9, v11;
	[tilespmem:s19+$0x20] =	vst v3;
	v3 =	vsel vm0, v5, v6;
	v5 =	vsub.f32 v34, v1  }
0x259: {  	s30 =	sor.u32 $0x60, s20;
	[tilespmem:s0+$0x7600] =	vst v3;
	v3 =	vsel vm0, v7, v33  }
0x25a: {  	[tilespmem:s30+$0x7600] =	vst v3;
	v3 =	vmul.f32 v5, v35;
	_ =	sdelay $0x1  }
0x25b: {  	v3 =	vadd.f32 v3, v1;
	v1 =	vld [tilespmem:$0x1FD00];
	_ =	sdelay $0x2  }
0x25c: {  	v12 =	vsub.f32 v58, v45  }
0x25d: {  	v16 =	vmax.f32 v19, v23;
	v19 =	vld [tilespmem:$0x1FB70]  }
0x25e: {  	v12 =	vmul.f32 v12, v1;
	v1 =	vld [tilespmem:$0x1FD10]  }
0x25f: {  	v18 =	vld [tilespmem:$0x1FB50]  }
0x260: {  	v10 =	vsub.f32 v53, v40;
	v43 =	vld [tilespmem:$0x1FB80]  }
0x261: {  	v13 =	vsub.f32 v62, v47;
	v6 =	vld [tilespmem:$0x1FB60]  }
0x262: {  	v51 =	vsub.f32 v51, v44;
	v2 =	vsub.f32 v2, v52;
	v10 =	vmul.f32 v10, v39;
	v7 =	vld [tilespmem:$0x1FB90]  }
0x263: {  	v0 =	vsub.f32 v0, v57;
	v9 =	vperm.xlane v16, v60;
	v13 =	vmul.f32 v13, v1;
	v1 =	vld [tilespmem:$0x1FD20]  }
0x264: {  	v11 =	vsub.f32 v56, v42;
	v10 =	vadd.f32 v10, v40  }
0x265: {  	v14 =	vsub.f32 v48, v50;
	v9 =	vmax.f32 v16, v9;
	v4 =	vsub.f32 v43, v19  }
0x266: {  	s31 =	sor.u32 $0x70, s20;
	v11 =	vmul.f32 v11, v61;
	v16 =	vsub.f32 v26, v55;
	v53 =	vperm.xlane v10, v17  }
0x267: {  	[tilespmem:s31+$0x7600] =	vst v9;
	v9 =	vsub.f32 v54, v63;
	v6 =	vsub.f32 v6, v18;
	v4 =	vmul.f32 v4, v37  }
0x268: {  	v5 =	vmul.f32 v51, v36;
	v7 =	vsub.f32 v7, v46;
	v14 =	vmul.f32 v14, v1;
	v1 =	vld [tilespmem:$0x1FD40]  }
0x269: {  	v9 =	vmul.f32 v9, v59;
	v6 =	vmul.f32 v6, v41;
	v4 =	vadd.f32 v4, v19  }
0x26a: {  	v5 =	vadd.f32 v5, v44;
	v41 =	vperm.xlane v10, v15;
	v7 =	vmul.f32 v7, v38  }
0x26b: {  	v6 =	vadd.f32 v6, v18;
	v18 =	vmul.f32 v2, v49;
	v35 =	vperm.xlane v3, v15  }
0x26c: {  	v9 =	vadd.f32 v9, v63;
	v3 =	vperm.xlane v3, v17;
	v37 =	vperm.xlane v4, v15  }
0x26d: {  	v2 =	vadd.f32 v11, v42;
	v4 =	vperm.xlane v4, v17;
	v16 =	vmul.f32 v16, v1;
	v1 =	vld [tilespmem:$0x1FD50]  }
0x26e: {  	s21 =	sadd.s32 $0x2, s21;
	v43 =	vperm.xlane v5, v15;
	v7 =	vadd.f32 v7, v46;
	v36 =	vperm.xlane v6, v15  }
0x26f: {  	p1 =	slt.u32 s21, $0x3E;
	v6 =	vperm.xlane v6, v17;
	v44 =	vadd.f32 v18, v52;
	v48 =	vsub.f32 v3, v35  }
.Ltmp7:
0x270: {  	v49 =	vsub.f32 v4, v37;
	v38 =	vperm.xlane v7, v15;
	v7 =	vperm.xlane v7, v17;
	(pc) =	sbr.rel @p1 .LBB2_8-.Ltmp7, $4  }
0x271: {  	v5 =	vperm.xlane v5, v17;
	v51 =	vsub.f32 v6, v36;
	v40 =	vadd.f32 v12, v45  }
0x272: {  	v52 =	vsub.f32 v7, v38;
	v42 =	vadd.f32 v13, v47;
	v0 =	vmul.f32 v0, v1  }
0x273: {  	v54 =	vperm.xlane v9, v17;
	v45 =	vadd.f32 v14, v50;
	v50 =	vsub.f32 v5, v43  }
0x274: {  	s22 =	sadd.s32 $0x188, s22;
	v46 =	vadd.f32 v16, v55;
	v47 =	vadd.f32 v0, v57;
	v0 =	vperm.xlane v9, v15  }
0x275: {  	v3 =	vperm.xlane v2, v15  }
0x276: {  	v39 =	vperm.xlane v2, v17;
	v5 =	vperm.xlane v40, v15  }
0x277: {  	v7 =	vperm.xlane v40, v17;
	v9 =	vperm.xlane v42, v15  }
0x278: {  	v10 =	vperm.xlane v42, v17;
	v11 =	vperm.xlane v45, v15  }
0x279: {  	v12 =	vperm.xlane v45, v17;
	v13 =	vperm.xlane v44, v15  }
0x27a: {  	v14 =	vperm.xlane v44, v17;
	v19 =	vmul.f32 v48, v8  }
0x27b: {  	v20 =	vmul.f32 v51, v8;
	v21 =	vmul.f32 v49, v8  }
0x27c: {  	v4 =	vsub.f32 v53, v41;
	v22 =	vmul.f32 v52, v8;
	v23 =	vmul.f32 v50, v8  }
0x27d: {  	v6 =	vsub.f32 v54, v0;
	v16 =	vperm.xlane v46, v15;
	v2 =	vsub.f32 v39, v3  }
0x27e: {  	v18 =	vperm.xlane v46, v17;
	v7 =	vsub.f32 v7, v5;
	v10 =	vsub.f32 v10, v9  }
0x27f: {  	v40 =	vperm.xlane v47, v15;
	v12 =	vsub.f32 v12, v11;
	v14 =	vsub.f32 v14, v13  }
0x280: {  	v42 =	vperm.xlane v47, v17;
	v19 =	vadd.f32 v19, v35;
	v20 =	vadd.f32 v20, v36  }
0x281: {  	v4 =	vmul.f32 v4, v8;
	v21 =	vadd.f32 v21, v37;
	v22 =	vadd.f32 v22, v38  }
0x282: {  	v23 =	vadd.f32 v23, v43;
	v18 =	vsub.f32 v18, v16;
	v6 =	vmul.f32 v6, v8  }
0x283: {  	v17 =	vsub.f32 v42, v40;
	v2 =	vmul.f32 v2, v8;
	v7 =	vmul.f32 v7, v8  }
0x284: {  	v10 =	vmul.f32 v10, v8;
	v4 =	vadd.f32 v4, v41;
	v19 =	vmax.f32 v19, v20  }
0x285: {  	v12 =	vmul.f32 v12, v8;
	v14 =	vmul.f32 v14, v8;
	v44 =	vmax.f32 v21, v22  }
0x286: {  	v18 =	vmul.f32 v18, v8;
	v45 =	vmul.f32 v17, v8;
	v46 =	vadd.f32 v6, v0  }
0x287: {  	v48 =	vperm.xlane v19, v60;
	v50 =	vperm.xlane v44, v60;
	v2 =	vadd.f32 v2, v3  }
0x288: {  	v47 =	vmax.f32 v23, v4;
	v5 =	vadd.f32 v7, v5;
	v49 =	vadd.f32 v10, v9  }
0x289: {  	v51 =	vadd.f32 v12, v11;
	v52 =	vadd.f32 v14, v13;
	v53 =	vperm.xlane v47, v60  }
0x28a: {  	v54 =	vadd.f32 v18, v16;
	v8 =	vadd.f32 v45, v40;
	v4 =	vmax.f32 v19, v48  }
0x28b: {  	v57 =	vmax.f32 v44, v50;
	v0 =	vmax.f32 v46, v2;
	v55 =	vmax.f32 v5, v49  }
0x28c: {  	v56 =	vmax.f32 v51, v52;
	v4 =	vperm.xlane v4, v28;
	v58 =	vperm.xlane v0, v60  }
0x28d: {  	v6 =	vperm.xlane v57, v28;
	v3 =	vmax.f32 v47, v53;
	v59 =	vperm.xlane v55, v60  }
0x28e: {  	v8 =	vmax.f32 v54, v8;
	v10 =	vperm.xlane v56, v60;
	v0 =	vmax.f32 v0, v58  }
0x28f: {  	v3 =	vperm.xlane v3, v28;
	v2 =	vmax.f32 v55, v59;
	v0 =	vsel vm0, v0, v4  }
.Ltmp8:
0x290: {  	v61 =	vperm.xlane v8, v60;
	v5 =	vmax.f32 v56, v10;
	v2 =	vsel vm0, v2, v6;
	[tilespmem:s19+$0xFFFFFFE0] =	vst v0;
	(pc) =	sbr.rel .LBB2_10-.Ltmp8, $4  }
0x291: {  	v62 =	vsel vm0, v5, v3;
	[tilespmem:s19+$0xFFFFFFF0] =	vst v2  }
0x292: {  	s0 =	sshll.u32 s18, $0x9;
	v63 =	vmax.f32 v8, v61;
	[tilespmem:s19+$0x0] =	vst v62  }
0x293: {  	s0 =	sadd.s32 s5, s0;
	[tilespmem:s19+$0x10] =	vst v63  }
0x294: {  	[hbm4b:s0+s2] =	stream.linear.scatter [tilespmem:s15], [sflag:$0x4], $0x1000, $0x38;
	[tilespmem:$0x8600] =	vst v63  }
.LBB2_12:
0x295: {  	_ =	sfence.sel $0x180000  }
0x296: {  	[bflag:$0x0] =	sbarrier.arrive $0xFFFF  }
0x297: {  	_ =	strace $0x9000004A  }
0x298: {  	s0 =	stileid.u32;
	[bflag:$0x2] =	sbarrier.arrive $0xFFFF  }
0x299: {  	p0 =	sne.s32 s0, $0x0;
	s0 =	rddreg [dreg:$0x2]  }
0x29a: {  	s0 =	sadd.s32 @!p0 $0x100000, s0  }
0x29b: {  	[sflag:s0] =	ssyncadd.tile.s32 @!p0 $0x1;
	_ =	shalt  }
.Lfunc_end2:
_tile_overlayer_lowered:
.L_overlay_start_2:
0x29c: {  	(tag) =	ssettag $0x2  }
0x29d: {  	s0 =	rddreg [dreg:$0x0];
	s2 =	stileid.u32  }
0x29e: {  	s1 =	rddreg [dreg:$0x1];
	p0 =	sne.s32 s2, $0x0  }
0x29f: {  	s3 =	rddreg [dreg:$0x2];
	[bflag:$0x3] =	sbarrier.arrive $0xFFFF;
	s2 =	simm.s32 @!p0 $0x1C05  }
0x2a0: {  	[timem:s3], [sflag:s2] =	dma.local @!p0 [hbm:s0], s1  }
0x2a1: {  	s0 =	simm.s32 @!p0 $0x5  }
0x2a2: {  	_ =	swait.ge @!p0 [sflag:s0], s1  }
0x2a3: {  	s1 =	ssub.s32 @!p0 $0x0, s1;
	[sflag:s0] =	ssyncset.done @!p0 $0x0  }
0x2a4: {  	[sflag:s0] =	ssyncadd.s32 @!p0 s1  }
0x2a5: {  	[bflag:$0x3] =	sbarrier.arrive $0xFFFF  }
0x2a6: {  	_ =	shalt  }

// kernel: sparse-core-data-format-call.1.cloned.1.call-start
scs
called_computation.1_lowered:
.L_overlay_start_0:
0x0: {  	s1 =	sld [smem:$0x3FD9]  }
0x1: {  	s2 =	sld [smem:$0x3FFE];
	_ =	sdelay $0x1  }
0x2: {  	s3 =	srdreg.scid  }
0x3: {  	s0 =	sand.u32 $0x1, s3  }
0x4: {  	s17 =	sshll.u32 s0, $0xA;
	s1 =	sadd.s32 s2, s1  }
0x5: {  	s1 =	sadd.s32 s1, s17  }
0x6: {  	[smem:$0x3FC6] =	sst s1  }
0x7: {  	_ = 	snop  }
0x8: {  	(tm) =	ssettm $0x1  }
0x9: {  	s18 =	sld [smem:$0x3FFB];
	_ =	sdelay $0x3  }
0xa: {  	_ =	strace s18  }
0xb: {  	s1 =	sld [smem:$0x3FFC];
	_ =	sdelay $0x3  }
0xc: {  	_ =	strace s1  }
0xd: {  	s1 =	sld [smem:$0x3FFD];
	_ =	sdelay $0x3  }
0xe: {  	_ =	strace s1  }
0xf: {  	_ =	strace $0x8FFFFFFF  }
0x10: {  	s19 =	sld [smem:$0x3FDB];
	_ =	sdelay $0x1  }
0x11: {  	s20 =	simm.s32 $_scs_section_size  }
0x12: {  	s4 =	simm.s32 $_size__tile_overlayer_lowered;
	s5 =	simm.s32 $_tile_overlayer_lowered  }
0x13: {  	s23 =	simm.s32 $0x1BFF;
	s22 =	sshll.u32 s5, $0x1;
	s1 =	sadd.s32 s20, s19  }
0x14: {  	s6 =	simm.s32 $0x0;
	s21 =	sshll.u32 s4, $0x1;
	s4 =	sadd.s32 s22, s1  }
0x15: {  	[timem:s6], [sflag:s23] =	dma.local [hbm:s4], s21  }
0x16: {  	_ =	swait.ge [sflag:s23], s21  }
0x17: {  	s2 =	ssub.s32 $0x0, s21;
	[sflag:s23] =	ssyncset.done $0x0  }
0x18: {  	[sflag:s23] =	ssyncadd.s32 s2;
	_ =	sdelay $0x1  }
0x19: {  	s24 =	simm.s32 $0x1B8B  }
0x1a: {  	_ =	swait.ge [sflag:s24], $0x1  }
0x1b: {  	[sflag:s24] =	ssyncset.done $0x0  }
0x1c: {  	s26 =	simm.s32 $0x1B8E;
	s25 =	sld [smem:$0x3FFE];
	[sflag:s24] =	ssyncadd.s32 $0xFFFFFFFF  }
0x1d: {  	s27 =	simm.s32 $execute0_lowered;
	[smem:$0x3FD2] =	sst s26  }
0x1e: {  	s4 =	sshll.u32 s27, $0x1;
	_ =	strace $0x80000046;
	[dreg:$0x1] =	wrdreg $0xFFFFFFFF  }
0x1f: {  	s28 =	simm.s32 $_size_execute0_lowered;
	s1 =	sadd.s32 s1, s4;
	[dreg:$0x0] =	wrdreg $0x0  }
0x20: {  	s4 =	sshll.u32 s28, $0x1;
	[dreg:$0x2] =	wrdreg s1  }
0x21: {  	[dreg:$0x3] =	wrdreg s4  }
0x22: {  	[dreg:$0x4] =	wrdreg $0xC0  }
0x23: {  	_ =	task [dreg:s6], $0x5FFFF  }
0x24: {  	[dreg:$0x1] =	wrdreg $0xFFFFFFFF  }
0x25: {  	[dreg:$0x0] =	wrdreg $0x60  }
0x26: {  	[dreg:$0x2] =	wrdreg s25  }
0x27: {  	[dreg:$0x3] =	wrdreg $0x9  }
0x28: {  	_ =	task.clear_ibuf [dreg:s6], $0x4FFFF;
	_ =	strace $0x90000046  }
0x29: {  	s29 =	simm.s32 $0x9;
	_ =	strace $0x80000048  }
0x2a: {  	_ =	swait.ge [sflag:s29], $0x1  }
0x2b: {  	[sflag:s29] =	ssyncadd.s32 $0xFFFFFFFF  }
0x2c: {  	_ =	strace $0x90000048  }
0x2d: {  	_ =	sfence  }
0x2e: {  	s30 =	sld [smem:$0x0];
	_ =	sdelay $0x2  }
0x2f: {  	s31 =	sshll.u32 s3, $0xD;
	s3 =	sshrl.u32 s3, $0x2  }
0x30: {  	s2 =	sand.u32 $0x4000, s31;
	s1 =	sadd.s32 s3, s30  }
0x31: {  	s0 =	sor.u32 s2, s0;
	s1 =	sshll.u32 s1, $0x11  }
0x32: {  	s0 =	sor.u32 s1, s0  }
0x33: {  	s0 =	sadd.s32 $0x8F2B, s0  }
0x34: {  	[sflag:s0] =	ssyncadd.remote.s32 $0x1  }
0x35: {  	_ =	sfence.sel $0xFFFF  }
0x36: {  	[dreg:$0x0] =	wrdreg $0xFFFFFFFF;
	(pc) =	sbr.abs _section_cstart, $3  }
0x37: {  	[dreg:$0x1] =	wrdreg $0xFFFFFFFF  }
0x38: {  	_ =	task.clear_ibuf [dreg:s6], $0x2FFFF;
	_ =	strace $0x9FFFFFFF  }
0x39: {  	(tm) =	ssettm $0x7FFFFFFF  }
tec
execute0_lowered:
.L_overlay_start_1:
0x0: {  	(tag) =	ssettag $0x1  }
0x1: {  	s0 =	rddreg [dreg:$0x0]  }
0x2: {  	_ =	strace $0x80000047;
	s30 =	srdreg.scid;
	s3 =	stileid.u32  }
0x3: {  	s2 =	simm.s32 $0x1;
	s31 =	simm.s32 $0x2;
	s19 =	simm.s32 $0x0  }
0x4: {  	p0 =	por $0x0, $0x0;
	s18 =	simm.s32 $0x0;
	s21 =	simm.s32 $0x0  }
0x5: {  	s20 =	simm.s32 $0x0;
	s8 =	simm.s32 $0x0;
	s16 =	simm.s32 $0x0  }
0x6: {  	s11 =	simm.s32 $0x0;
	s12 =	simm.s32 $0x0;
	s13 =	simm.s32 $0x0  }
.Ltmp0:
0x7: {  	s15 =	simm.s32 $0x0;
	s1 =	sadd.s32 $0x1000, s0;
	(pc) =	sbr.rel .LBB1_1-.Ltmp0, $4  }
0x8: {  	s17 =	simm.s32 $0x0;
	[dreg:$0x2] =	wrdreg s1;
	s1 =	sshll.u32 s30, $0x4  }
0x9: {  	s10 =	simm.s32 $0x0;
	s0 =	sadd.s32 $0x7A9000, s0;
	s1 =	sand.u32 $0x10, s1  }
0xa: {  	[sflag:s2] =	ssyncpa.u1 $0x0;
	[dreg:$0x3] =	wrdreg s0;
	s9 =	sor.u32 s3, s1  }
0xb: {  	[sflag:s31] =	ssyncpa.u1 $0x0;
	s14 =	smov.u32 s9;
	[dreg:$0x4] =	wrdreg s9  }
.LBB1_18:
0xc: {  	s17 =	rddreg [dreg:$0x9]  }
0xd: {  	s18 =	rddreg [dreg:$0xb]  }
0xe: {  	s21 =	rddreg [dreg:$0xc]  }
0xf: {  	s0 =	sshll.u32 s12, $0x7;
	s22 =	rddreg [dreg:$0xd]  }
0x10: {  	s2 =	sshll.u32 s11, $0x3;
	p1 =	sgt.s32 s12, $0xF;
	s23 =	rddreg [dreg:$0xa]  }
0x11: {  	s3 =	smov.u32 s12;
	p2 =	sgt.s32 s11, $0x70;
	s16 =	rddreg [dreg:$0x5]  }
0x12: {  	s4 =	smov.u32 s11;
	s25 =	sshrl.u32 s11, $0x3;
	s27 =	rddreg [dreg:$0x3]  }
0x13: {  	s28 =	sshll.u32 s8, $0xE;
	s29 =	sand.u32 $0x7, s11;
	s31 =	simm.s32 $0x20000  }
0x14: {  	s9 =	rddreg [dreg:$0x4];
	s1 =	sand.u32 $0x400, s0;
	s2 =	sand.u32 $0x400, s2  }
0x15: {  	s3 =	simm.s32 @!p1 $0xF;
	s4 =	simm.s32 @!p2 $0x70;
	p1 =	sgt.s32 s8, $0x1308  }
0x16: {  	s0 =	sand.u32 $0x380, s0;
	s24 =	sshll.u32 s16, $0x8;
	s26 =	sand.u32 $0xF, s25  }
0x17: {  	s1 =	sadd.s32 s1, s2;
	s2 =	sadd.s32 s17, s3;
	s17 =	rddreg [dreg:$0x6]  }
0x18: {  	s3 =	sadd.s32 s18, s4;
	s4 =	smov.u32 s8;
	s18 =	rddreg [dreg:$0x7]  }
0x19: {  	s5 =	sadd.s32 $0xFFFFFFF1, s2;
	s6 =	sadd.s32 $0xFFFFFF90, s3;
	s2 =	ssub.s32 $0x10, s2  }
0x1a: {  	s3 =	ssub.s32 $0x80, s3;
	p2 =	sgt.s32 s5, $0x0;
	p3 =	sgt.s32 s6, $0xF  }
0x1b: {  	s4 =	simm.s32 @!p1 $0x1308;
	s2 =	simm.s32 @p2 $0x0;
	s3 =	simm.s32 @p3 $0x0  }
0x1c: {  	s0 =	sor.u32 s0, s1;
	s1 =	sadd.s32 s21, s4;
	s2 =	smul.u32 s2, s3  }
0x1d: {  	s0 =	sshrl.u32 s0, $0x3;
	s21 =	rddreg [dreg:$0x8];
	s4 =	sadd.s32 $0xFFFFECF8, s1  }
0x1e: {  	s1 =	ssub.s32 $0x1388, s1;
	p1 =	sgt.s32 s4, $0x7F;
	s2 =	smul.u32 s23, s2  }
0x1f: {  	s3 =	smul.u32 $0x880, s22;
	s4 =	sadd.s32 s27, s24;
	s1 =	simm.s32 @p1 $0x0  }
0x20: {  	s0 =	sand.u32 $0xF0, s0;
	s1 =	smul.u32 s1, s2;
	s2 =	sadd.s32 s26, s4  }
0x21: {  	s3 =	sor.u32 $0x1000, s3;
	s4 =	sshll.u32 s29, $0x12;
	s2 =	sadd.s32 s28, s2  }
0x22: {  	s30 =	sor.u32 $0x10, s4;
	s1 =	sand.u32 $0x3FFFFFFF, s1;
	s0 =	sadd.s32 s0, s2  }
0x23: {  	[hbm4b:s0+s30] =	stream.strided.scatter [tilespmem:s3], [sflag:$0x2], s1, s31, s30, $0x8;
	[tilespmem:$0x2100] =	vst v63  }
.LBB1_19:
0x24: {  	p1 =	slt.u32 s10, $0x2;
	s0 =	smov.u32 s19;
	s5 =	smov.u32 s18  }
0x25: {  	p2 =	sgt.s32 @!p1 s19, $0x1308;
	s1 =	sshra.s32 @!p1 s19, $0x1F;
	s2 =	sshra.s32 @!p1 s20, $0x1F  }
0x26: {  	p3 =	sgt.s32 @!p1 s21, $0x70;
	s4 =	sshra.s32 @!p1 s18, $0x1F;
	p2 =	por !p2, p1  }
0x27: {  	s1 =	sand.u32 @!p1 s1, s19;
	s2 =	sand.u32 @!p1 s2, s20;
	p3 =	por !p3, p1  }
0x28: {  	s4 =	sand.u32 @!p1 s4, s18;
	s0 =	simm.s32 @p2 $0x1308;
	p2 =	sgt.s32 @!p1 s20, $0xF  }
0x29: {  	s0 =	ssub.s32 @!p1 s0, s1;
	p2 =	por !p2, p1;
	s1 =	smov.u32 s20  }
0x2a: {  	s3 =	sadd.s32 @!p1 $0xFFFFECF8, s0;
	s1 =	simm.s32 @p2 $0xF;
	s0 =	ssub.s32 @!p1 $0x1388, s0  }
0x2b: {  	p2 =	sgt.s32 @!p1 s3, $0x7F;
	s1 =	ssub.s32 @!p1 s1, s2;
	s3 =	smov.u32 s21  }
0x2c: {  	s2 =	sadd.s32 @!p1 $0xFFFFFFF1, s1;
	s3 =	simm.s32 @p3 $0x70;
	p3 =	sgt.s32 @!p1 s18, $0x3F  }
0x2d: {  	p2 =	por !p2, p1;
	p4 =	sgt.s32 @!p1 s2, $0x0;
	s2 =	sshra.s32 @!p1 s21, $0x1F  }
0x2e: {  	s1 =	ssub.s32 @!p1 $0x10, s1;
	p3 =	por !p3, p1;
	s2 =	sand.u32 @!p1 s2, s21  }
0x2f: {  	s0 =	simm.s32 @!p2 $0x0;
	s5 =	simm.s32 @p3 $0x3F;
	s2 =	ssub.s32 @!p1 s3, s2  }
0x30: {  	p2 =	por !p4, p1;
	s4 =	ssub.s32 @!p1 s5, s4;
	s3 =	sadd.s32 @!p1 $0xFFFFFF90, s2  }
0x31: {  	s1 =	simm.s32 @!p2 $0x0;
	s5 =	smov.u32 s14;
	p2 =	sgt.s32 @!p1 s3, $0xF  }
0x32: {  	s2 =	ssub.s32 @!p1 $0x80, s2;
	s3 =	sadd.s32 @!p1 $0xFFFFFFC1, s4;
	p2 =	por !p2, p1  }
0x33: {  	s2 =	simm.s32 @!p2 $0x0;
	p2 =	sgt.s32 @!p1 s3, $0x0;
	s3 =	ssub.s32 @!p1 $0x40, s4  }
0x34: {  	p2 =	por !p2, p1;
	s1 =	smul.u32 @!p1 s1, s2;
	s2 =	sadd.s32 $0x80, s13  }
0x35: {  	s4 =	sadd.s32 $0x20, s14;
	s3 =	simm.s32 @!p2 $0x0;
	p2 =	sgt.s32 s2, $0x1387  }
0x36: {  	s1 =	smul.u32 @!p1 s3, s1;
	s5 =	smov.u32 @p2 s4;
	s2 =	simm.s32 @p2 $0x0  }
0x37: {  	s3 =	sadd.s32 $0x10, s15;
	s4 =	smov.u32 s15;
	p2 =	sgt.s32 s5, $0x3F  }
0x38: {  	s0 =	smul.u32 @!p1 s0, s1;
	s4 =	smov.u32 @p2 s3  }
0x39: {  	s5 =	smov.u32 @p2 s9;
	s1 =	simm.s32 $0x1;
	p2 =	sgt.s32 s4, $0xD  }
0x3a: {  	s10 =	sadd.s32 $0x1, s10;
	p0 =	por !p0, !p0;
	s1 =	simm.s32 @!p2 $0x0  }
0x3b: {  	s19 =	smov.u32 s8;
	s8 =	smov.u32 s13;
	s1 =	sadd.s32 s1, s17  }
0x3c: {  	s20 =	smov.u32 s12;
	s4 =	simm.s32 @p2 $0x0;
	p2 =	sgt.s32 s1, $0xD  }
0x3d: {  	s12 =	smov.u32 s17;
	s1 =	simm.s32 @p2 $0x0;
	p2 =	sne.s32 s10, $0x462  }
.Ltmp1:
0x3e: {  	s18 =	smov.u32 s16;
	s16 =	smov.u32 s14;
	(pc) =	sbr.rel @!p2 .LBB1_20-.Ltmp1, $4  }
0x3f: {  	s21 =	smov.u32 s11;
	s3 =	simm.s32 @!p1 $0x2;
	s0 =	sand.u32 @!p1 $0x3FFFFFFF, s0  }
0x40: {  	s11 =	smov.u32 s15;
	s13 =	smov.u32 s2;
	_ =	swait.ge @!p1 [sflag:s3], s0  }
0x41: {  	s14 =	smov.u32 s5;
	s0 =	ssub.s32 @!p1 $0x0, s0;
	[sflag:s3] =	ssyncset.done @!p1 $0x0  }
0x42: {  	s15 =	smov.u32 s4;
	[sflag:s3] =	ssyncadd.s32 @!p1 s0;
	s17 =	smov.u32 s1  }
.LBB1_1:
0x43: {  	p1 =	sgt.u32 s10, $0x45F  }
.Ltmp2:
0x44: {  	_ = 	snop;
	(pc) =	sbr.rel @p1 .LBB1_3-.Ltmp2, $1  }
0x45: {  	_ =	sdelay $0x3  }
0x46: {  	s0 =	sshrl.u32 s14, $0x3;
	s1 =	sshll.u32 s13, $0x3  }
0x47: {  	s2 =	sshll.u32 s14, $0x7;
	s3 =	sand.u32 $0x7F, s13;
	p1 =	sgt.s32 s17, $0xD  }
0x48: {  	s4 =	sshra.s32 s17, $0x1F;
	s5 =	sshra.s32 s15, $0x1F;
	s0 =	smul.u32 $0xA000, s0  }
0x49: {  	s22 =	sxor.u32 $0xFFFFFFFF, s10;
	s1 =	sand.u32 $0xFFFFFC00, s1;
	s2 =	sand.u32 $0x380, s2  }
0x4a: {  	s25 =	smul.u32 $0x8C000, s17;
	s29 =	sor.u32 s3, s2;
	s0 =	sadd.s32 s0, s1  }
0x4b: {  	s23 =	sshra.s32 s13, $0x1F;
	s26 =	smul.u32 $0xA000, s15;
	s1 =	sor.u32 s0, s29  }
0x4c: {  	s4 =	sand.u32 s4, s17;
	s3 =	smov.u32 s17;
	s30 =	smulhi.u32 $0xCCCCCCCD, s1  }
0x4d: {  	s6 =	sand.u32 s5, s15;
	s3 =	simm.s32 @!p1 $0xD;
	p1 =	sgt.s32 s15, $0xFFFFFFFE  }
0x4e: {  	s31 =	ssub.s32 s3, s4;
	s3 =	smov.u32 s15;
	s2 =	sshrl.u32 s30, $0xC  }
0x4f: {  	s4 =	sadd.s32 $0xFFFFFFF3, s31;
	s3 =	simm.s32 @!p1 $0xFFFFFFFE;
	s2 =	smul.u32 $0x1400, s2  }
0x50: {  	s5 =	sshll.u32 s22, $0xB;
	p1 =	sgt.s32 s4, $0x0;
	s3 =	ssub.s32 s3, s6  }
0x51: {  	s4 =	smov.u32 s14;
	s1 =	ssub.s32 s1, s2;
	s2 =	ssub.s32 $0xE, s31  }
0x52: {  	s6 =	sshra.s32 s14, $0x1F;
	s2 =	simm.s32 @p1 $0x0;
	p1 =	sgt.s32 s14, $0x3F  }
0x53: {  	s7 =	sadd.s32 $0x2, s3;
	s6 =	sand.u32 s6, s14;
	s4 =	simm.s32 @!p1 $0x3F  }
0x54: {  	s3 =	ssub.s32 $0xE, s3;
	p1 =	sgt.s32 s7, $0xF;
	s4 =	ssub.s32 s4, s6  }
0x55: {  	s0 =	smulhi.u32 $0xCCCCCCCD, s0;
	s3 =	simm.s32 @p1 $0x0;
	s6 =	sadd.s32 $0xFFFFFFC1, s4  }
0x56: {  	s2 =	smul.u32 s2, s3;
	s3 =	ssub.s32 $0x40, s4;
	p1 =	sgt.s32 s6, $0x0  }
0x57: {  	s4 =	smov.u32 s13;
	s3 =	simm.s32 @p1 $0x0;
	p1 =	sgt.s32 s13, $0x1380  }
0x58: {  	s0 =	sshrl.u32 s0, $0xC;
	s6 =	sand.u32 s23, s13;
	s4 =	simm.s32 @!p1 $0x1380  }
0x59: {  	s5 =	sand.u32 $0x800, s5;
	s0 =	sand.u32 $0x3F, s0;
	s24 =	ssub.s32 s4, s6  }
0x5a: {  	s0 =	smul.u32 $0x280, s0;
	s7 =	rddreg [dreg:$0x2];
	s4 =	sadd.s32 $0xFFFFEC80, s24  }
0x5b: {  	s2 =	smul.u32 s3, s2;
	s3 =	ssub.s32 $0x1400, s24;
	p1 =	sgt.s32 s4, $0x7F  }
0x5c: {  	s31 =	simm.s32 $0x50000;
	s6 =	sadd.s32 s7, s25;
	s3 =	simm.s32 @p1 $0x0  }
0x5d: {  	s28 =	sand.u32 $0x7, s1;
	s27 =	sadd.s32 s26, s6;
	s2 =	smul.u32 s3, s2  }
0x5e: {  	s1 =	sshrl.u32 s1, $0x3;
	s29 =	sshll.u32 s28, $0x12;
	s0 =	sadd.s32 s0, s27  }
0x5f: {  	s30 =	sor.u32 $0x80, s29;
	s0 =	sadd.s32 s1, s0;
	s2 =	sand.u32 $0x3FFFFFFF, s2  }
0x60: {  	[tilespmem:s5], [sflag:$0x1] =	stream.strided.gather [hbm4b:s0+s30], s2, s31, s30, $0x38;
	[tilespmem:$0x2100] =	vst v63  }
.LBB1_3:
0x61: {  	p1 =	seq.s32 s10, $0x0  }
0x62: {  	p2 =	seq.s32 @!p1 s10, $0x461  }
0x63: {  	p1 =	por p1, p2  }
.Ltmp3:
0x64: {  	_ = 	snop;
	(pc) =	sbr.rel @p1 .LBB1_19-.Ltmp3, $1  }
0x65: {  	_ =	sdelay $0x3  }
0x66: {  	[dreg:$0x8] =	wrdreg s21;
	s0 =	ssub.s32 $0x0, s12  }
0x67: {  	s1 =	sshra.s32 s12, $0x1F;
	p1 =	sgt.s32 s12, $0xD;
	s2 =	smov.u32 s12  }
0x68: {  	s22 =	ssub.s32 $0x0, s11;
	s23 =	sshra.s32 s11, $0x1F;
	p2 =	sgt.s32 s11, $0xFFFFFFFE  }
0x69: {  	s3 =	smov.u32 s11;
	s24 =	sshra.s32 s16, $0x1F;
	s25 =	ssub.s32 $0x0, s8  }
0x6a: {  	s26 =	sshra.s32 s8, $0x1F;
	s0 =	sand.u32 s0, s1;
	s2 =	simm.s32 @!p1 $0xD  }
0x6b: {  	s1 =	sand.u32 s22, s23;
	s3 =	simm.s32 @!p2 $0xFFFFFFFE;
	[dreg:$0x9] =	wrdreg s0  }
0x6c: {  	p2 =	sgt.s32 s16, $0x3F;
	s0 =	sadd.s32 s0, s2;
	[dreg:$0xb] =	wrdreg s1  }
0x6d: {  	s1 =	sadd.s32 s1, s3;
	s2 =	smov.u32 s16;
	s3 =	sand.u32 s24, s16  }
0x6e: {  	s21 =	sadd.s32 $0xFFFFFFF3, s0;
	s0 =	ssub.s32 $0xE, s0;
	s4 =	sadd.s32 $0x2, s1  }
0x6f: {  	s2 =	simm.s32 @!p2 $0x3F;
	s1 =	ssub.s32 $0xE, s1;
	p1 =	sgt.s32 s21, $0x0  }
0x70: {  	p2 =	sgt.s32 s4, $0xF;
	s2 =	ssub.s32 s2, s3;
	s4 =	smov.u32 s8  }
0x71: {  	s0 =	simm.s32 @p1 $0x0;
	s1 =	simm.s32 @p2 $0x0;
	s3 =	sadd.s32 $0xFFFFFFC1, s2  }
0x72: {  	p2 =	sgt.s32 s8, $0x1380;
	s2 =	ssub.s32 $0x40, s2;
	s0 =	smul.u32 s0, s1  }
0x73: {  	p1 =	sgt.s32 s3, $0x0;
	s1 =	sand.u32 s25, s26;
	s4 =	simm.s32 @!p2 $0x1380  }
0x74: {  	s2 =	simm.s32 @p1 $0x0;
	[dreg:$0xc] =	wrdreg s1;
	s1 =	sadd.s32 s1, s4  }
0x75: {  	[dreg:$0xa] =	wrdreg s2;
	s0 =	smul.u32 s2, s0;
	s29 =	sadd.s32 $0xFFFFEC80, s1  }
0x76: {  	s1 =	ssub.s32 $0x1400, s1;
	s2 =	sadd.s32 $0x1, s12;
	p1 =	sgt.s32 s29, $0x7F  }
0x77: {  	s3 =	sadd.s32 $0x10, s11;
	s1 =	simm.s32 @p1 $0x0;
	p1 =	slt.s32 s2, $0xE  }
0x78: {  	s0 =	smul.u32 s1, s0;
	s2 =	simm.s32 @!p1 $0xE;
	p1 =	slt.s32 s3, $0xE  }
0x79: {  	s1 =	sadd.s32 $0x1, s16;
	s26 =	ssub.s32 s2, s12;
	s3 =	simm.s32 @!p1 $0xE  }
0x7a: {  	p2 =	slt.s32 s1, $0x40;
	s27 =	ssub.s32 s3, s11;
	p1 =	slt.s32 s26, $0x1  }
0x7b: {  	s1 =	simm.s32 @!p2 $0x40;
	p2 =	slt.s32 @!p1 s27, $0x1  }
0x7c: {  	s28 =	ssub.s32 s1, s16;
	p2 =	por p1, p2  }
0x7d: {  	p3 =	slt.s32 @!p2 s28, $0x1  }
0x7e: {  	[dreg:$0x7] =	wrdreg s18;
	p2 =	por p2, p3  }
.Ltmp4:
0x7f: {  	[dreg:$0x6] =	wrdreg s17;
	(pc) =	sbr.rel @p2 .LBB1_18-.Ltmp4, $4  }
0x80: {  	[dreg:$0x5] =	wrdreg s16;
	s30 =	simm.s32 $0x1;
	s0 =	sand.u32 $0x3FFFFFFF, s0  }
0x81: {  	_ =	swait.ge [sflag:s30], s0  }
0x82: {  	s31 =	sand.u32 $0x1, s10;
	s0 =	ssub.s32 $0x0, s0;
	[sflag:s30] =	ssyncset.done $0x0  }
0x83: {  	[dreg:$0xd] =	wrdreg s31;
	[sflag:s30] =	ssyncadd.s32 s0  }
0x84: {  	s0 =	sadd.s32 $0x80, s8  }
0x85: {  	p2 =	slt.s32 s0, $0x1388  }
0x86: {  	s0 =	simm.s32 @!p2 $0x1388  }
0x87: {  	s1 =	simm.s32 $0x1;
	s0 =	ssub.s32 s0, s8  }
0x88: {  	s1 =	simm.s32 @!p0 $0x0;
	s2 =	sadd.s32 $0xF, s0  }
0x89: {  	s24 =	smul.u32 $0x2200, s1;
	s25 =	sshrl.u32 s2, $0x8  }
0x8a: {  	s1 =	smul.u32 $0x4400, s25  }
.Ltmp5:
0x8b: {  	s3 =	rddreg [dreg:$0xd];
	(pc) =	sbr.rel .LBB1_6-.Ltmp5, $4  }
0x8c: {  	s6 =	simm.s32 $0x0;
	s7 =	simm.s32 $0x0;
	s31 =	sshll.u32 @!p1 s3, $0xB  }
0x8d: {  	s0 =	sshrl.u32 s24, $0x2;
	s29 =	sand.u32 $0xFFFFFFF0, s2;
	s1 =	sadd.s32 s24, s1  }
0x8e: {  	s30 =	sand.u32 @!p1 $0xFFFFFF00, s2;
	s0 =	sadd.s32 $0x1FF0, s0;
	s1 =	sshra.s32 s1, $0x2  }
0x8f: {  	p1 =	slt.s32 s2, $0x100;
	p2 =	sge.s32 s30, s29;
	s1 =	sadd.s32 $0x1000, s1  }
.LBB1_17:
0x90: {  	s7 =	sadd.s32 $0x1, s7  }
0x91: {  	p3 =	sne.s32 s7, s26  }
.Ltmp6:
0x92: {  	_ = 	snop;
	(pc) =	sbr.rel @!p3 .LBB1_18-.Ltmp6, $2  }
0x93: {  	_ =	sdelay $0x2  }
0x94: {  	s6 =	sadd.s32 $0x1, s6  }
.LBB1_6:
.Ltmp7:
0x95: {  	s2 =	sand.u32 $0x7, s6;
	(pc) =	sbr.rel .LBB1_7-.Ltmp7, $4  }
0x96: {  	s3 =	sshll.u32 s7, $0xD;
	s2 =	smul.u32 $0x44, s2  }
0x97: {  	s3 =	sshra.s32 s3, $0x2  }
0x98: {  	s21 =	simm.s32 $0x0;
	s5 =	sshrl.u32 s2, $0x2;
	s2 =	sadd.s32 s3, s31  }
0x99: {  	s4 =	sadd.s32 s5, s0;
	s3 =	sadd.s32 s5, s1;
	s5 =	simm.s32 $0x0  }
.LBB1_16:
0x9a: {  	s21 =	sadd.s32 $0x1, s21  }
0x9b: {  	p3 =	sne.s32 s21, s27  }
.Ltmp8:
0x9c: {  	_ = 	snop;
	(pc) =	sbr.rel @!p3 .LBB1_17-.Ltmp8, $2  }
0x9d: {  	_ =	sdelay $0x2  }
0x9e: {  	s5 =	sadd.s32 $0x1, s5  }
.LBB1_7:
.Ltmp9:
0x9f: {  	(pc) =	sbr.rel .LBB1_8-.Ltmp9, $4  }
0xa0: {  	_ = 	snop  }
0xa1: {  	s16 =	sshll.u32 s21, $0x9  }
0xa2: {  	s9 =	sand.u32 $0x7F, s5;
	s22 =	simm.s32 $0x0;
	s17 =	sshra.s32 s16, $0x2  }
0xa3: {  	s23 =	sadd.s32 s9, s3;
	s16 =	sadd.s32 s9, s4;
	s25 =	sadd.s32 s17, s2  }
.LBB1_15:
0xa4: {  	s22 =	sadd.s32 $0x1, s22  }
0xa5: {  	p3 =	sne.s32 s22, s28  }
.Ltmp10:
0xa6: {  	_ = 	snop;
	(pc) =	sbr.rel @!p3 .LBB1_16-.Ltmp10, $2  }
0xa7: {  	_ =	sdelay $0x2  }
0xa8: {  	s16 =	sadd.s32 $0x11, s16;
	s23 =	sadd.s32 $0x11, s23  }
.LBB1_8:
.Ltmp11:
0xa9: {  	(pc) =	sbr.rel @p1 .LBB1_12-.Ltmp11, $2  }
0xaa: {  	_ =	sdelay $0x2  }
0xab: {  	s9 =	sshll.u32 s22, $0x7  }
0xac: {  	s17 =	sand.u32 $0x380, s9  }
0xad: {  	s17 =	sadd.s32 s17, s25  }
0xae: {  	v5 =	vld [tilespmem:s17+$0x70]  }
0xaf: {  	v6 =	vld [tilespmem:s17+$0x0]  }
0xb0: {  	v7 =	vld [tilespmem:s17+$0x10]  }
0xb1: {  	v1 =	vld [tilespmem:s17+$0x20]  }
0xb2: {  	v0 =	vld [tilespmem:s17+$0x30]  }
0xb3: {  	v2 =	vld [tilespmem:s17+$0x40];
	[tilespmem:s16+$0x0 ss:$0x11] =	vst.msk $0xffff, v5  }
0xb4: {  	v3 =	vld [tilespmem:s17+$0x50];
	[tilespmem:s16+$0xFFFFF010 ss:$0x11] =	vst.msk $0xffff, v6  }
0xb5: {  	v4 =	vld [tilespmem:s17+$0x60];
	[tilespmem:s16+$0xFFFFF120 ss:$0x11] =	vst.msk $0xffff, v7  }
0xb6: {  	[tilespmem:s16+$0xFFFFF230 ss:$0x11] =	vst.msk $0xffff, v1  }
0xb7: {  	[tilespmem:s16+$0xFFFFF340 ss:$0x11] =	vst.msk $0xffff, v0  }
0xb8: {  	p3 =	sgt.s32 s30, $0x100;
	[tilespmem:s16+$0xFFFFF450 ss:$0x11] =	vst.msk $0xffff, v2  }
.Ltmp12:
0xb9: {  	[tilespmem:s16+$0xFFFFF560 ss:$0x11] =	vst.msk $0xffff, v3;
	(pc) =	sbr.rel @!p3 .LBB1_11-.Ltmp12, $4  }
0xba: {  	[tilespmem:s16+$0xFFFFF670 ss:$0x11] =	vst.msk $0xffff, v4  }
0xbb: {  	[tilespmem:s16+$0xFFFFF780 ss:$0x11] =	vst.msk $0xffff, v5  }
0xbc: {  	[tilespmem:s16+$0xFFFFF890 ss:$0x11] =	vst.msk $0xffff, v6  }
0xbd: {  	s18 =	simm.s32 $0x100;
	s24 =	smov.u32 s16;
	[tilespmem:s16+$0xFFFFF9A0 ss:$0x11] =	vst.msk $0xffff, v7  }
.LBB1_10:
0xbe: {  	v5 =	vld [tilespmem:s17+$0x70];
	s18 =	sadd.s32 $0x100, s18;
	[tilespmem:s24+$0xFFFFFAB0 ss:$0x11] =	vst.msk $0xffff, v1  }
0xbf: {  	v6 =	vld [tilespmem:s17+$0x0];
	p3 =	slt.s32 s18, s30;
	[tilespmem:s24+$0xFFFFFBC0 ss:$0x11] =	vst.msk $0xffff, v0  }
0xc0: {  	v7 =	vld [tilespmem:s17+$0x10];
	[tilespmem:s24+$0xFFFFFCD0 ss:$0x11] =	vst.msk $0xffff, v2  }
0xc1: {  	v1 =	vld [tilespmem:s17+$0x20];
	[tilespmem:s24+$0xFFFFFDE0 ss:$0x11] =	vst.msk $0xffff, v3  }
0xc2: {  	v0 =	vld [tilespmem:s17+$0x30];
	[tilespmem:s24+$0xFFFFFEF0 ss:$0x11] =	vst.msk $0xffff, v4;
	s24 =	sadd.s32 $0x1100, s24  }
0xc3: {  	v2 =	vld [tilespmem:s17+$0x40];
	[tilespmem:s24+$0x0 ss:$0x11] =	vst.msk $0xffff, v5  }
0xc4: {  	[tilespmem:s24+$0xFFFFF010 ss:$0x11] =	vst.msk $0xffff, v6;
	v3 =	vld [tilespmem:s17+$0x50]  }
0xc5: {  	[tilespmem:s24+$0xFFFFF120 ss:$0x11] =	vst.msk $0xffff, v7;
	v4 =	vld [tilespmem:s17+$0x60]  }
0xc6: {  	[tilespmem:s24+$0xFFFFF230 ss:$0x11] =	vst.msk $0xffff, v1  }
0xc7: {  	[tilespmem:s24+$0xFFFFF340 ss:$0x11] =	vst.msk $0xffff, v0  }
0xc8: {  	[tilespmem:s24+$0xFFFFF450 ss:$0x11] =	vst.msk $0xffff, v2  }
.Ltmp13:
0xc9: {  	[tilespmem:s24+$0xFFFFF560 ss:$0x11] =	vst.msk $0xffff, v3;
	(pc) =	sbr.rel @p3 .LBB1_10-.Ltmp13, $4  }
0xca: {  	[tilespmem:s24+$0xFFFFF670 ss:$0x11] =	vst.msk $0xffff, v4  }
0xcb: {  	[tilespmem:s24+$0xFFFFF780 ss:$0x11] =	vst.msk $0xffff, v5  }
0xcc: {  	[tilespmem:s24+$0xFFFFF890 ss:$0x11] =	vst.msk $0xffff, v6  }
0xcd: {  	[tilespmem:s24+$0xFFFFF9A0 ss:$0x11] =	vst.msk $0xffff, v7  }
.LBB1_11:
0xce: {  	[tilespmem:s24+$0xFFFFFAB0 ss:$0x11] =	vst.msk $0xffff, v1  }
0xcf: {  	[tilespmem:s24+$0xFFFFFBC0 ss:$0x11] =	vst.msk $0xffff, v0  }
0xd0: {  	[tilespmem:s24+$0xFFFFFCD0 ss:$0x11] =	vst.msk $0xffff, v2  }
0xd1: {  	[tilespmem:s24+$0xFFFFFDE0 ss:$0x11] =	vst.msk $0xffff, v3  }
0xd2: {  	[tilespmem:s24+$0xFFFFFEF0 ss:$0x11] =	vst.msk $0xffff, v4  }
.LBB1_12:
.Ltmp14:
0xd3: {  	(pc) =	sbr.rel @p2 .LBB1_15-.Ltmp14, $1  }
0xd4: {  	_ =	sdelay $0x3  }
0xd5: {  	s9 =	sand.u32 $0x380, s9  }
0xd6: {  	s9 =	sadd.s32 s9, s25  }
0xd7: {  	v0 =	vmov s9;
	_ =	sdelay $0x2  }
0xd8: {  	s17 =	smov.u32 s30;
	s9 =	smov.u32 s23  }
.LBB1_14:
0xd9: {  	s18 =	sand.u32 $0x70, s17;
	s17 =	sadd.s32 $0x10, s17  }
0xda: {  	v1 =	vld.idx.msk [tilespmem:v0+s18+$0x0 ss:$0x1], $0xffff;
	p3 =	slt.s32 s17, s29  }
.Ltmp15:
0xdb: {  	_ = 	snop;
	(pc) =	sbr.rel @p3 .LBB1_14-.Ltmp15, $2  }
0xdc: {  	_ =	sdelay $0x2  }
0xdd: {  	[tilespmem:s9+$0x0 ss:$0x11] =	vst.msk $0xffff, v1;
	s9 =	sadd.s32 $0x110, s9  }
.Ltmp16:
0xde: {  	_ = 	snop;
	(pc) =	sbr.rel .LBB1_15-.Ltmp16, $1  }
0xdf: {  	_ =	sdelay $0x3  }
.LBB1_20:
0xe0: {  	_ =	sfence.sel $0x180000  }
0xe1: {  	s0 =	simm.s32 $0x1;
	[bflag:$0x0] =	sbarrier.arrive $0xFFFF  }
0xe2: {  	s30 =	simm.s32 $0x2;
	[sflag:s0] =	ssyncpa.u1 $0x1  }
0xe3: {  	[sflag:s30] =	ssyncpa.u1 $0x1  }
0xe4: {  	_ =	strace $0x90000047  }
0xe5: {  	s31 =	stileid.u32;
	[bflag:$0x2] =	sbarrier.arrive $0xFFFF  }
0xe6: {  	p0 =	sne.s32 s31, $0x0;
	s0 =	rddreg [dreg:$0x1]  }
0xe7: {  	s0 =	sadd.s32 @!p0 $0x100000, s0  }
0xe8: {  	[sflag:s0] =	ssyncadd.tile.s32 @!p0 $0x1;
	_ =	shalt  }
.Lfunc_end1:
_tile_overlayer_lowered:
.L_overlay_start_2:
0xe9: {  	(tag) =	ssettag $0x2  }
0xea: {  	s0 =	rddreg [dreg:$0x0];
	s2 =	stileid.u32  }
0xeb: {  	s1 =	rddreg [dreg:$0x1];
	p0 =	sne.s32 s2, $0x0  }
0xec: {  	s3 =	rddreg [dreg:$0x2];
	[bflag:$0x3] =	sbarrier.arrive $0xFFFF;
	s2 =	simm.s32 @!p0 $0x1C01  }
0xed: {  	[timem:s3], [sflag:s2] =	dma.local @!p0 [hbm:s0], s1  }
0xee: {  	s0 =	simm.s32 @!p0 $0x1  }
0xef: {  	_ =	swait.ge @!p0 [sflag:s0], s1  }
0xf0: {  	s1 =	ssub.s32 @!p0 $0x0, s1;
	[sflag:s0] =	ssyncset.done @!p0 $0x0  }
0xf1: {  	[sflag:s0] =	ssyncadd.s32 @!p0 s1  }
0xf2: {  	[bflag:$0x3] =	sbarrier.arrive $0xFFFF  }
0xf3: {  	_ =	shalt  }

// kernel: sparse-core-data-format-call.cloned.1.call-start
scs
called_computation_lowered:
.L_overlay_start_0:
0x0: {  	s1 =	sld [smem:$0x3FD9]  }
0x1: {  	s2 =	sld [smem:$0x3FFE];
	_ =	sdelay $0x1  }
0x2: {  	s3 =	srdreg.scid  }
0x3: {  	s0 =	sand.u32 $0x1, s3  }
0x4: {  	s17 =	sshll.u32 s0, $0xA;
	s1 =	sadd.s32 s2, s1  }
0x5: {  	s1 =	sadd.s32 s1, s17  }
0x6: {  	[smem:$0x3FC6] =	sst s1  }
0x7: {  	_ = 	snop  }
0x8: {  	(tm) =	ssettm $0x1  }
0x9: {  	s18 =	sld [smem:$0x3FFB];
	_ =	sdelay $0x3  }
0xa: {  	_ =	strace s18  }
0xb: {  	s1 =	sld [smem:$0x3FFC];
	_ =	sdelay $0x3  }
0xc: {  	_ =	strace s1  }
0xd: {  	s1 =	sld [smem:$0x3FFD];
	_ =	sdelay $0x3  }
0xe: {  	_ =	strace s1  }
0xf: {  	_ =	strace $0x8FFFFFFF  }
0x10: {  	s19 =	sld [smem:$0x3FDB];
	_ =	sdelay $0x1  }
0x11: {  	s20 =	simm.s32 $_scs_section_size  }
0x12: {  	s4 =	simm.s32 $_size__tile_overlayer_lowered;
	s5 =	simm.s32 $_tile_overlayer_lowered  }
0x13: {  	s23 =	simm.s32 $0x1BFF;
	s22 =	sshll.u32 s5, $0x1;
	s1 =	sadd.s32 s20, s19  }
0x14: {  	s6 =	simm.s32 $0x0;
	s21 =	sshll.u32 s4, $0x1;
	s4 =	sadd.s32 s22, s1  }
0x15: {  	[timem:s6], [sflag:s23] =	dma.local [hbm:s4], s21  }
0x16: {  	_ =	swait.ge [sflag:s23], s21  }
0x17: {  	s2 =	ssub.s32 $0x0, s21;
	[sflag:s23] =	ssyncset.done $0x0  }
0x18: {  	[sflag:s23] =	ssyncadd.s32 s2;
	_ =	sdelay $0x1  }
0x19: {  	s24 =	simm.s32 $0x1B8B  }
0x1a: {  	_ =	swait.ge [sflag:s24], $0x1  }
0x1b: {  	[sflag:s24] =	ssyncset.done $0x0  }
0x1c: {  	s26 =	simm.s32 $0x1B8E;
	s25 =	sld [smem:$0x3FFE];
	[sflag:s24] =	ssyncadd.s32 $0xFFFFFFFF  }
0x1d: {  	s27 =	simm.s32 $execute0_lowered;
	[smem:$0x3FD2] =	sst s26  }
0x1e: {  	s4 =	sshll.u32 s27, $0x1;
	_ =	strace $0x8000004C;
	[dreg:$0x1] =	wrdreg $0xFFFFFFFF  }
0x1f: {  	s28 =	simm.s32 $_size_execute0_lowered;
	s1 =	sadd.s32 s1, s4;
	[dreg:$0x0] =	wrdreg $0x0  }
0x20: {  	s4 =	sshll.u32 s28, $0x1;
	[dreg:$0x2] =	wrdreg s1  }
0x21: {  	[dreg:$0x3] =	wrdreg s4  }
0x22: {  	[dreg:$0x4] =	wrdreg $0xC0  }
0x23: {  	_ =	task [dreg:s6], $0x5FFFF  }
0x24: {  	[dreg:$0x1] =	wrdreg $0xFFFFFFFF  }
0x25: {  	[dreg:$0x0] =	wrdreg $0x60  }
0x26: {  	[dreg:$0x2] =	wrdreg s25  }
0x27: {  	[dreg:$0x3] =	wrdreg $0x9  }
0x28: {  	_ =	task.clear_ibuf [dreg:s6], $0x4FFFF;
	_ =	strace $0x9000004C  }
0x29: {  	s29 =	simm.s32 $0x9;
	_ =	strace $0x8000004E  }
0x2a: {  	_ =	swait.ge [sflag:s29], $0x1  }
0x2b: {  	[sflag:s29] =	ssyncadd.s32 $0xFFFFFFFF  }
0x2c: {  	_ =	strace $0x9000004E  }
0x2d: {  	_ =	sfence  }
0x2e: {  	s30 =	sld [smem:$0x0];
	_ =	sdelay $0x2  }
0x2f: {  	s31 =	sshll.u32 s3, $0xD;
	s3 =	sshrl.u32 s3, $0x2  }
0x30: {  	s2 =	sand.u32 $0x4000, s31;
	s1 =	sadd.s32 s3, s30  }
0x31: {  	s0 =	sor.u32 s2, s0;
	s1 =	sshll.u32 s1, $0x11  }
0x32: {  	s0 =	sor.u32 s1, s0  }
0x33: {  	s0 =	sadd.s32 $0x8F2B, s0  }
0x34: {  	[sflag:s0] =	ssyncadd.remote.s32 $0x1  }
0x35: {  	_ =	sfence.sel $0xFFFF  }
0x36: {  	[dreg:$0x0] =	wrdreg $0xFFFFFFFF;
	(pc) =	sbr.abs _section_cstart, $3  }
0x37: {  	[dreg:$0x1] =	wrdreg $0xFFFFFFFF  }
0x38: {  	_ =	task.clear_ibuf [dreg:s6], $0x2FFFF;
	_ =	strace $0x9FFFFFFF  }
0x39: {  	(tm) =	ssettm $0x7FFFFFFF  }
tec
execute0_lowered:
.L_overlay_start_1:
0x0: {  	(tag) =	ssettag $0x1  }
0x1: {  	s0 =	rddreg [dreg:$0x0]  }
0x2: {  	_ =	strace $0x8000004D;
	s1 =	srdreg.scid;
	s30 =	stileid.u32  }
0x3: {  	s2 =	simm.s32 $0x1;
	s31 =	simm.s32 $0x2;
	s16 =	simm.s32 $0x0  }
0x4: {  	p0 =	por $0x0, $0x0;
	s15 =	simm.s32 $0x0;
	s14 =	simm.s32 $0x0  }
0x5: {  	s7 =	simm.s32 $0x0;
	s9 =	simm.s32 $0x0;
	s10 =	simm.s32 $0x0  }
.Ltmp0:
0x6: {  	s11 =	simm.s32 $0x0;
	s13 =	simm.s32 $0x0;
	(pc) =	sbr.rel .LBB1_1-.Ltmp0, $4  }
0x7: {  	s5 =	sadd.s32 $0x272000, s0;
	s0 =	sadd.s32 $0xE00, s0;
	s29 =	sshll.u32 s1, $0x4  }
0x8: {  	s8 =	simm.s32 $0x0;
	[dreg:$0x3] =	wrdreg s0;
	s0 =	sand.u32 $0x10, s29  }
0x9: {  	[sflag:s2] =	ssyncpa.u1 $0x0;
	[dreg:$0x2] =	wrdreg s5;
	s6 =	sor.u32 s30, s0  }
0xa: {  	[sflag:s31] =	ssyncpa.u1 $0x0;
	s12 =	smov.u32 s6;
	[dreg:$0x4] =	wrdreg s6  }
.LBB1_14:
0xb: {  	s0 =	sshrl.u32 s9, $0x3;
	s1 =	sshll.u32 s10, $0x3  }
0xc: {  	p1 =	sgt.s32 s10, $0x1380;
	s2 =	smov.u32 s10;
	s22 =	sshll.u32 s9, $0x7  }
0xd: {  	s3 =	rddreg [dreg:$0x5];
	s23 =	sand.u32 $0x7F, s10;
	s0 =	smul.u32 $0xA000, s0  }
0xe: {  	s4 =	smul.u32 $0x810, s20;
	s1 =	sand.u32 $0xFFFFFC00, s1;
	s2 =	simm.s32 @!p1 $0x1380  }
0xf: {  	s2 =	sadd.s32 s3, s2;
	s0 =	sadd.s32 s1, s0;
	s1 =	sand.u32 $0x380, s22  }
0x10: {  	s5 =	smul.u32 $0x8C000, s7;
	s24 =	ssub.s32 $0x1400, s2;
	s1 =	sor.u32 s23, s1  }
0x11: {  	s2 =	sadd.s32 $0xFFFFEC80, s2;
	s3 =	smul.u32 $0xE, s24;
	s1 =	sor.u32 s0, s1  }
0x12: {  	p1 =	sgt.s32 s2, $0x7F;
	s25 =	smulhi.u32 $0xCCCCCCCD, s1  }
0x13: {  	s0 =	smulhi.u32 $0xCCCCCCCD, s0;
	s3 =	simm.s32 @p1 $0x0  }
0x14: {  	s27 =	rddreg [dreg:$0x3];
	s3 =	smul.u32 s19, s3;
	s2 =	sshrl.u32 s25, $0xC  }
0x15: {  	s31 =	simm.s32 $0x50000;
	s0 =	sshrl.u32 s0, $0xC;
	s2 =	smul.u32 $0x1400, s2  }
0x16: {  	s6 =	rddreg [dreg:$0x4];
	s0 =	sand.u32 $0x3F, s0;
	s3 =	smul.u32 s18, s3  }
0x17: {  	s4 =	sor.u32 $0x1000, s4;
	s0 =	smul.u32 $0x280, s0;
	s1 =	ssub.s32 s1, s2  }
0x18: {  	s26 =	sand.u32 $0x3FFFFFFE, s3;
	s3 =	sadd.s32 s27, s5;
	s28 =	sand.u32 $0x7, s1  }
0x19: {  	s1 =	sshrl.u32 s1, $0x3;
	s0 =	sadd.s32 s0, s3;
	s29 =	sshll.u32 s28, $0x12  }
0x1a: {  	s5 =	rddreg [dreg:$0x2];
	s0 =	sadd.s32 s1, s0;
	s30 =	sor.u32 $0x80, s29  }
0x1b: {  	[hbm4b:s0+s30] =	stream.strided.scatter [tilespmem:s4], [sflag:$0x2], s26, s31, s30, $0x20;
	[tilespmem:$0x2020] =	vst v63  }
.LBB1_15:
0x1c: {  	p1 =	slt.u32 s8, $0x2  }
0x1d: {  	s0 =	smov.u32 s16;
	s3 =	smov.u32 s14;
	p2 =	sgt.s32 @!p1 s16, $0x3  }
0x1e: {  	s1 =	sshra.s32 @!p1 s16, $0x1F;
	s2 =	sshra.s32 @!p1 s15, $0x1F;
	p2 =	por !p2, p1  }
0x1f: {  	s1 =	sand.u32 @!p1 s1, s16;
	s0 =	simm.s32 @p2 $0x3;
	p2 =	sgt.s32 @!p1 s15, $0x3F  }
0x20: {  	s0 =	ssub.s32 @!p1 s0, s1;
	p2 =	por !p2, p1;
	s1 =	smov.u32 s15  }
0x21: {  	s2 =	sand.u32 @!p1 s2, s15;
	s1 =	simm.s32 @p2 $0x3F;
	p2 =	sgt.s32 @!p1 s14, $0x1380  }
0x22: {  	s4 =	sshra.s32 @!p1 s14, $0x1F;
	p2 =	por !p2, p1;
	s1 =	ssub.s32 @!p1 s1, s2  }
0x23: {  	s2 =	sand.u32 @!p1 s4, s14;
	s4 =	sadd.s32 @!p1 $0xFFFFFFFD, s0;
	s3 =	simm.s32 @p2 $0x1380  }
0x24: {  	s0 =	ssub.s32 @!p1 $0x4, s0;
	s2 =	ssub.s32 @!p1 s3, s2;
	s3 =	sadd.s32 @!p1 $0xFFFFFFC1, s1  }
0x25: {  	s0 =	smul.u32 @!p1 $0xE, s0;
	p2 =	sgt.s32 @!p1 s3, $0x0;
	s3 =	sadd.s32 @!p1 $0xFFFFEC80, s2  }
0x26: {  	s1 =	ssub.s32 @!p1 $0x40, s1;
	p2 =	por !p2, p1;
	p3 =	sgt.s32 @!p1 s3, $0x7F  }
0x27: {  	s2 =	ssub.s32 @!p1 $0x1400, s2;
	s1 =	simm.s32 @!p2 $0x0;
	p2 =	por !p3, p1  }
0x28: {  	s3 =	sadd.s32 $0x20, s12;
	p3 =	sgt.s32 @!p1 s4, $0x0;
	s2 =	simm.s32 @!p2 $0x0  }
0x29: {  	p2 =	por !p3, p1;
	s1 =	smul.u32 @!p1 s2, s1;
	s2 =	sadd.s32 $0x1, s11  }
0x2a: {  	s4 =	smov.u32 s12;
	s0 =	simm.s32 @!p2 $0x0;
	p2 =	sgt.s32 s2, $0x3  }
0x2b: {  	s0 =	smul.u32 @!p1 s0, s1;
	s4 =	smov.u32 @p2 s3  }
0x2c: {  	s1 =	sadd.s32 $0x80, s13;
	s3 =	smov.u32 s13;
	p3 =	sgt.s32 s4, $0x3F  }
0x2d: {  	s8 =	sadd.s32 $0x1, s8;
	p0 =	por !p0, !p0;
	s3 =	smov.u32 @p3 s1  }
0x2e: {  	s16 =	smov.u32 s7;
	s2 =	simm.s32 @p2 $0x0;
	p2 =	sgt.s32 s3, $0x1387  }
0x2f: {  	s7 =	smov.u32 s11;
	s3 =	simm.s32 @p2 $0x0;
	p2 =	sne.s32 s8, $0x142  }
.Ltmp1:
0x30: {  	s15 =	smov.u32 s9;
	s9 =	smov.u32 s12;
	(pc) =	sbr.rel @!p2 .LBB1_16-.Ltmp1, $4  }
0x31: {  	s14 =	smov.u32 s10;
	s0 =	sand.u32 @!p1 $0x3FFFFFFE, s0;
	s1 =	simm.s32 @!p1 $0x2  }
0x32: {  	s10 =	smov.u32 s13;
	s11 =	smov.u32 s2;
	_ =	swait.ge @!p1 [sflag:s1], s0  }
0x33: {  	s4 =	smov.u32 @p3 s6;
	s0 =	ssub.s32 @!p1 $0x0, s0;
	[sflag:s1] =	ssyncset.done @!p1 $0x0  }
0x34: {  	s12 =	smov.u32 s4;
	[sflag:s1] =	ssyncadd.s32 @!p1 s0;
	s13 =	smov.u32 s3  }
.LBB1_1:
0x35: {  	p1 =	sgt.u32 s8, $0x13F;
	s0 =	smov.u32 s13  }
0x36: {  	s3 =	smov.u32 s12;
	p2 =	sgt.s32 @!p1 s13, $0x1308;
	s1 =	sxor.u32 @!p1 $0xFFFFFFFF, s8  }
0x37: {  	s2 =	sshra.s32 @!p1 s13, $0x1F;
	s4 =	sshra.s32 @!p1 s12, $0x1F;
	p2 =	por !p2, p1  }
0x38: {  	s2 =	sand.u32 @!p1 s2, s13;
	s0 =	simm.s32 @p2 $0x1308;
	p2 =	sgt.s32 @!p1 s12, $0x3F  }
0x39: {  	s4 =	sand.u32 @!p1 s4, s12;
	s1 =	sshll.u32 @!p1 s1, $0xB;
	p2 =	por !p2, p1  }
0x3a: {  	s1 =	sand.u32 @!p1 $0x800, s1;
	s0 =	ssub.s32 @!p1 s0, s2;
	s3 =	simm.s32 @p2 $0x3F  }
0x3b: {  	p2 =	sgt.s32 @!p1 s11, $0x3;
	s0 =	sadd.s32 @!p1 $0xFFFFECF8, s0;
	s2 =	ssub.s32 @!p1 s3, s4  }
0x3c: {  	p2 =	por !p2, p1;
	s4 =	smov.u32 s11;
	s3 =	sadd.s32 @!p1 $0xFFFFFFC1, s2  }
0x3d: {  	s4 =	simm.s32 @p2 $0x3;
	p3 =	sgt.s32 @!p1 s3, $0x0;
	s3 =	sshra.s32 @!p1 s11, $0x1F  }
0x3e: {  	p2 =	sgt.s32 @!p1 s0, $0x7F;
	s0 =	sshll.u32 @!p1 s0, $0x4;
	s3 =	sand.u32 @!p1 s3, s11  }
0x3f: {  	s2 =	ssub.s32 @!p1 $0x40, s2;
	s0 =	ssub.s32 @!p1 $0x800, s0;
	s3 =	ssub.s32 @!p1 s4, s3  }
0x40: {  	p2 =	por !p2, p1;
	p3 =	por !p3, p1;
	s4 =	sadd.s32 @!p1 $0xFFFFFFFD, s3  }
0x41: {  	s0 =	simm.s32 @!p2 $0x0;
	s2 =	simm.s32 @!p3 $0x0;
	p3 =	sgt.s32 @!p1 s4, $0x0  }
0x42: {  	s3 =	ssub.s32 @!p1 $0x4, s3;
	s0 =	smul.u32 @!p1 s2, s0;
	p2 =	por !p3, p1  }
0x43: {  	s2 =	sshll.u32 @!p1 s13, $0xC;
	s4 =	sshll.u32 @!p1 s11, $0x4;
	s3 =	simm.s32 @!p2 $0x0  }
0x44: {  	s2 =	sadd.s32 @!p1 s5, s2;
	s0 =	smul.u32 @!p1 s3, s0;
	s3 =	sshll.u32 @!p1 s12, $0x6  }
0x45: {  	s4 =	sand.u32 @!p1 $0x30, s4;
	s2 =	sadd.s32 @!p1 s3, s2;
	s3 =	simm.s32 @!p1 $0x10  }
0x46: {  	s0 =	sand.u32 @!p1 $0x3FFFFFF0, s0;
	s2 =	sadd.s32 @!p1 s4, s2;
	s4 =	simm.s32 @!p1 $0x8000  }
0x47: {  	[tilespmem:s1], [sflag:$0x1] =	stream.strided.gather @!p1 [hbm4b:s2+s3], s0, s4, s3, $0x38;
	[tilespmem:$0x2020] =	vst v63  }
0x48: {  	p1 =	seq.s32 s8, $0x0  }
0x49: {  	p2 =	seq.s32 @!p1 s8, $0x141  }
0x4a: {  	p1 =	por p1, p2  }
.Ltmp2:
0x4b: {  	_ = 	snop;
	(pc) =	sbr.rel @p1 .LBB1_15-.Ltmp2, $1  }
0x4c: {  	_ =	sdelay $0x3  }
0x4d: {  	s0 =	ssub.s32 $0x0, s10;
	s1 =	sshra.s32 s10, $0x1F;
	p1 =	sgt.s32 s9, $0x3F  }
0x4e: {  	p2 =	sgt.s32 s10, $0x1308;
	s24 =	sshra.s32 s9, $0x1F;
	s2 =	smov.u32 s7  }
0x4f: {  	s3 =	sshra.s32 s7, $0x1F;
	s4 =	smov.u32 s10;
	s5 =	sand.u32 s0, s1  }
0x50: {  	s0 =	smov.u32 s9;
	s1 =	sand.u32 s24, s9;
	s25 =	sand.u32 s3, s7  }
0x51: {  	s4 =	simm.s32 @!p2 $0x1308;
	s0 =	simm.s32 @!p1 $0x3F;
	p1 =	sgt.s32 s7, $0x3  }
0x52: {  	s27 =	sadd.s32 s5, s4;
	s0 =	ssub.s32 s0, s1;
	s2 =	simm.s32 @!p1 $0x3  }
0x53: {  	s29 =	sadd.s32 $0xFFFFECF8, s27;
	s26 =	sadd.s32 $0xFFFFFFC1, s0;
	s1 =	ssub.s32 s2, s25  }
0x54: {  	s19 =	ssub.s32 $0x40, s0;
	s0 =	ssub.s32 $0x1388, s27;
	s2 =	sadd.s32 $0x80, s10  }
0x55: {  	p1 =	sgt.s32 s26, $0x0;
	s28 =	sadd.s32 $0xFFFFFFFD, s1;
	s18 =	ssub.s32 $0x4, s1  }
0x56: {  	s1 =	sadd.s32 $0x1, s9;
	s19 =	simm.s32 @p1 $0x0;
	p1 =	sgt.s32 s29, $0x7F  }
0x57: {  	p2 =	sgt.s32 s28, $0x0;
	s0 =	simm.s32 @p1 $0x0;
	p1 =	slt.s32 s2, $0x1388  }
0x58: {  	s18 =	simm.s32 @p2 $0x0;
	s2 =	simm.s32 @!p1 $0x1388;
	p1 =	slt.s32 s1, $0x40  }
0x59: {  	s30 =	smul.u32 s19, s18;
	s21 =	ssub.s32 s2, s10;
	s1 =	simm.s32 @!p1 $0x40  }
0x5a: {  	s22 =	ssub.s32 s1, s9;
	p3 =	slt.s32 s21, $0x1  }
0x5b: {  	s0 =	smul.u32 s0, s30;
	p1 =	slt.s32 @!p3 s22, $0x1  }
0x5c: {  	p1 =	por p3, p1  }
.Ltmp3:
0x5d: {  	s0 =	sshll.u32 s0, $0x4;
	(pc) =	sbr.rel @p1 .LBB1_14-.Ltmp3, $4  }
0x5e: {  	s31 =	simm.s32 $0x1;
	[dreg:$0x5] =	wrdreg s5;
	s0 =	sand.u32 $0x3FFFFFF0, s0  }
0x5f: {  	_ =	swait.ge [sflag:s31], s0  }
0x60: {  	s0 =	ssub.s32 $0x0, s0;
	[sflag:s31] =	ssyncset.done $0x0  }
0x61: {  	s20 =	sand.u32 $0x1, s8;
	[sflag:s31] =	ssyncadd.s32 s0  }
0x62: {  	s0 =	sadd.s32 $0x1, s7  }
0x63: {  	p1 =	slt.s32 s0, $0x4  }
0x64: {  	s0 =	simm.s32 @!p1 $0x4  }
0x65: {  	s23 =	ssub.s32 s0, s7  }
0x66: {  	s0 =	sshra.s32 @!p3 s23, $0x1F  }
0x67: {  	s1 =	simm.s32 $0x1;
	s0 =	sshrl.u32 @!p3 s0, $0x1D  }
0x68: {  	s1 =	simm.s32 @!p0 $0x0;
	s0 =	sadd.s32 @!p3 s0, s23  }
0x69: {  	s1 =	smul.u32 $0x2040, s1;
	s24 =	sand.u32 @!p3 $0xFFFFFFF8, s0  }
0x6a: {  	s0 =	smul.u32 $0x2040, s24  }
.Ltmp4:
0x6b: {  	_ = 	snop;
	(pc) =	sbr.rel .LBB1_4-.Ltmp4, $4  }
0x6c: {  	s25 =	sshll.u32 @!p3 s20, $0xB;
	s29 =	simm.s32 $0x0;
	s3 =	sshrl.u32 s1, $0x2  }
0x6d: {  	s30 =	simm.s32 $0x0;
	s26 =	sadd.s32 $0x4870, s3;
	s0 =	sadd.s32 s1, s0  }
0x6e: {  	s2 =	ssub.s32 @!p3 s23, s24;
	p1 =	slt.s32 s24, $0x1;
	s0 =	sshra.s32 s0, $0x2  }
0x6f: {  	v0 =	vmov @!p3 s25;
	p2 =	sge.s32 s24, s23;
	s27 =	ssub.s32 $0x0, s2;
	s28 =	sadd.s32 $0x1000, s0  }
.LBB1_13:
0x70: {  	s30 =	sadd.s32 $0x1, s30  }
0x71: {  	p3 =	sne.s32 s30, s21  }
.Ltmp5:
0x72: {  	_ = 	snop;
	(pc) =	sbr.rel @!p3 .LBB1_14-.Ltmp5, $2  }
0x73: {  	_ =	sdelay $0x2  }
0x74: {  	s29 =	sadd.s32 $0x1, s29  }
.LBB1_4:
.Ltmp6:
0x75: {  	(pc) =	sbr.rel .LBB1_5-.Ltmp6, $3  }
0x76: {  	_ =	sdelay $0x1  }
0x77: {  	s0 =	sand.u32 $0x7F, s29;
	s1 =	simm.s32 $0x0  }
0x78: {  	s6 =	simm.s32 $0x0;
	s31 =	sadd.s32 s0, s26;
	s0 =	sadd.s32 s0, s28  }
.LBB1_12:
0x79: {  	s6 =	sadd.s32 $0x1, s6  }
0x7a: {  	p3 =	sne.s32 s6, s22  }
.Ltmp7:
0x7b: {  	_ = 	snop;
	(pc) =	sbr.rel @!p3 .LBB1_13-.Ltmp7, $2  }
0x7c: {  	_ =	sdelay $0x2  }
0x7d: {  	s1 =	sadd.s32 $0x1, s1  }
.LBB1_5:
.Ltmp8:
0x7e: {  	(pc) =	sbr.rel @p1 .LBB1_9-.Ltmp8, $3  }
0x7f: {  	s2 =	sand.u32 $0x7, s1  }
0x80: {  	s2 =	smul.u32 $0x204, s2;
	_ =	sdelay $0x1  }
0x81: {  	s3 =	sadd.s32 s30, s6;
	s4 =	sshrl.u32 s2, $0x2  }
0x82: {  	s2 =	sshll.u32 s3, $0x6  }
0x83: {  	s5 =	sshra.s32 s2, $0x2  }
0x84: {  	s5 =	sadd.s32 s5, s25  }
0x85: {  	v1 =	vld [tilespmem:s5+$0x30]  }
0x86: {  	v2 =	vld [tilespmem:s5+$0x0]  }
0x87: {  	p3 =	sgt.s32 s24, $0x8;
	v3 =	vld [tilespmem:s5+$0x10]  }
.Ltmp9:
0x88: {  	v4 =	vld [tilespmem:s5+$0x20];
	(pc) =	sbr.rel @!p3 .LBB1_8-.Ltmp9, $4  }
0x89: {  	s2 =	sadd.s32 s4, s31  }
0x8a: {  	[tilespmem:s2+$0x0 ss:$0x81] =	vst.msk $0xffff, v1  }
0x8b: {  	[tilespmem:s2+$0xFFFFC790 ss:$0x81] =	vst.msk $0xffff, v2  }
0x8c: {  	s17 =	simm.s32 $0x8;
	[tilespmem:s2+$0xFFFFCFA0 ss:$0x81] =	vst.msk $0xffff, v3  }
.LBB1_7:
0x8d: {  	v5 =	vld [tilespmem:s5+$0x30];
	s17 =	sadd.s32 $0x8, s17;
	[tilespmem:s2+$0xFFFFD7B0 ss:$0x81] =	vst.msk $0xffff, v4;
	v6 =	vmov v4  }
0x8e: {  	v7 =	vld [tilespmem:s5+$0x0];
	p3 =	slt.s32 s17, s24;
	[tilespmem:s2+$0xFFFFDFC0 ss:$0x81] =	vst.msk $0xffff, v1  }
0x8f: {  	v8 =	vld [tilespmem:s5+$0x10];
	[tilespmem:s2+$0xFFFFE7D0 ss:$0x81] =	vst.msk $0xffff, v2  }
.Ltmp10:
0x90: {  	v4 =	vld [tilespmem:s5+$0x20];
	[tilespmem:s2+$0xFFFFEFE0 ss:$0x81] =	vst.msk $0xffff, v3;
	(pc) =	sbr.rel @p3 .LBB1_7-.Ltmp10, $4  }
0x91: {  	[tilespmem:s2+$0xFFFFF7F0 ss:$0x81] =	vst.msk $0xffff, v6;
	s2 =	sadd.s32 $0x4080, s2  }
0x92: {  	[tilespmem:s2+$0x0 ss:$0x81] =	vst.msk $0xffff, v5;
	v1 =	vmov v5  }
0x93: {  	[tilespmem:s2+$0xFFFFC790 ss:$0x81] =	vst.msk $0xffff, v7;
	v2 =	vmov v7  }
0x94: {  	[tilespmem:s2+$0xFFFFCFA0 ss:$0x81] =	vst.msk $0xffff, v8;
	v3 =	vmov v8  }
.LBB1_8:
0x95: {  	[tilespmem:s2+$0xFFFFD7B0 ss:$0x81] =	vst.msk $0xffff, v4  }
0x96: {  	[tilespmem:s2+$0xFFFFDFC0 ss:$0x81] =	vst.msk $0xffff, v1  }
0x97: {  	[tilespmem:s2+$0xFFFFE7D0 ss:$0x81] =	vst.msk $0xffff, v2  }
0x98: {  	[tilespmem:s2+$0xFFFFEFE0 ss:$0x81] =	vst.msk $0xffff, v3  }
0x99: {  	[tilespmem:s2+$0xFFFFF7F0 ss:$0x81] =	vst.msk $0xffff, v4  }
.LBB1_9:
.Ltmp11:
0x9a: {  	(pc) =	sbr.rel @p2 .LBB1_12-.Ltmp11, $1  }
0x9b: {  	_ =	sdelay $0x3  }
0x9c: {  	s2 =	sadd.s32 s4, s0;
	s4 =	smov.u32 s27  }
.LBB1_11:
0x9d: {  	s5 =	sadd.s32 s4, s23  }
0x9e: {  	s5 =	sand.u32 $0x3, s5  }
0x9f: {  	s5 =	sadd.s32 s5, s3  }
0xa0: {  	s5 =	sshll.u32 s5, $0x6  }
0xa1: {  	s4 =	sadd.s32 $0x1, s4;
	s5 =	sshra.s32 s5, $0x2  }
0xa2: {  	p3 =	seq.s32 s4, $0x0;
	v1 =	vld.idx.msk [tilespmem:v0+s5+$0x0 ss:$0x1], $0xffff  }
.Ltmp12:
0xa3: {  	_ = 	snop;
	(pc) =	sbr.rel @!p3 .LBB1_11-.Ltmp12, $2  }
0xa4: {  	_ =	sdelay $0x2  }
0xa5: {  	[tilespmem:s2+$0x0 ss:$0x81] =	vst.msk $0xffff, v1;
	s2 =	sadd.s32 $0x810, s2  }
.Ltmp13:
0xa6: {  	_ = 	snop;
	(pc) =	sbr.rel .LBB1_12-.Ltmp13, $1  }
0xa7: {  	_ =	sdelay $0x3  }
.LBB1_16:
0xa8: {  	_ =	sfence.sel $0x180000  }
0xa9: {  	s0 =	simm.s32 $0x1;
	[bflag:$0x0] =	sbarrier.arrive $0xFFFF  }
0xaa: {  	s30 =	simm.s32 $0x2;
	[sflag:s0] =	ssyncpa.u1 $0x1  }
0xab: {  	[sflag:s30] =	ssyncpa.u1 $0x1  }
0xac: {  	_ =	strace $0x9000004D  }
0xad: {  	s31 =	stileid.u32;
	[bflag:$0x2] =	sbarrier.arrive $0xFFFF  }
0xae: {  	p0 =	sne.s32 s31, $0x0;
	s0 =	rddreg [dreg:$0x1]  }
0xaf: {  	s0 =	sadd.s32 @!p0 $0x100000, s0  }
0xb0: {  	[sflag:s0] =	ssyncadd.tile.s32 @!p0 $0x1;
	_ =	shalt  }
.Lfunc_end1:
_tile_overlayer_lowered:
.L_overlay_start_2:
0xb1: {  	(tag) =	ssettag $0x2  }
0xb2: {  	s0 =	rddreg [dreg:$0x0];
	s2 =	stileid.u32  }
0xb3: {  	s1 =	rddreg [dreg:$0x1];
	p0 =	sne.s32 s2, $0x0  }
0xb4: {  	s3 =	rddreg [dreg:$0x2];
	[bflag:$0x3] =	sbarrier.arrive $0xFFFF;
	s2 =	simm.s32 @!p0 $0x1C01  }
0xb5: {  	[timem:s3], [sflag:s2] =	dma.local @!p0 [hbm:s0], s1  }
0xb6: {  	s0 =	simm.s32 @!p0 $0x1  }
0xb7: {  	_ =	swait.ge @!p0 [sflag:s0], s1  }
0xb8: {  	s1 =	ssub.s32 @!p0 $0x0, s1;
	[sflag:s0] =	ssyncset.done @!p0 $0x0  }
0xb9: {  	[sflag:s0] =	ssyncadd.s32 @!p0 s1  }
0xba: {  	[bflag:$0x3] =	sbarrier.arrive $0xFFFF  }
0xbb: {  	_ =	shalt  }

</sc_bundles>
